<compile_context>
chip_gen: v7x
topology: tpu7x:2x2x1
jax: 0.10.2.dev20260603
libtpu: 0.0.44.dev20260713+nightly
codegen_flags: <defaults>
</compile_context>

<pallas_src>
import functools

import jax
import jax.numpy as jnp
from jax import lax
from jax.experimental import pallas as pl
from jax.experimental.pallas import tpu as pltpu
from jax.experimental.pallas import tpu_sc as plsc

_PAD = 1
_V = 100000
_D = 128
_B = 4096
_L = 200
_CH = 64
_NCH = 4
_NG = _CH // 16
_MV_BLK = 2000


def _matvec_body(emb_ref, wr_ref, out_ref):
    out_ref[...] = jnp.dot(emb_ref[...], wr_ref[...],
                           preferred_element_type=jnp.float32)


def _tc_matvec(emb, wr):
    return pl.pallas_call(
        _matvec_body,
        grid=(_V // _MV_BLK,),
        in_specs=[
            pl.BlockSpec((_MV_BLK, _D), lambda i: (i, 0)),
            pl.BlockSpec((_D, 2), lambda i: (0, 0)),
        ],
        out_specs=pl.BlockSpec((_MV_BLK, 2), lambda i: (i, 0)),
        out_shape=jax.ShapeDtypeStruct((_V, 2), jnp.float32),
    )(emb, wr)


def _make_sc_pool():
    mesh = plsc.VectorSubcoreMesh(core_axis_name="c", subcore_axis_name="s")

    @functools.partial(
        pl.kernel,
        mesh=mesh,
        compiler_params=pltpu.CompilerParams(needs_layout_passes=False),
        out_type=jax.ShapeDtypeStruct((2, _B), jnp.float32),
        scratch_types=[
            pltpu.VMEM((_V,), jnp.float32),
            pltpu.VMEM((_CH, _L), jnp.int32),
            pltpu.VMEM((_CH,), jnp.float32),
        ],
    )
    def sc_pool(tables_hbm, src_hbm, trg_hbm, out_hbm, table_v, tok_v, part_v):
        c = lax.axis_index("c")
        s = lax.axis_index("s")
        pltpu.sync_copy(tables_hbm.at[c], table_v)

        def pool_side(toks_hbm, side):
            for j in range(_NCH):
                k = s * _NCH + j
                pltpu.sync_copy(toks_hbm.at[k], tok_v)
                for g in range(_NG):
                    rows = jnp.full((16,), g * 16, jnp.int32) + lax.iota(
                        jnp.int32, 16)

                    def body(l, carry, rows=rows):
                        acc, cnt = carry
                        col = jnp.full((16,), l, jnp.int32)
                        tok = plsc.load_gather(tok_v, [rows, col])
                        val = plsc.load_gather(table_v, [tok])
                        m = tok != _PAD
                        zero = jnp.zeros((16,), jnp.float32)
                        return (acc + jnp.where(m, val, zero),
                                cnt + jnp.where(m,
                                                jnp.ones((16,), jnp.float32),
                                                zero))

                    acc, cnt = lax.fori_loop(
                        0, _L, body,
                        (jnp.zeros((16,), jnp.float32),
                         jnp.zeros((16,), jnp.float32)))
                    part_v[pl.ds(g * 16, 16)] = acc / cnt
                pltpu.sync_copy(part_v,
                                out_hbm.at[side, pl.ds(k * _CH, _CH)])

        @pl.when(c == 0)
        def _():
            pool_side(src_hbm, 0)

        @pl.when(c == 1)
        def _():
            pool_side(trg_hbm, 1)

    return sc_pool


_sc_pool = _make_sc_pool()


def _combine_body(parts_ref, b_ref, out_ref):
    x = parts_ref[0, :] + parts_ref[1, :] + b_ref[0]
    out_ref[...] = 1.0 / (1.0 + jnp.exp(-x))


def _tc_combine(parts, b):
    return pl.pallas_call(
        _combine_body,
        in_specs=[
            pl.BlockSpec((2, _B), lambda: (0, 0)),
            pl.BlockSpec(memory_space=pltpu.SMEM),
        ],
        out_shape=jax.ShapeDtypeStruct((_B,), jnp.float32),
    )(parts, b)


def kernel(src_tokens, trg_tokens, emb, w, b):
    wr = jnp.concatenate([w[:_D], w[_D:]], axis=1)
    tables = _tc_matvec(emb, wr).T
    src = src_tokens.astype(jnp.int32).reshape(_B // _CH, _CH, _L)
    trg = trg_tokens.astype(jnp.int32).reshape(_B // _CH, _CH, _L)
    parts = _sc_pool(tables, src, trg)
    score = _tc_combine(parts, b)
    return score.reshape(_B, 1)

# --- scband reference (transcript-rebuilt; emitter-appended) ---
"""Pipeline reference for scband-ave-emb-actor-35734127902941 (READ-ONLY COPY).

The authoritative reference and input builder live on the scoring server;
editing this copy changes nothing except your own understanding.
"""

import jax, jax.numpy as jnp
import numpy as np

PAD = 1
VOCAB = 100000
EMBED_DIM = 128
B = 4096
L = 200

def setup_inputs(seed: int = 0) -> dict:
    key = jax.random.key(seed)
    k1, k2, k3, k4 = jax.random.split(key, 4)
    src_tokens = jax.random.randint(k1, (B, L), 0, VOCAB)
    trg_tokens = jax.random.randint(k2, (B, L), 0, VOCAB)
    emb = jax.random.uniform(k3, (VOCAB, EMBED_DIM), minval=-0.1, maxval=0.1, dtype=jnp.float32)
    emb = emb.at[PAD].set(0.0)
    w = jax.random.normal(k4, (2 * EMBED_DIM, 1), dtype=jnp.float32) * 0.05
    b = jnp.zeros((1,), dtype=jnp.float32)
    return {"src_tokens": src_tokens, "trg_tokens": trg_tokens, "emb": emb, "w": w, "b": b}

def reference(src_tokens, trg_tokens, emb, w, b):
    def avg_embed(tokens):
        mask = (tokens != PAD)
        word_count = mask.sum(axis=-1, keepdims=True)
        e = jnp.take(emb, tokens, axis=0) * mask[..., None].astype(jnp.float32)
        return e.sum(axis=1) / word_count.astype(jnp.float32)
    x = avg_embed(src_tokens)
    y = avg_embed(trg_tokens)
    inp = jnp.concatenate([x, y], axis=-1)
    score = jax.nn.sigmoid(inp @ w + b)
    return score

if __name__ == "__main__":
    import jax
    _d = setup_inputs()
    print(jax.jit(kernel)(*tuple(_d.values())))

</pallas_src>

<mosaic_0001>
#map = affine_map<(d0, d1) -> (0, 0)>
#map1 = affine_map<(d0, d1) -> (0, 0, 0)>
module attributes {stable_mosaic.version = 14 : i64} {
  func.func @sc_pool(%arg0: i32, %arg1: i32, %arg2: memref<2x100000xf32, #tpu.memory_space<hbm>>, %arg3: memref<64x64x200xi32, #tpu.memory_space<hbm>>, %arg4: memref<64x64x200xi32, #tpu.memory_space<hbm>>, %arg5: memref<2x4096xf32, #tpu.memory_space<hbm>>, %arg6: memref<100000xf32, #tpu.memory_space<vmem>>, %arg7: memref<64x200xi32, #tpu.memory_space<vmem>>, %arg8: memref<64xf32, #tpu.memory_space<vmem>>) attributes {dimension_semantics = [#tpu.dimension_semantics<core_parallel>, #tpu.dimension_semantics<subcore_parallel>], iteration_bounds = array<i64: 2, 16>, scalar_prefetch = 0 : i64, scratch_operands = 3 : i64, tpu.core_type = #tpu.core_type<sc_vector_subcore>, window_params = [{transform_indices = #map}, {transform_indices = #map1}, {transform_indices = #map1}, {transform_indices = #map}]} {
    "tpu.region"() ({
      %run_scoped3A = tpu.sem_alloc : memref<!tpu.dma_semaphore, #tpu.memory_space<semaphore_mem>>
      %dma_start3A = arith.constant 0 : i32
      %dma_start3A_7 = tpu.memref_slice %arg2[%arg0, %dma_start3A] : memref<2x100000xf32, #tpu.memory_space<hbm>> -> memref<1x100000xf32, #tpu.memory_space<hbm>>
      %dma_start3A_8 = tpu.memref_squeeze %dma_start3A_7 : memref<1x100000xf32, #tpu.memory_space<hbm>> -> memref<100000xf32, #tpu.memory_space<hbm>>
      %dma_start3A_9 = arith.constant 0 : i32
      %dma_start3A_10 = tpu.memref_slice %arg2[%arg0, %dma_start3A_9] : memref<2x100000xf32, #tpu.memory_space<hbm>> -> memref<1x100000xf32, #tpu.memory_space<hbm>>
      %dma_start3A_11 = tpu.memref_squeeze %dma_start3A_10 : memref<1x100000xf32, #tpu.memory_space<hbm>> -> memref<100000xf32, #tpu.memory_space<hbm>>
      tpu.enqueue_dma source(%dma_start3A_11 : memref<100000xf32, #tpu.memory_space<hbm>>) target(%arg6 : memref<100000xf32, #tpu.memory_space<vmem>>) target_semaphore(%run_scoped3A : memref<!tpu.dma_semaphore, #tpu.memory_space<semaphore_mem>>)
      %dma_wait3A = arith.constant 0 : i32
      %dma_wait3A_12 = tpu.memref_slice %arg2[%arg0, %dma_wait3A] : memref<2x100000xf32, #tpu.memory_space<hbm>> -> memref<1x100000xf32, #tpu.memory_space<hbm>>
      %dma_wait3A_13 = tpu.memref_squeeze %dma_wait3A_12 : memref<1x100000xf32, #tpu.memory_space<hbm>> -> memref<100000xf32, #tpu.memory_space<hbm>>
      %dma_wait3A_14 = arith.constant 0 : i32
      %dma_wait3A_15 = tpu.memref_slice %arg2[%arg0, %dma_wait3A_14] : memref<2x100000xf32, #tpu.memory_space<hbm>> -> memref<1x100000xf32, #tpu.memory_space<hbm>>
      %dma_wait3A_16 = tpu.memref_squeeze %dma_wait3A_15 : memref<1x100000xf32, #tpu.memory_space<hbm>> -> memref<100000xf32, #tpu.memory_space<hbm>>
      tpu.wait_dma2 semaphore(%run_scoped3A : memref<!tpu.dma_semaphore, #tpu.memory_space<semaphore_mem>>) src(%dma_wait3A_16 : memref<100000xf32, #tpu.memory_space<hbm>>) dst(%arg6 : memref<100000xf32, #tpu.memory_space<vmem>>)
      tpu.yield
    }) : () -> ()
    %eq3A = arith.constant 0 : i32
    %eq3A_0 = arith.cmpi eq, %arg0, %eq3A : i32
    %convert_element_type3A = arith.extui %eq3A_0 : i1 to i32
    %cond3A = arith.constant 0 : i32
    %cond3A_1 = arith.cmpi ne, %convert_element_type3A, %cond3A : i32
    scf.if %cond3A_1 {
      %mul3A = arith.constant 4 : i32
      %mul3A_7 = arith.muli %arg1, %mul3A : i32
      %add3A = arith.constant 0 : i32
      %add3A_8 = arith.addi %mul3A_7, %add3A : i32
      "tpu.region"() ({
        %run_scoped3A_299 = tpu.sem_alloc : memref<!tpu.dma_semaphore, #tpu.memory_space<semaphore_mem>>
        %dma_start3A = arith.constant 0 : i32
        %dma_start3A_300 = arith.constant 0 : i32
        %dma_start3A_301 = tpu.memref_slice %arg3[%add3A_8, %dma_start3A, %dma_start3A_300] : memref<64x64x200xi32, #tpu.memory_space<hbm>> -> memref<1x64x200xi32, #tpu.memory_space<hbm>>
        %dma_start3A_302 = tpu.memref_squeeze %dma_start3A_301 : memref<1x64x200xi32, #tpu.memory_space<hbm>> -> memref<64x200xi32, #tpu.memory_space<hbm>>
        %dma_start3A_303 = arith.constant 0 : i32
        %dma_start3A_304 = arith.constant 0 : i32
        %dma_start3A_305 = tpu.memref_slice %arg3[%add3A_8, %dma_start3A_303, %dma_start3A_304] : memref<64x64x200xi32, #tpu.memory_space<hbm>> -> memref<1x64x200xi32, #tpu.memory_space<hbm>>
        %dma_start3A_306 = tpu.memref_squeeze %dma_start3A_305 : memref<1x64x200xi32, #tpu.memory_space<hbm>> -> memref<64x200xi32, #tpu.memory_space<hbm>>
        tpu.enqueue_dma source(%dma_start3A_306 : memref<64x200xi32, #tpu.memory_space<hbm>>) target(%arg7 : memref<64x200xi32, #tpu.memory_space<vmem>>) target_semaphore(%run_scoped3A_299 : memref<!tpu.dma_semaphore, #tpu.memory_space<semaphore_mem>>)
        %dma_wait3A = arith.constant 0 : i32
        %dma_wait3A_307 = arith.constant 0 : i32
        %dma_wait3A_308 = tpu.memref_slice %arg3[%add3A_8, %dma_wait3A, %dma_wait3A_307] : memref<64x64x200xi32, #tpu.memory_space<hbm>> -> memref<1x64x200xi32, #tpu.memory_space<hbm>>
        %dma_wait3A_309 = tpu.memref_squeeze %dma_wait3A_308 : memref<1x64x200xi32, #tpu.memory_space<hbm>> -> memref<64x200xi32, #tpu.memory_space<hbm>>
        %dma_wait3A_310 = arith.constant 0 : i32
        %dma_wait3A_311 = arith.constant 0 : i32
        %dma_wait3A_312 = tpu.memref_slice %arg3[%add3A_8, %dma_wait3A_310, %dma_wait3A_311] : memref<64x64x200xi32, #tpu.memory_space<hbm>> -> memref<1x64x200xi32, #tpu.memory_space<hbm>>
        %dma_wait3A_313 = tpu.memref_squeeze %dma_wait3A_312 : memref<1x64x200xi32, #tpu.memory_space<hbm>> -> memref<64x200xi32, #tpu.memory_space<hbm>>
        tpu.wait_dma2 semaphore(%run_scoped3A_299 : memref<!tpu.dma_semaphore, #tpu.memory_space<semaphore_mem>>) src(%dma_wait3A_313 : memref<64x200xi32, #tpu.memory_space<hbm>>) dst(%arg7 : memref<64x200xi32, #tpu.memory_space<vmem>>)
        tpu.yield
      }) : () -> ()
      %broadcast_in_dim3A = arith.constant 0 : i32
      %broadcast_in_dim3A_9 = vector.broadcast %broadcast_in_dim3A : i32 to vector<16xi32>
      %iota3A = tpu.iota {dimensions = array<i32: 0>} : vector<16xi32>
      %add3A_10 = arith.addi %broadcast_in_dim3A_9, %iota3A : vector<16xi32>
      %broadcast_in_dim3A_11 = arith.constant 0.000000e+00 : f32
      %broadcast_in_dim3A_12 = vector.broadcast %broadcast_in_dim3A_11 : f32 to vector<16xf32>
      %broadcast_in_dim3A_13 = arith.constant 0.000000e+00 : f32
      %broadcast_in_dim3A_14 = vector.broadcast %broadcast_in_dim3A_13 : f32 to vector<16xf32>
      %scan3A = arith.constant 0 : i32
      %scan3A_15 = arith.constant 200 : i32
      %scan3A_16 = arith.addi %scan3A, %scan3A_15 : i32
      %scan3A_17 = arith.constant 1 : i32
      %scan3A_18:2 = scf.for %scan3A_299 = %scan3A to %scan3A_16 step %scan3A_17 iter_args(%scan3A_300 = %broadcast_in_dim3A_12, %scan3A_301 = %broadcast_in_dim3A_14) -> (vector<16xf32>, vector<16xf32>)  : i32 {
        %broadcast_in_dim3A_302 = vector.broadcast %scan3A_299 : i32 to vector<16xi32>
        %gather3A = tpu.vector_load_idx %arg7[%add3A_10, %broadcast_in_dim3A_302] : memref<64x200xi32, #tpu.memory_space<vmem>>[vector<16xi32>, vector<16xi32>], vector<16xi32>,
        %gather3A_303 = tpu.vector_load_idx %arg6[%gather3A] : memref<100000xf32, #tpu.memory_space<vmem>>[vector<16xi32>], vector<16xf32>,
        %ne3A = arith.constant 1 : i32
        %ne3A_304 = vector.broadcast %ne3A : i32 to vector<16xi32>
        %ne3A_305 = arith.cmpi ne, %gather3A, %ne3A_304 : vector<16xi32>
        %broadcast_in_dim3A_306 = arith.constant 0.000000e+00 : f32
        %broadcast_in_dim3A_307 = vector.broadcast %broadcast_in_dim3A_306 : f32 to vector<16xf32>
        %select_n3A = arith.select %ne3A_305, %gather3A_303, %broadcast_in_dim3A_307 : vector<16xi1>, vector<16xf32>
        %add3A_308 = arith.addf %scan3A_300, %select_n3A : vector<16xf32>
        %broadcast_in_dim3A_309 = arith.constant 1.000000e+00 : f32
        %broadcast_in_dim3A_310 = vector.broadcast %broadcast_in_dim3A_309 : f32 to vector<16xf32>
        %select_n3A_311 = arith.select %ne3A_305, %broadcast_in_dim3A_310, %broadcast_in_dim3A_307 : vector<16xi1>, vector<16xf32>
        %add3A_312 = arith.addf %scan3A_301, %select_n3A_311 : vector<16xf32>
        scf.yield %add3A_308, %add3A_312 : vector<16xf32>, vector<16xf32>
      }
      %scan3A_19 = arith.constant 200 : i32
      %div3A = arith.divf %scan3A_18#0, %scan3A_18#1 : vector<16xf32>
      %swap3A = arith.constant 0 : index
      %swap3A_20 = tpu.vector_load %arg8[%swap3A] {strides = array<i32>} : memref<64xf32, #tpu.memory_space<vmem>>, vector<16xf32>,
      tpu.vector_store %arg8[%swap3A], %div3A {strides = array<i32>} : memref<64xf32, #tpu.memory_space<vmem>>, vector<16xf32>,
      %broadcast_in_dim3A_21 = arith.constant 16 : i32
      %broadcast_in_dim3A_22 = vector.broadcast %broadcast_in_dim3A_21 : i32 to vector<16xi32>
      %iota3A_23 = tpu.iota {dimensions = array<i32: 0>} : vector<16xi32>
      %add3A_24 = arith.addi %broadcast_in_dim3A_22, %iota3A_23 : vector<16xi32>
      %broadcast_in_dim3A_25 = arith.constant 0.000000e+00 : f32
      %broadcast_in_dim3A_26 = vector.broadcast %broadcast_in_dim3A_25 : f32 to vector<16xf32>
      %broadcast_in_dim3A_27 = arith.constant 0.000000e+00 : f32
      %broadcast_in_dim3A_28 = vector.broadcast %broadcast_in_dim3A_27 : f32 to vector<16xf32>
      %scan3A_29 = arith.constant 0 : i32
      %scan3A_30 = arith.constant 200 : i32
      %scan3A_31 = arith.addi %scan3A_29, %scan3A_30 : i32
      %scan3A_32 = arith.constant 1 : i32
      %scan3A_33:2 = scf.for %scan3A_299 = %scan3A_29 to %scan3A_31 step %scan3A_32 iter_args(%scan3A_300 = %broadcast_in_dim3A_26, %scan3A_301 = %broadcast_in_dim3A_28) -> (vector<16xf32>, vector<16xf32>)  : i32 {
        %broadcast_in_dim3A_302 = vector.broadcast %scan3A_299 : i32 to vector<16xi32>
        %gather3A = tpu.vector_load_idx %arg7[%add3A_24, %broadcast_in_dim3A_302] : memref<64x200xi32, #tpu.memory_space<vmem>>[vector<16xi32>, vector<16xi32>], vector<16xi32>,
        %gather3A_303 = tpu.vector_load_idx %arg6[%gather3A] : memref<100000xf32, #tpu.memory_space<vmem>>[vector<16xi32>], vector<16xf32>,
        %ne3A = arith.constant 1 : i32
        %ne3A_304 = vector.broadcast %ne3A : i32 to vector<16xi32>
        %ne3A_305 = arith.cmpi ne, %gather3A, %ne3A_304 : vector<16xi32>
        %broadcast_in_dim3A_306 = arith.constant 0.000000e+00 : f32
        %broadcast_in_dim3A_307 = vector.broadcast %broadcast_in_dim3A_306 : f32 to vector<16xf32>
        %select_n3A = arith.select %ne3A_305, %gather3A_303, %broadcast_in_dim3A_307 : vector<16xi1>, vector<16xf32>
        %add3A_308 = arith.addf %scan3A_300, %select_n3A : vector<16xf32>
        %broadcast_in_dim3A_309 = arith.constant 1.000000e+00 : f32
        %broadcast_in_dim3A_310 = vector.broadcast %broadcast_in_dim3A_309 : f32 to vector<16xf32>
        %select_n3A_311 = arith.select %ne3A_305, %broadcast_in_dim3A_310, %broadcast_in_dim3A_307 : vector<16xi1>, vector<16xf32>
        %add3A_312 = arith.addf %scan3A_301, %select_n3A_311 : vector<16xf32>
        scf.yield %add3A_308, %add3A_312 : vector<16xf32>, vector<16xf32>
      }
      %scan3A_34 = arith.constant 200 : i32
      %div3A_35 = arith.divf %scan3A_33#0, %scan3A_33#1 : vector<16xf32>
      %swap3A_36 = arith.constant 16 : index
      %swap3A_37 = tpu.vector_load %arg8[%swap3A_36] {strides = array<i32>} : memref<64xf32, #tpu.memory_space<vmem>>, vector<16xf32>,
      tpu.vector_store %arg8[%swap3A_36], %div3A_35 {strides = array<i32>} : memref<64xf32, #tpu.memory_space<vmem>>, vector<16xf32>,
      %broadcast_in_dim3A_38 = arith.constant 32 : i32
      %broadcast_in_dim3A_39 = vector.broadcast %broadcast_in_dim3A_38 : i32 to vector<16xi32>
      %iota3A_40 = tpu.iota {dimensions = array<i32: 0>} : vector<16xi32>
      %add3A_41 = arith.addi %broadcast_in_dim3A_39, %iota3A_40 : vector<16xi32>
      %broadcast_in_dim3A_42 = arith.constant 0.000000e+00 : f32
      %broadcast_in_dim3A_43 = vector.broadcast %broadcast_in_dim3A_42 : f32 to vector<16xf32>
      %broadcast_in_dim3A_44 = arith.constant 0.000000e+00 : f32
      %broadcast_in_dim3A_45 = vector.broadcast %broadcast_in_dim3A_44 : f32 to vector<16xf32>
      %scan3A_46 = arith.constant 0 : i32
      %scan3A_47 = arith.constant 200 : i32
      %scan3A_48 = arith.addi %scan3A_46, %scan3A_47 : i32
      %scan3A_49 = arith.constant 1 : i32
      %scan3A_50:2 = scf.for %scan3A_299 = %scan3A_46 to %scan3A_48 step %scan3A_49 iter_args(%scan3A_300 = %broadcast_in_dim3A_43, %scan3A_301 = %broadcast_in_dim3A_45) -> (vector<16xf32>, vector<16xf32>)  : i32 {
        %broadcast_in_dim3A_302 = vector.broadcast %scan3A_299 : i32 to vector<16xi32>
        %gather3A = tpu.vector_load_idx %arg7[%add3A_41, %broadcast_in_dim3A_302] : memref<64x200xi32, #tpu.memory_space<vmem>>[vector<16xi32>, vector<16xi32>], vector<16xi32>,
        %gather3A_303 = tpu.vector_load_idx %arg6[%gather3A] : memref<100000xf32, #tpu.memory_space<vmem>>[vector<16xi32>], vector<16xf32>,
        %ne3A = arith.constant 1 : i32
        %ne3A_304 = vector.broadcast %ne3A : i32 to vector<16xi32>
        %ne3A_305 = arith.cmpi ne, %gather3A, %ne3A_304 : vector<16xi32>
        %broadcast_in_dim3A_306 = arith.constant 0.000000e+00 : f32
        %broadcast_in_dim3A_307 = vector.broadcast %broadcast_in_dim3A_306 : f32 to vector<16xf32>
        %select_n3A = arith.select %ne3A_305, %gather3A_303, %broadcast_in_dim3A_307 : vector<16xi1>, vector<16xf32>
        %add3A_308 = arith.addf %scan3A_300, %select_n3A : vector<16xf32>
        %broadcast_in_dim3A_309 = arith.constant 1.000000e+00 : f32
        %broadcast_in_dim3A_310 = vector.broadcast %broadcast_in_dim3A_309 : f32 to vector<16xf32>
        %select_n3A_311 = arith.select %ne3A_305, %broadcast_in_dim3A_310, %broadcast_in_dim3A_307 : vector<16xi1>, vector<16xf32>
        %add3A_312 = arith.addf %scan3A_301, %select_n3A_311 : vector<16xf32>
        scf.yield %add3A_308, %add3A_312 : vector<16xf32>, vector<16xf32>
      }
      %scan3A_51 = arith.constant 200 : i32
      %div3A_52 = arith.divf %scan3A_50#0, %scan3A_50#1 : vector<16xf32>
      %swap3A_53 = arith.constant 32 : index
      %swap3A_54 = tpu.vector_load %arg8[%swap3A_53] {strides = array<i32>} : memref<64xf32, #tpu.memory_space<vmem>>, vector<16xf32>,
      tpu.vector_store %arg8[%swap3A_53], %div3A_52 {strides = array<i32>} : memref<64xf32, #tpu.memory_space<vmem>>, vector<16xf32>,
      %broadcast_in_dim3A_55 = arith.constant 48 : i32
      %broadcast_in_dim3A_56 = vector.broadcast %broadcast_in_dim3A_55 : i32 to vector<16xi32>
      %iota3A_57 = tpu.iota {dimensions = array<i32: 0>} : vector<16xi32>
      %add3A_58 = arith.addi %broadcast_in_dim3A_56, %iota3A_57 : vector<16xi32>
      %broadcast_in_dim3A_59 = arith.constant 0.000000e+00 : f32
      %broadcast_in_dim3A_60 = vector.broadcast %broadcast_in_dim3A_59 : f32 to vector<16xf32>
      %broadcast_in_dim3A_61 = arith.constant 0.000000e+00 : f32
      %broadcast_in_dim3A_62 = vector.broadcast %broadcast_in_dim3A_61 : f32 to vector<16xf32>
      %scan3A_63 = arith.constant 0 : i32
      %scan3A_64 = arith.constant 200 : i32
      %scan3A_65 = arith.addi %scan3A_63, %scan3A_64 : i32
      %scan3A_66 = arith.constant 1 : i32
      %scan3A_67:2 = scf.for %scan3A_299 = %scan3A_63 to %scan3A_65 step %scan3A_66 iter_args(%scan3A_300 = %broadcast_in_dim3A_60, %scan3A_301 = %broadcast_in_dim3A_62) -> (vector<16xf32>, vector<16xf32>)  : i32 {
        %broadcast_in_dim3A_302 = vector.broadcast %scan3A_299 : i32 to vector<16xi32>
        %gather3A = tpu.vector_load_idx %arg7[%add3A_58, %broadcast_in_dim3A_302] : memref<64x200xi32, #tpu.memory_space<vmem>>[vector<16xi32>, vector<16xi32>], vector<16xi32>,
        %gather3A_303 = tpu.vector_load_idx %arg6[%gather3A] : memref<100000xf32, #tpu.memory_space<vmem>>[vector<16xi32>], vector<16xf32>,
        %ne3A = arith.constant 1 : i32
        %ne3A_304 = vector.broadcast %ne3A : i32 to vector<16xi32>
        %ne3A_305 = arith.cmpi ne, %gather3A, %ne3A_304 : vector<16xi32>
        %broadcast_in_dim3A_306 = arith.constant 0.000000e+00 : f32
        %broadcast_in_dim3A_307 = vector.broadcast %broadcast_in_dim3A_306 : f32 to vector<16xf32>
        %select_n3A = arith.select %ne3A_305, %gather3A_303, %broadcast_in_dim3A_307 : vector<16xi1>, vector<16xf32>
        %add3A_308 = arith.addf %scan3A_300, %select_n3A : vector<16xf32>
        %broadcast_in_dim3A_309 = arith.constant 1.000000e+00 : f32
        %broadcast_in_dim3A_310 = vector.broadcast %broadcast_in_dim3A_309 : f32 to vector<16xf32>
        %select_n3A_311 = arith.select %ne3A_305, %broadcast_in_dim3A_310, %broadcast_in_dim3A_307 : vector<16xi1>, vector<16xf32>
        %add3A_312 = arith.addf %scan3A_301, %select_n3A_311 : vector<16xf32>
        scf.yield %add3A_308, %add3A_312 : vector<16xf32>, vector<16xf32>
      }
      %scan3A_68 = arith.constant 200 : i32
      %div3A_69 = arith.divf %scan3A_67#0, %scan3A_67#1 : vector<16xf32>
      %swap3A_70 = arith.constant 48 : index
      %swap3A_71 = tpu.vector_load %arg8[%swap3A_70] {strides = array<i32>} : memref<64xf32, #tpu.memory_space<vmem>>, vector<16xf32>,
      tpu.vector_store %arg8[%swap3A_70], %div3A_69 {strides = array<i32>} : memref<64xf32, #tpu.memory_space<vmem>>, vector<16xf32>,
      %mul3A_72 = arith.constant 64 : i32
      %mul3A_73 = arith.muli %add3A_8, %mul3A_72 : i32
      %run_scoped3A = arith.constant 0 : i32
      "tpu.region"() ({
        %run_scoped3A_299 = tpu.sem_alloc : memref<!tpu.dma_semaphore, #tpu.memory_space<semaphore_mem>>
        %dma_start3A = tpu.memref_slice %arg5[%run_scoped3A, %mul3A_73] : memref<2x4096xf32, #tpu.memory_space<hbm>> -> memref<1x64xf32, #tpu.memory_space<hbm>>
        %dma_start3A_300 = tpu.memref_squeeze %dma_start3A : memref<1x64xf32, #tpu.memory_space<hbm>> -> memref<64xf32, #tpu.memory_space<hbm>>
        %dma_start3A_301 = tpu.memref_slice %arg5[%run_scoped3A, %mul3A_73] : memref<2x4096xf32, #tpu.memory_space<hbm>> -> memref<1x64xf32, #tpu.memory_space<hbm>>
        %dma_start3A_302 = tpu.memref_squeeze %dma_start3A_301 : memref<1x64xf32, #tpu.memory_space<hbm>> -> memref<64xf32, #tpu.memory_space<hbm>>
        tpu.enqueue_dma source(%arg8 : memref<64xf32, #tpu.memory_space<vmem>>) target(%dma_start3A_302 : memref<64xf32, #tpu.memory_space<hbm>>) target_semaphore(%run_scoped3A_299 : memref<!tpu.dma_semaphore, #tpu.memory_space<semaphore_mem>>)
        %dma_wait3A = tpu.memref_slice %arg5[%run_scoped3A, %mul3A_73] : memref<2x4096xf32, #tpu.memory_space<hbm>> -> memref<1x64xf32, #tpu.memory_space<hbm>>
        %dma_wait3A_303 = tpu.memref_squeeze %dma_wait3A : memref<1x64xf32, #tpu.memory_space<hbm>> -> memref<64xf32, #tpu.memory_space<hbm>>
        %dma_wait3A_304 = tpu.memref_slice %arg5[%run_scoped3A, %mul3A_73] : memref<2x4096xf32, #tpu.memory_space<hbm>> -> memref<1x64xf32, #tpu.memory_space<hbm>>
        %dma_wait3A_305 = tpu.memref_squeeze %dma_wait3A_304 : memref<1x64xf32, #tpu.memory_space<hbm>> -> memref<64xf32, #tpu.memory_space<hbm>>
        tpu.wait_dma2 semaphore(%run_scoped3A_299 : memref<!tpu.dma_semaphore, #tpu.memory_space<semaphore_mem>>) src(%arg8 : memref<64xf32, #tpu.memory_space<vmem>>) dst(%dma_wait3A_305 : memref<64xf32, #tpu.memory_space<hbm>>)
        tpu.yield
      }) : () -> ()
      %mul3A_74 = arith.constant 4 : i32
      %mul3A_75 = arith.muli %arg1, %mul3A_74 : i32
      %add3A_76 = arith.constant 1 : i32
      %add3A_77 = arith.addi %mul3A_75, %add3A_76 : i32
      "tpu.region"() ({
        %run_scoped3A_299 = tpu.sem_alloc : memref<!tpu.dma_semaphore, #tpu.memory_space<semaphore_mem>>
        %dma_start3A = arith.constant 0 : i32
        %dma_start3A_300 = arith.constant 0 : i32
        %dma_start3A_301 = tpu.memref_slice %arg3[%add3A_77, %dma_start3A, %dma_start3A_300] : memref<64x64x200xi32, #tpu.memory_space<hbm>> -> memref<1x64x200xi32, #tpu.memory_space<hbm>>
        %dma_start3A_302 = tpu.memref_squeeze %dma_start3A_301 : memref<1x64x200xi32, #tpu.memory_space<hbm>> -> memref<64x200xi32, #tpu.memory_space<hbm>>
        %dma_start3A_303 = arith.constant 0 : i32
        %dma_start3A_304 = arith.constant 0 : i32
        %dma_start3A_305 = tpu.memref_slice %arg3[%add3A_77, %dma_start3A_303, %dma_start3A_304] : memref<64x64x200xi32, #tpu.memory_space<hbm>> -> memref<1x64x200xi32, #tpu.memory_space<hbm>>
        %dma_start3A_306 = tpu.memref_squeeze %dma_start3A_305 : memref<1x64x200xi32, #tpu.memory_space<hbm>> -> memref<64x200xi32, #tpu.memory_space<hbm>>
        tpu.enqueue_dma source(%dma_start3A_306 : memref<64x200xi32, #tpu.memory_space<hbm>>) target(%arg7 : memref<64x200xi32, #tpu.memory_space<vmem>>) target_semaphore(%run_scoped3A_299 : memref<!tpu.dma_semaphore, #tpu.memory_space<semaphore_mem>>)
        %dma_wait3A = arith.constant 0 : i32
        %dma_wait3A_307 = arith.constant 0 : i32
        %dma_wait3A_308 = tpu.memref_slice %arg3[%add3A_77, %dma_wait3A, %dma_wait3A_307] : memref<64x64x200xi32, #tpu.memory_space<hbm>> -> memref<1x64x200xi32, #tpu.memory_space<hbm>>
        %dma_wait3A_309 = tpu.memref_squeeze %dma_wait3A_308 : memref<1x64x200xi32, #tpu.memory_space<hbm>> -> memref<64x200xi32, #tpu.memory_space<hbm>>
        %dma_wait3A_310 = arith.constant 0 : i32
        %dma_wait3A_311 = arith.constant 0 : i32
        %dma_wait3A_312 = tpu.memref_slice %arg3[%add3A_77, %dma_wait3A_310, %dma_wait3A_311] : memref<64x64x200xi32, #tpu.memory_space<hbm>> -> memref<1x64x200xi32, #tpu.memory_space<hbm>>
        %dma_wait3A_313 = tpu.memref_squeeze %dma_wait3A_312 : memref<1x64x200xi32, #tpu.memory_space<hbm>> -> memref<64x200xi32, #tpu.memory_space<hbm>>
        tpu.wait_dma2 semaphore(%run_scoped3A_299 : memref<!tpu.dma_semaphore, #tpu.memory_space<semaphore_mem>>) src(%dma_wait3A_313 : memref<64x200xi32, #tpu.memory_space<hbm>>) dst(%arg7 : memref<64x200xi32, #tpu.memory_space<vmem>>)
        tpu.yield
      }) : () -> ()
      %broadcast_in_dim3A_78 = arith.constant 0 : i32
      %broadcast_in_dim3A_79 = vector.broadcast %broadcast_in_dim3A_78 : i32 to vector<16xi32>
      %iota3A_80 = tpu.iota {dimensions = array<i32: 0>} : vector<16xi32>
      %add3A_81 = arith.addi %broadcast_in_dim3A_79, %iota3A_80 : vector<16xi32>
      %broadcast_in_dim3A_82 = arith.constant 0.000000e+00 : f32
      %broadcast_in_dim3A_83 = vector.broadcast %broadcast_in_dim3A_82 : f32 to vector<16xf32>
      %broadcast_in_dim3A_84 = arith.constant 0.000000e+00 : f32
      %broadcast_in_dim3A_85 = vector.broadcast %broadcast_in_dim3A_84 : f32 to vector<16xf32>
      %scan3A_86 = arith.constant 0 : i32
      %scan3A_87 = arith.constant 200 : i32
      %scan3A_88 = arith.addi %scan3A_86, %scan3A_87 : i32
      %scan3A_89 = arith.constant 1 : i32
      %scan3A_90:2 = scf.for %scan3A_299 = %scan3A_86 to %scan3A_88 step %scan3A_89 iter_args(%scan3A_300 = %broadcast_in_dim3A_83, %scan3A_301 = %broadcast_in_dim3A_85) -> (vector<16xf32>, vector<16xf32>)  : i32 {
        %broadcast_in_dim3A_302 = vector.broadcast %scan3A_299 : i32 to vector<16xi32>
        %gather3A = tpu.vector_load_idx %arg7[%add3A_81, %broadcast_in_dim3A_302] : memref<64x200xi32, #tpu.memory_space<vmem>>[vector<16xi32>, vector<16xi32>], vector<16xi32>,
        %gather3A_303 = tpu.vector_load_idx %arg6[%gather3A] : memref<100000xf32, #tpu.memory_space<vmem>>[vector<16xi32>], vector<16xf32>,
        %ne3A = arith.constant 1 : i32
        %ne3A_304 = vector.broadcast %ne3A : i32 to vector<16xi32>
        %ne3A_305 = arith.cmpi ne, %gather3A, %ne3A_304 : vector<16xi32>
        %broadcast_in_dim3A_306 = arith.constant 0.000000e+00 : f32
        %broadcast_in_dim3A_307 = vector.broadcast %broadcast_in_dim3A_306 : f32 to vector<16xf32>
        %select_n3A = arith.select %ne3A_305, %gather3A_303, %broadcast_in_dim3A_307 : vector<16xi1>, vector<16xf32>
        %add3A_308 = arith.addf %scan3A_300, %select_n3A : vector<16xf32>
        %broadcast_in_dim3A_309 = arith.constant 1.000000e+00 : f32
        %broadcast_in_dim3A_310 = vector.broadcast %broadcast_in_dim3A_309 : f32 to vector<16xf32>
        %select_n3A_311 = arith.select %ne3A_305, %broadcast_in_dim3A_310, %broadcast_in_dim3A_307 : vector<16xi1>, vector<16xf32>
        %add3A_312 = arith.addf %scan3A_301, %select_n3A_311 : vector<16xf32>
        scf.yield %add3A_308, %add3A_312 : vector<16xf32>, vector<16xf32>
      }
      %scan3A_91 = arith.constant 200 : i32
      %div3A_92 = arith.divf %scan3A_90#0, %scan3A_90#1 : vector<16xf32>
      %swap3A_93 = arith.constant 0 : index
      %swap3A_94 = tpu.vector_load %arg8[%swap3A_93] {strides = array<i32>} : memref<64xf32, #tpu.memory_space<vmem>>, vector<16xf32>,
      tpu.vector_store %arg8[%swap3A_93], %div3A_92 {strides = array<i32>} : memref<64xf32, #tpu.memory_space<vmem>>, vector<16xf32>,
      %broadcast_in_dim3A_95 = arith.constant 16 : i32
      %broadcast_in_dim3A_96 = vector.broadcast %broadcast_in_dim3A_95 : i32 to vector<16xi32>
      %iota3A_97 = tpu.iota {dimensions = array<i32: 0>} : vector<16xi32>
      %add3A_98 = arith.addi %broadcast_in_dim3A_96, %iota3A_97 : vector<16xi32>
      %broadcast_in_dim3A_99 = arith.constant 0.000000e+00 : f32
      %broadcast_in_dim3A_100 = vector.broadcast %broadcast_in_dim3A_99 : f32 to vector<16xf32>
      %broadcast_in_dim3A_101 = arith.constant 0.000000e+00 : f32
      %broadcast_in_dim3A_102 = vector.broadcast %broadcast_in_dim3A_101 : f32 to vector<16xf32>
      %scan3A_103 = arith.constant 0 : i32
      %scan3A_104 = arith.constant 200 : i32
      %scan3A_105 = arith.addi %scan3A_103, %scan3A_104 : i32
      %scan3A_106 = arith.constant 1 : i32
      %scan3A_107:2 = scf.for %scan3A_299 = %scan3A_103 to %scan3A_105 step %scan3A_106 iter_args(%scan3A_300 = %broadcast_in_dim3A_100, %scan3A_301 = %broadcast_in_dim3A_102) -> (vector<16xf32>, vector<16xf32>)  : i32 {
        %broadcast_in_dim3A_302 = vector.broadcast %scan3A_299 : i32 to vector<16xi32>
        %gather3A = tpu.vector_load_idx %arg7[%add3A_98, %broadcast_in_dim3A_302] : memref<64x200xi32, #tpu.memory_space<vmem>>[vector<16xi32>, vector<16xi32>], vector<16xi32>,
        %gather3A_303 = tpu.vector_load_idx %arg6[%gather3A] : memref<100000xf32, #tpu.memory_space<vmem>>[vector<16xi32>], vector<16xf32>,
        %ne3A = arith.constant 1 : i32
        %ne3A_304 = vector.broadcast %ne3A : i32 to vector<16xi32>
        %ne3A_305 = arith.cmpi ne, %gather3A, %ne3A_304 : vector<16xi32>
        %broadcast_in_dim3A_306 = arith.constant 0.000000e+00 : f32
        %broadcast_in_dim3A_307 = vector.broadcast %broadcast_in_dim3A_306 : f32 to vector<16xf32>
        %select_n3A = arith.select %ne3A_305, %gather3A_303, %broadcast_in_dim3A_307 : vector<16xi1>, vector<16xf32>
        %add3A_308 = arith.addf %scan3A_300, %select_n3A : vector<16xf32>
        %broadcast_in_dim3A_309 = arith.constant 1.000000e+00 : f32
        %broadcast_in_dim3A_310 = vector.broadcast %broadcast_in_dim3A_309 : f32 to vector<16xf32>
        %select_n3A_311 = arith.select %ne3A_305, %broadcast_in_dim3A_310, %broadcast_in_dim3A_307 : vector<16xi1>, vector<16xf32>
        %add3A_312 = arith.addf %scan3A_301, %select_n3A_311 : vector<16xf32>
        scf.yield %add3A_308, %add3A_312 : vector<16xf32>, vector<16xf32>
      }
      %scan3A_108 = arith.constant 200 : i32
      %div3A_109 = arith.divf %scan3A_107#0, %scan3A_107#1 : vector<16xf32>
      %swap3A_110 = arith.constant 16 : index
      %swap3A_111 = tpu.vector_load %arg8[%swap3A_110] {strides = array<i32>} : memref<64xf32, #tpu.memory_space<vmem>>, vector<16xf32>,
      tpu.vector_store %arg8[%swap3A_110], %div3A_109 {strides = array<i32>} : memref<64xf32, #tpu.memory_space<vmem>>, vector<16xf32>,
      %broadcast_in_dim3A_112 = arith.constant 32 : i32
      %broadcast_in_dim3A_113 = vector.broadcast %broadcast_in_dim3A_112 : i32 to vector<16xi32>
      %iota3A_114 = tpu.iota {dimensions = array<i32: 0>} : vector<16xi32>
      %add3A_115 = arith.addi %broadcast_in_dim3A_113, %iota3A_114 : vector<16xi32>
      %broadcast_in_dim3A_116 = arith.constant 0.000000e+00 : f32
      %broadcast_in_dim3A_117 = vector.broadcast %broadcast_in_dim3A_116 : f32 to vector<16xf32>
      %broadcast_in_dim3A_118 = arith.constant 0.000000e+00 : f32
      %broadcast_in_dim3A_119 = vector.broadcast %broadcast_in_dim3A_118 : f32 to vector<16xf32>
      %scan3A_120 = arith.constant 0 : i32
      %scan3A_121 = arith.constant 200 : i32
      %scan3A_122 = arith.addi %scan3A_120, %scan3A_121 : i32
      %scan3A_123 = arith.constant 1 : i32
      %scan3A_124:2 = scf.for %scan3A_299 = %scan3A_120 to %scan3A_122 step %scan3A_123 iter_args(%scan3A_300 = %broadcast_in_dim3A_117, %scan3A_301 = %broadcast_in_dim3A_119) -> (vector<16xf32>, vector<16xf32>)  : i32 {
        %broadcast_in_dim3A_302 = vector.broadcast %scan3A_299 : i32 to vector<16xi32>
        %gather3A = tpu.vector_load_idx %arg7[%add3A_115, %broadcast_in_dim3A_302] : memref<64x200xi32, #tpu.memory_space<vmem>>[vector<16xi32>, vector<16xi32>], vector<16xi32>,
        %gather3A_303 = tpu.vector_load_idx %arg6[%gather3A] : memref<100000xf32, #tpu.memory_space<vmem>>[vector<16xi32>], vector<16xf32>,
        %ne3A = arith.constant 1 : i32
        %ne3A_304 = vector.broadcast %ne3A : i32 to vector<16xi32>
        %ne3A_305 = arith.cmpi ne, %gather3A, %ne3A_304 : vector<16xi32>
        %broadcast_in_dim3A_306 = arith.constant 0.000000e+00 : f32
        %broadcast_in_dim3A_307 = vector.broadcast %broadcast_in_dim3A_306 : f32 to vector<16xf32>
        %select_n3A = arith.select %ne3A_305, %gather3A_303, %broadcast_in_dim3A_307 : vector<16xi1>, vector<16xf32>
        %add3A_308 = arith.addf %scan3A_300, %select_n3A : vector<16xf32>
        %broadcast_in_dim3A_309 = arith.constant 1.000000e+00 : f32
        %broadcast_in_dim3A_310 = vector.broadcast %broadcast_in_dim3A_309 : f32 to vector<16xf32>
        %select_n3A_311 = arith.select %ne3A_305, %broadcast_in_dim3A_310, %broadcast_in_dim3A_307 : vector<16xi1>, vector<16xf32>
        %add3A_312 = arith.addf %scan3A_301, %select_n3A_311 : vector<16xf32>
        scf.yield %add3A_308, %add3A_312 : vector<16xf32>, vector<16xf32>
      }
      %scan3A_125 = arith.constant 200 : i32
      %div3A_126 = arith.divf %scan3A_124#0, %scan3A_124#1 : vector<16xf32>
      %swap3A_127 = arith.constant 32 : index
      %swap3A_128 = tpu.vector_load %arg8[%swap3A_127] {strides = array<i32>} : memref<64xf32, #tpu.memory_space<vmem>>, vector<16xf32>,
      tpu.vector_store %arg8[%swap3A_127], %div3A_126 {strides = array<i32>} : memref<64xf32, #tpu.memory_space<vmem>>, vector<16xf32>,
      %broadcast_in_dim3A_129 = arith.constant 48 : i32
      %broadcast_in_dim3A_130 = vector.broadcast %broadcast_in_dim3A_129 : i32 to vector<16xi32>
      %iota3A_131 = tpu.iota {dimensions = array<i32: 0>} : vector<16xi32>
      %add3A_132 = arith.addi %broadcast_in_dim3A_130, %iota3A_131 : vector<16xi32>
      %broadcast_in_dim3A_133 = arith.constant 0.000000e+00 : f32
      %broadcast_in_dim3A_134 = vector.broadcast %broadcast_in_dim3A_133 : f32 to vector<16xf32>
      %broadcast_in_dim3A_135 = arith.constant 0.000000e+00 : f32
      %broadcast_in_dim3A_136 = vector.broadcast %broadcast_in_dim3A_135 : f32 to vector<16xf32>
      %scan3A_137 = arith.constant 0 : i32
      %scan3A_138 = arith.constant 200 : i32
      %scan3A_139 = arith.addi %scan3A_137, %scan3A_138 : i32
      %scan3A_140 = arith.constant 1 : i32
      %scan3A_141:2 = scf.for %scan3A_299 = %scan3A_137 to %scan3A_139 step %scan3A_140 iter_args(%scan3A_300 = %broadcast_in_dim3A_134, %scan3A_301 = %broadcast_in_dim3A_136) -> (vector<16xf32>, vector<16xf32>)  : i32 {
        %broadcast_in_dim3A_302 = vector.broadcast %scan3A_299 : i32 to vector<16xi32>
        %gather3A = tpu.vector_load_idx %arg7[%add3A_132, %broadcast_in_dim3A_302] : memref<64x200xi32, #tpu.memory_space<vmem>>[vector<16xi32>, vector<16xi32>], vector<16xi32>,
        %gather3A_303 = tpu.vector_load_idx %arg6[%gather3A] : memref<100000xf32, #tpu.memory_space<vmem>>[vector<16xi32>], vector<16xf32>,
        %ne3A = arith.constant 1 : i32
        %ne3A_304 = vector.broadcast %ne3A : i32 to vector<16xi32>
        %ne3A_305 = arith.cmpi ne, %gather3A, %ne3A_304 : vector<16xi32>
        %broadcast_in_dim3A_306 = arith.constant 0.000000e+00 : f32
        %broadcast_in_dim3A_307 = vector.broadcast %broadcast_in_dim3A_306 : f32 to vector<16xf32>
        %select_n3A = arith.select %ne3A_305, %gather3A_303, %broadcast_in_dim3A_307 : vector<16xi1>, vector<16xf32>
        %add3A_308 = arith.addf %scan3A_300, %select_n3A : vector<16xf32>
        %broadcast_in_dim3A_309 = arith.constant 1.000000e+00 : f32
        %broadcast_in_dim3A_310 = vector.broadcast %broadcast_in_dim3A_309 : f32 to vector<16xf32>
        %select_n3A_311 = arith.select %ne3A_305, %broadcast_in_dim3A_310, %broadcast_in_dim3A_307 : vector<16xi1>, vector<16xf32>
        %add3A_312 = arith.addf %scan3A_301, %select_n3A_311 : vector<16xf32>
        scf.yield %add3A_308, %add3A_312 : vector<16xf32>, vector<16xf32>
      }
      %scan3A_142 = arith.constant 200 : i32
      %div3A_143 = arith.divf %scan3A_141#0, %scan3A_141#1 : vector<16xf32>
      %swap3A_144 = arith.constant 48 : index
      %swap3A_145 = tpu.vector_load %arg8[%swap3A_144] {strides = array<i32>} : memref<64xf32, #tpu.memory_space<vmem>>, vector<16xf32>,
      tpu.vector_store %arg8[%swap3A_144], %div3A_143 {strides = array<i32>} : memref<64xf32, #tpu.memory_space<vmem>>, vector<16xf32>,
      %mul3A_146 = arith.constant 64 : i32
      %mul3A_147 = arith.muli %add3A_77, %mul3A_146 : i32
      %run_scoped3A_148 = arith.constant 0 : i32
      "tpu.region"() ({
        %run_scoped3A_299 = tpu.sem_alloc : memref<!tpu.dma_semaphore, #tpu.memory_space<semaphore_mem>>
        %dma_start3A = tpu.memref_slice %arg5[%run_scoped3A_148, %mul3A_147] : memref<2x4096xf32, #tpu.memory_space<hbm>> -> memref<1x64xf32, #tpu.memory_space<hbm>>
        %dma_start3A_300 = tpu.memref_squeeze %dma_start3A : memref<1x64xf32, #tpu.memory_space<hbm>> -> memref<64xf32, #tpu.memory_space<hbm>>
        %dma_start3A_301 = tpu.memref_slice %arg5[%run_scoped3A_148, %mul3A_147] : memref<2x4096xf32, #tpu.memory_space<hbm>> -> memref<1x64xf32, #tpu.memory_space<hbm>>
        %dma_start3A_302 = tpu.memref_squeeze %dma_start3A_301 : memref<1x64xf32, #tpu.memory_space<hbm>> -> memref<64xf32, #tpu.memory_space<hbm>>
        tpu.enqueue_dma source(%arg8 : memref<64xf32, #tpu.memory_space<vmem>>) target(%dma_start3A_302 : memref<64xf32, #tpu.memory_space<hbm>>) target_semaphore(%run_scoped3A_299 : memref<!tpu.dma_semaphore, #tpu.memory_space<semaphore_mem>>)
        %dma_wait3A = tpu.memref_slice %arg5[%run_scoped3A_148, %mul3A_147] : memref<2x4096xf32, #tpu.memory_space<hbm>> -> memref<1x64xf32, #tpu.memory_space<hbm>>
        %dma_wait3A_303 = tpu.memref_squeeze %dma_wait3A : memref<1x64xf32, #tpu.memory_space<hbm>> -> memref<64xf32, #tpu.memory_space<hbm>>
        %dma_wait3A_304 = tpu.memref_slice %arg5[%run_scoped3A_148, %mul3A_147] : memref<2x4096xf32, #tpu.memory_space<hbm>> -> memref<1x64xf32, #tpu.memory_space<hbm>>
        %dma_wait3A_305 = tpu.memref_squeeze %dma_wait3A_304 : memref<1x64xf32, #tpu.memory_space<hbm>> -> memref<64xf32, #tpu.memory_space<hbm>>
        tpu.wait_dma2 semaphore(%run_scoped3A_299 : memref<!tpu.dma_semaphore, #tpu.memory_space<semaphore_mem>>) src(%arg8 : memref<64xf32, #tpu.memory_space<vmem>>) dst(%dma_wait3A_305 : memref<64xf32, #tpu.memory_space<hbm>>)
        tpu.yield
      }) : () -> ()
      %mul3A_149 = arith.constant 4 : i32
      %mul3A_150 = arith.muli %arg1, %mul3A_149 : i32
      %add3A_151 = arith.constant 2 : i32
      %add3A_152 = arith.addi %mul3A_150, %add3A_151 : i32
      "tpu.region"() ({
        %run_scoped3A_299 = tpu.sem_alloc : memref<!tpu.dma_semaphore, #tpu.memory_space<semaphore_mem>>
        %dma_start3A = arith.constant 0 : i32
        %dma_start3A_300 = arith.constant 0 : i32
        %dma_start3A_301 = tpu.memref_slice %arg3[%add3A_152, %dma_start3A, %dma_start3A_300] : memref<64x64x200xi32, #tpu.memory_space<hbm>> -> memref<1x64x200xi32, #tpu.memory_space<hbm>>
        %dma_start3A_302 = tpu.memref_squeeze %dma_start3A_301 : memref<1x64x200xi32, #tpu.memory_space<hbm>> -> memref<64x200xi32, #tpu.memory_space<hbm>>
        %dma_start3A_303 = arith.constant 0 : i32
        %dma_start3A_304 = arith.constant 0 : i32
        %dma_start3A_305 = tpu.memref_slice %arg3[%add3A_152, %dma_start3A_303, %dma_start3A_304] : memref<64x64x200xi32, #tpu.memory_space<hbm>> -> memref<1x64x200xi32, #tpu.memory_space<hbm>>
        %dma_start3A_306 = tpu.memref_squeeze %dma_start3A_305 : memref<1x64x200xi32, #tpu.memory_space<hbm>> -> memref<64x200xi32, #tpu.memory_space<hbm>>
        tpu.enqueue_dma source(%dma_start3A_306 : memref<64x200xi32, #tpu.memory_space<hbm>>) target(%arg7 : memref<64x200xi32, #tpu.memory_space<vmem>>) target_semaphore(%run_scoped3A_299 : memref<!tpu.dma_semaphore, #tpu.memory_space<semaphore_mem>>)
        %dma_wait3A = arith.constant 0 : i32
        %dma_wait3A_307 = arith.constant 0 : i32
        %dma_wait3A_308 = tpu.memref_slice %arg3[%add3A_152, %dma_wait3A, %dma_wait3A_307] : memref<64x64x200xi32, #tpu.memory_space<hbm>> -> memref<1x64x200xi32, #tpu.memory_space<hbm>>
        %dma_wait3A_309 = tpu.memref_squeeze %dma_wait3A_308 : memref<1x64x200xi32, #tpu.memory_space<hbm>> -> memref<64x200xi32, #tpu.memory_space<hbm>>
        %dma_wait3A_310 = arith.constant 0 : i32
        %dma_wait3A_311 = arith.constant 0 : i32
        %dma_wait3A_312 = tpu.memref_slice %arg3[%add3A_152, %dma_wait3A_310, %dma_wait3A_311] : memref<64x64x200xi32, #tpu.memory_space<hbm>> -> memref<1x64x200xi32, #tpu.memory_space<hbm>>
        %dma_wait3A_313 = tpu.memref_squeeze %dma_wait3A_312 : memref<1x64x200xi32, #tpu.memory_space<hbm>> -> memref<64x200xi32, #tpu.memory_space<hbm>>
        tpu.wait_dma2 semaphore(%run_scoped3A_299 : memref<!tpu.dma_semaphore, #tpu.memory_space<semaphore_mem>>) src(%dma_wait3A_313 : memref<64x200xi32, #tpu.memory_space<hbm>>) dst(%arg7 : memref<64x200xi32, #tpu.memory_space<vmem>>)
        tpu.yield
      }) : () -> ()
      %broadcast_in_dim3A_153 = arith.constant 0 : i32
      %broadcast_in_dim3A_154 = vector.broadcast %broadcast_in_dim3A_153 : i32 to vector<16xi32>
      %iota3A_155 = tpu.iota {dimensions = array<i32: 0>} : vector<16xi32>
      %add3A_156 = arith.addi %broadcast_in_dim3A_154, %iota3A_155 : vector<16xi32>
      %broadcast_in_dim3A_157 = arith.constant 0.000000e+00 : f32
      %broadcast_in_dim3A_158 = vector.broadcast %broadcast_in_dim3A_157 : f32 to vector<16xf32>
      %broadcast_in_dim3A_159 = arith.constant 0.000000e+00 : f32
      %broadcast_in_dim3A_160 = vector.broadcast %broadcast_in_dim3A_159 : f32 to vector<16xf32>
      %scan3A_161 = arith.constant 0 : i32
      %scan3A_162 = arith.constant 200 : i32
      %scan3A_163 = arith.addi %scan3A_161, %scan3A_162 : i32
      %scan3A_164 = arith.constant 1 : i32
      %scan3A_165:2 = scf.for %scan3A_299 = %scan3A_161 to %scan3A_163 step %scan3A_164 iter_args(%scan3A_300 = %broadcast_in_dim3A_158, %scan3A_301 = %broadcast_in_dim3A_160) -> (vector<16xf32>, vector<16xf32>)  : i32 {
        %broadcast_in_dim3A_302 = vector.broadcast %scan3A_299 : i32 to vector<16xi32>
        %gather3A = tpu.vector_load_idx %arg7[%add3A_156, %broadcast_in_dim3A_302] : memref<64x200xi32, #tpu.memory_space<vmem>>[vector<16xi32>, vector<16xi32>], vector<16xi32>,
        %gather3A_303 = tpu.vector_load_idx %arg6[%gather3A] : memref<100000xf32, #tpu.memory_space<vmem>>[vector<16xi32>], vector<16xf32>,
        %ne3A = arith.constant 1 : i32
        %ne3A_304 = vector.broadcast %ne3A : i32 to vector<16xi32>
        %ne3A_305 = arith.cmpi ne, %gather3A, %ne3A_304 : vector<16xi32>
        %broadcast_in_dim3A_306 = arith.constant 0.000000e+00 : f32
        %broadcast_in_dim3A_307 = vector.broadcast %broadcast_in_dim3A_306 : f32 to vector<16xf32>
        %select_n3A = arith.select %ne3A_305, %gather3A_303, %broadcast_in_dim3A_307 : vector<16xi1>, vector<16xf32>
        %add3A_308 = arith.addf %scan3A_300, %select_n3A : vector<16xf32>
        %broadcast_in_dim3A_309 = arith.constant 1.000000e+00 : f32
        %broadcast_in_dim3A_310 = vector.broadcast %broadcast_in_dim3A_309 : f32 to vector<16xf32>
        %select_n3A_311 = arith.select %ne3A_305, %broadcast_in_dim3A_310, %broadcast_in_dim3A_307 : vector<16xi1>, vector<16xf32>
        %add3A_312 = arith.addf %scan3A_301, %select_n3A_311 : vector<16xf32>
        scf.yield %add3A_308, %add3A_312 : vector<16xf32>, vector<16xf32>
      }
      %scan3A_166 = arith.constant 200 : i32
      %div3A_167 = arith.divf %scan3A_165#0, %scan3A_165#1 : vector<16xf32>
      %swap3A_168 = arith.constant 0 : index
      %swap3A_169 = tpu.vector_load %arg8[%swap3A_168] {strides = array<i32>} : memref<64xf32, #tpu.memory_space<vmem>>, vector<16xf32>,
      tpu.vector_store %arg8[%swap3A_168], %div3A_167 {strides = array<i32>} : memref<64xf32, #tpu.memory_space<vmem>>, vector<16xf32>,
      %broadcast_in_dim3A_170 = arith.constant 16 : i32
      %broadcast_in_dim3A_171 = vector.broadcast %broadcast_in_dim3A_170 : i32 to vector<16xi32>
      %iota3A_172 = tpu.iota {dimensions = array<i32: 0>} : vector<16xi32>
      %add3A_173 = arith.addi %broadcast_in_dim3A_171, %iota3A_172 : vector<16xi32>
      %broadcast_in_dim3A_174 = arith.constant 0.000000e+00 : f32
      %broadcast_in_dim3A_175 = vector.broadcast %broadcast_in_dim3A_174 : f32 to vector<16xf32>
      %broadcast_in_dim3A_176 = arith.constant 0.000000e+00 : f32
      %broadcast_in_dim3A_177 = vector.broadcast %broadcast_in_dim3A_176 : f32 to vector<16xf32>
      %scan3A_178 = arith.constant 0 : i32
      %scan3A_179 = arith.constant 200 : i32
      %scan3A_180 = arith.addi %scan3A_178, %scan3A_179 : i32
      %scan3A_181 = arith.constant 1 : i32
      %scan3A_182:2 = scf.for %scan3A_299 = %scan3A_178 to %scan3A_180 step %scan3A_181 iter_args(%scan3A_300 = %broadcast_in_dim3A_175, %scan3A_301 = %broadcast_in_dim3A_177) -> (vector<16xf32>, vector<16xf32>)  : i32 {
        %broadcast_in_dim3A_302 = vector.broadcast %scan3A_299 : i32 to vector<16xi32>
        %gather3A = tpu.vector_load_idx %arg7[%add3A_173, %broadcast_in_dim3A_302] : memref<64x200xi32, #tpu.memory_space<vmem>>[vector<16xi32>, vector<16xi32>], vector<16xi32>,
        %gather3A_303 = tpu.vector_load_idx %arg6[%gather3A] : memref<100000xf32, #tpu.memory_space<vmem>>[vector<16xi32>], vector<16xf32>,
        %ne3A = arith.constant 1 : i32
        %ne3A_304 = vector.broadcast %ne3A : i32 to vector<16xi32>
        %ne3A_305 = arith.cmpi ne, %gather3A, %ne3A_304 : vector<16xi32>
        %broadcast_in_dim3A_306 = arith.constant 0.000000e+00 : f32
        %broadcast_in_dim3A_307 = vector.broadcast %broadcast_in_dim3A_306 : f32 to vector<16xf32>
        %select_n3A = arith.select %ne3A_305, %gather3A_303, %broadcast_in_dim3A_307 : vector<16xi1>, vector<16xf32>
        %add3A_308 = arith.addf %scan3A_300, %select_n3A : vector<16xf32>
        %broadcast_in_dim3A_309 = arith.constant 1.000000e+00 : f32
        %broadcast_in_dim3A_310 = vector.broadcast %broadcast_in_dim3A_309 : f32 to vector<16xf32>
        %select_n3A_311 = arith.select %ne3A_305, %broadcast_in_dim3A_310, %broadcast_in_dim3A_307 : vector<16xi1>, vector<16xf32>
        %add3A_312 = arith.addf %scan3A_301, %select_n3A_311 : vector<16xf32>
        scf.yield %add3A_308, %add3A_312 : vector<16xf32>, vector<16xf32>
      }
      %scan3A_183 = arith.constant 200 : i32
      %div3A_184 = arith.divf %scan3A_182#0, %scan3A_182#1 : vector<16xf32>
      %swap3A_185 = arith.constant 16 : index
      %swap3A_186 = tpu.vector_load %arg8[%swap3A_185] {strides = array<i32>} : memref<64xf32, #tpu.memory_space<vmem>>, vector<16xf32>,
      tpu.vector_store %arg8[%swap3A_185], %div3A_184 {strides = array<i32>} : memref<64xf32, #tpu.memory_space<vmem>>, vector<16xf32>,
      %broadcast_in_dim3A_187 = arith.constant 32 : i32
      %broadcast_in_dim3A_188 = vector.broadcast %broadcast_in_dim3A_187 : i32 to vector<16xi32>
      %iota3A_189 = tpu.iota {dimensions = array<i32: 0>} : vector<16xi32>
      %add3A_190 = arith.addi %broadcast_in_dim3A_188, %iota3A_189 : vector<16xi32>
      %broadcast_in_dim3A_191 = arith.constant 0.000000e+00 : f32
      %broadcast_in_dim3A_192 = vector.broadcast %broadcast_in_dim3A_191 : f32 to vector<16xf32>
      %broadcast_in_dim3A_193 = arith.constant 0.000000e+00 : f32
      %broadcast_in_dim3A_194 = vector.broadcast %broadcast_in_dim3A_193 : f32 to vector<16xf32>
      %scan3A_195 = arith.constant 0 : i32
      %scan3A_196 = arith.constant 200 : i32
      %scan3A_197 = arith.addi %scan3A_195, %scan3A_196 : i32
      %scan3A_198 = arith.constant 1 : i32
      %scan3A_199:2 = scf.for %scan3A_299 = %scan3A_195 to %scan3A_197 step %scan3A_198 iter_args(%scan3A_300 = %broadcast_in_dim3A_192, %scan3A_301 = %broadcast_in_dim3A_194) -> (vector<16xf32>, vector<16xf32>)  : i32 {
        %broadcast_in_dim3A_302 = vector.broadcast %scan3A_299 : i32 to vector<16xi32>
        %gather3A = tpu.vector_load_idx %arg7[%add3A_190, %broadcast_in_dim3A_302] : memref<64x200xi32, #tpu.memory_space<vmem>>[vector<16xi32>, vector<16xi32>], vector<16xi32>,
        %gather3A_303 = tpu.vector_load_idx %arg6[%gather3A] : memref<100000xf32, #tpu.memory_space<vmem>>[vector<16xi32>], vector<16xf32>,
        %ne3A = arith.constant 1 : i32
        %ne3A_304 = vector.broadcast %ne3A : i32 to vector<16xi32>
        %ne3A_305 = arith.cmpi ne, %gather3A, %ne3A_304 : vector<16xi32>
        %broadcast_in_dim3A_306 = arith.constant 0.000000e+00 : f32
        %broadcast_in_dim3A_307 = vector.broadcast %broadcast_in_dim3A_306 : f32 to vector<16xf32>
        %select_n3A = arith.select %ne3A_305, %gather3A_303, %broadcast_in_dim3A_307 : vector<16xi1>, vector<16xf32>
        %add3A_308 = arith.addf %scan3A_300, %select_n3A : vector<16xf32>
        %broadcast_in_dim3A_309 = arith.constant 1.000000e+00 : f32
        %broadcast_in_dim3A_310 = vector.broadcast %broadcast_in_dim3A_309 : f32 to vector<16xf32>
        %select_n3A_311 = arith.select %ne3A_305, %broadcast_in_dim3A_310, %broadcast_in_dim3A_307 : vector<16xi1>, vector<16xf32>
        %add3A_312 = arith.addf %scan3A_301, %select_n3A_311 : vector<16xf32>
        scf.yield %add3A_308, %add3A_312 : vector<16xf32>, vector<16xf32>
      }
      %scan3A_200 = arith.constant 200 : i32
      %div3A_201 = arith.divf %scan3A_199#0, %scan3A_199#1 : vector<16xf32>
      %swap3A_202 = arith.constant 32 : index
      %swap3A_203 = tpu.vector_load %arg8[%swap3A_202] {strides = array<i32>} : memref<64xf32, #tpu.memory_space<vmem>>, vector<16xf32>,
      tpu.vector_store %arg8[%swap3A_202], %div3A_201 {strides = array<i32>} : memref<64xf32, #tpu.memory_space<vmem>>, vector<16xf32>,
      %broadcast_in_dim3A_204 = arith.constant 48 : i32
      %broadcast_in_dim3A_205 = vector.broadcast %broadcast_in_dim3A_204 : i32 to vector<16xi32>
      %iota3A_206 = tpu.iota {dimensions = array<i32: 0>} : vector<16xi32>
      %add3A_207 = arith.addi %broadcast_in_dim3A_205, %iota3A_206 : vector<16xi32>
      %broadcast_in_dim3A_208 = arith.constant 0.000000e+00 : f32
      %broadcast_in_dim3A_209 = vector.broadcast %broadcast_in_dim3A_208 : f32 to vector<16xf32>
      %broadcast_in_dim3A_210 = arith.constant 0.000000e+00 : f32
      %broadcast_in_dim3A_211 = vector.broadcast %broadcast_in_dim3A_210 : f32 to vector<16xf32>
      %scan3A_212 = arith.constant 0 : i32
      %scan3A_213 = arith.constant 200 : i32
      %scan3A_214 = arith.addi %scan3A_212, %scan3A_213 : i32
      %scan3A_215 = arith.constant 1 : i32
      %scan3A_216:2 = scf.for %scan3A_299 = %scan3A_212 to %scan3A_214 step %scan3A_215 iter_args(%scan3A_300 = %broadcast_in_dim3A_209, %scan3A_301 = %broadcast_in_dim3A_211) -> (vector<16xf32>, vector<16xf32>)  : i32 {
        %broadcast_in_dim3A_302 = vector.broadcast %scan3A_299 : i32 to vector<16xi32>
        %gather3A = tpu.vector_load_idx %arg7[%add3A_207, %broadcast_in_dim3A_302] : memref<64x200xi32, #tpu.memory_space<vmem>>[vector<16xi32>, vector<16xi32>], vector<16xi32>,
        %gather3A_303 = tpu.vector_load_idx %arg6[%gather3A] : memref<100000xf32, #tpu.memory_space<vmem>>[vector<16xi32>], vector<16xf32>,
        %ne3A = arith.constant 1 : i32
        %ne3A_304 = vector.broadcast %ne3A : i32 to vector<16xi32>
        %ne3A_305 = arith.cmpi ne, %gather3A, %ne3A_304 : vector<16xi32>
        %broadcast_in_dim3A_306 = arith.constant 0.000000e+00 : f32
        %broadcast_in_dim3A_307 = vector.broadcast %broadcast_in_dim3A_306 : f32 to vector<16xf32>
        %select_n3A = arith.select %ne3A_305, %gather3A_303, %broadcast_in_dim3A_307 : vector<16xi1>, vector<16xf32>
        %add3A_308 = arith.addf %scan3A_300, %select_n3A : vector<16xf32>
        %broadcast_in_dim3A_309 = arith.constant 1.000000e+00 : f32
        %broadcast_in_dim3A_310 = vector.broadcast %broadcast_in_dim3A_309 : f32 to vector<16xf32>
        %select_n3A_311 = arith.select %ne3A_305, %broadcast_in_dim3A_310, %broadcast_in_dim3A_307 : vector<16xi1>, vector<16xf32>
        %add3A_312 = arith.addf %scan3A_301, %select_n3A_311 : vector<16xf32>
        scf.yield %add3A_308, %add3A_312 : vector<16xf32>, vector<16xf32>
      }
      %scan3A_217 = arith.constant 200 : i32
      %div3A_218 = arith.divf %scan3A_216#0, %scan3A_216#1 : vector<16xf32>
      %swap3A_219 = arith.constant 48 : index
      %swap3A_220 = tpu.vector_load %arg8[%swap3A_219] {strides = array<i32>} : memref<64xf32, #tpu.memory_space<vmem>>, vector<16xf32>,
      tpu.vector_store %arg8[%swap3A_219], %div3A_218 {strides = array<i32>} : memref<64xf32, #tpu.memory_space<vmem>>, vector<16xf32>,
      %mul3A_221 = arith.constant 64 : i32
      %mul3A_222 = arith.muli %add3A_152, %mul3A_221 : i32
      %run_scoped3A_223 = arith.constant 0 : i32
      "tpu.region"() ({
        %run_scoped3A_299 = tpu.sem_alloc : memref<!tpu.dma_semaphore, #tpu.memory_space<semaphore_mem>>
        %dma_start3A = tpu.memref_slice %arg5[%run_scoped3A_223, %mul3A_222] : memref<2x4096xf32, #tpu.memory_space<hbm>> -> memref<1x64xf32, #tpu.memory_space<hbm>>
        %dma_start3A_300 = tpu.memref_squeeze %dma_start3A : memref<1x64xf32, #tpu.memory_space<hbm>> -> memref<64xf32, #tpu.memory_space<hbm>>
        %dma_start3A_301 = tpu.memref_slice %arg5[%run_scoped3A_223, %mul3A_222] : memref<2x4096xf32, #tpu.memory_space<hbm>> -> memref<1x64xf32, #tpu.memory_space<hbm>>
        %dma_start3A_302 = tpu.memref_squeeze %dma_start3A_301 : memref<1x64xf32, #tpu.memory_space<hbm>> -> memref<64xf32, #tpu.memory_space<hbm>>
        tpu.enqueue_dma source(%arg8 : memref<64xf32, #tpu.memory_space<vmem>>) target(%dma_start3A_302 : memref<64xf32, #tpu.memory_space<hbm>>) target_semaphore(%run_scoped3A_299 : memref<!tpu.dma_semaphore, #tpu.memory_space<semaphore_mem>>)
        %dma_wait3A = tpu.memref_slice %arg5[%run_scoped3A_223, %mul3A_222] : memref<2x4096xf32, #tpu.memory_space<hbm>> -> memref<1x64xf32, #tpu.memory_space<hbm>>
        %dma_wait3A_303 = tpu.memref_squeeze %dma_wait3A : memref<1x64xf32, #tpu.memory_space<hbm>> -> memref<64xf32, #tpu.memory_space<hbm>>
        %dma_wait3A_304 = tpu.memref_slice %arg5[%run_scoped3A_223, %mul3A_222] : memref<2x4096xf32, #tpu.memory_space<hbm>> -> memref<1x64xf32, #tpu.memory_space<hbm>>
        %dma_wait3A_305 = tpu.memref_squeeze %dma_wait3A_304 : memref<1x64xf32, #tpu.memory_space<hbm>> -> memref<64xf32, #tpu.memory_space<hbm>>
        tpu.wait_dma2 semaphore(%run_scoped3A_299 : memref<!tpu.dma_semaphore, #tpu.memory_space<semaphore_mem>>) src(%arg8 : memref<64xf32, #tpu.memory_space<vmem>>) dst(%dma_wait3A_305 : memref<64xf32, #tpu.memory_space<hbm>>)
        tpu.yield
      }) : () -> ()
      %mul3A_224 = arith.constant 4 : i32
      %mul3A_225 = arith.muli %arg1, %mul3A_224 : i32
      %add3A_226 = arith.constant 3 : i32
      %add3A_227 = arith.addi %mul3A_225, %add3A_226 : i32
      "tpu.region"() ({
        %run_scoped3A_299 = tpu.sem_alloc : memref<!tpu.dma_semaphore, #tpu.memory_space<semaphore_mem>>
        %dma_start3A = arith.constant 0 : i32
        %dma_start3A_300 = arith.constant 0 : i32
        %dma_start3A_301 = tpu.memref_slice %arg3[%add3A_227, %dma_start3A, %dma_start3A_300] : memref<64x64x200xi32, #tpu.memory_space<hbm>> -> memref<1x64x200xi32, #tpu.memory_space<hbm>>
        %dma_start3A_302 = tpu.memref_squeeze %dma_start3A_301 : memref<1x64x200xi32, #tpu.memory_space<hbm>> -> memref<64x200xi32, #tpu.memory_space<hbm>>
        %dma_start3A_303 = arith.constant 0 : i32
        %dma_start3A_304 = arith.constant 0 : i32
        %dma_start3A_305 = tpu.memref_slice %arg3[%add3A_227, %dma_start3A_303, %dma_start3A_304] : memref<64x64x200xi32, #tpu.memory_space<hbm>> -> memref<1x64x200xi32, #tpu.memory_space<hbm>>
        %dma_start3A_306 = tpu.memref_squeeze %dma_start3A_305 : memref<1x64x200xi32, #tpu.memory_space<hbm>> -> memref<64x200xi32, #tpu.memory_space<hbm>>
        tpu.enqueue_dma source(%dma_start3A_306 : memref<64x200xi32, #tpu.memory_space<hbm>>) target(%arg7 : memref<64x200xi32, #tpu.memory_space<vmem>>) target_semaphore(%run_scoped3A_299 : memref<!tpu.dma_semaphore, #tpu.memory_space<semaphore_mem>>)
        %dma_wait3A = arith.constant 0 : i32
        %dma_wait3A_307 = arith.constant 0 : i32
        %dma_wait3A_308 = tpu.memref_slice %arg3[%add3A_227, %dma_wait3A, %dma_wait3A_307] : memref<64x64x200xi32, #tpu.memory_space<hbm>> -> memref<1x64x200xi32, #tpu.memory_space<hbm>>
        %dma_wait3A_309 = tpu.memref_squeeze %dma_wait3A_308 : memref<1x64x200xi32, #tpu.memory_space<hbm>> -> memref<64x200xi32, #tpu.memory_space<hbm>>
        %dma_wait3A_310 = arith.constant 0 : i32
        %dma_wait3A_311 = arith.constant 0 : i32
        %dma_wait3A_312 = tpu.memref_slice %arg3[%add3A_227, %dma_wait3A_310, %dma_wait3A_311] : memref<64x64x200xi32, #tpu.memory_space<hbm>> -> memref<1x64x200xi32, #tpu.memory_space<hbm>>
        %dma_wait3A_313 = tpu.memref_squeeze %dma_wait3A_312 : memref<1x64x200xi32, #tpu.memory_space<hbm>> -> memref<64x200xi32, #tpu.memory_space<hbm>>
        tpu.wait_dma2 semaphore(%run_scoped3A_299 : memref<!tpu.dma_semaphore, #tpu.memory_space<semaphore_mem>>) src(%dma_wait3A_313 : memref<64x200xi32, #tpu.memory_space<hbm>>) dst(%arg7 : memref<64x200xi32, #tpu.memory_space<vmem>>)
        tpu.yield
      }) : () -> ()
      %broadcast_in_dim3A_228 = arith.constant 0 : i32
      %broadcast_in_dim3A_229 = vector.broadcast %broadcast_in_dim3A_228 : i32 to vector<16xi32>
      %iota3A_230 = tpu.iota {dimensions = array<i32: 0>} : vector<16xi32>
      %add3A_231 = arith.addi %broadcast_in_dim3A_229, %iota3A_230 : vector<16xi32>
      %broadcast_in_dim3A_232 = arith.constant 0.000000e+00 : f32
      %broadcast_in_dim3A_233 = vector.broadcast %broadcast_in_dim3A_232 : f32 to vector<16xf32>
      %broadcast_in_dim3A_234 = arith.constant 0.000000e+00 : f32
      %broadcast_in_dim3A_235 = vector.broadcast %broadcast_in_dim3A_234 : f32 to vector<16xf32>
      %scan3A_236 = arith.constant 0 : i32
      %scan3A_237 = arith.constant 200 : i32
      %scan3A_238 = arith.addi %scan3A_236, %scan3A_237 : i32
      %scan3A_239 = arith.constant 1 : i32
      %scan3A_240:2 = scf.for %scan3A_299 = %scan3A_236 to %scan3A_238 step %scan3A_239 iter_args(%scan3A_300 = %broadcast_in_dim3A_233, %scan3A_301 = %broadcast_in_dim3A_235) -> (vector<16xf32>, vector<16xf32>)  : i32 {
        %broadcast_in_dim3A_302 = vector.broadcast %scan3A_299 : i32 to vector<16xi32>
        %gather3A = tpu.vector_load_idx %arg7[%add3A_231, %broadcast_in_dim3A_302] : memref<64x200xi32, #tpu.memory_space<vmem>>[vector<16xi32>, vector<16xi32>], vector<16xi32>,
        %gather3A_303 = tpu.vector_load_idx %arg6[%gather3A] : memref<100000xf32, #tpu.memory_space<vmem>>[vector<16xi32>], vector<16xf32>,
        %ne3A = arith.constant 1 : i32
        %ne3A_304 = vector.broadcast %ne3A : i32 to vector<16xi32>
        %ne3A_305 = arith.cmpi ne, %gather3A, %ne3A_304 : vector<16xi32>
        %broadcast_in_dim3A_306 = arith.constant 0.000000e+00 : f32
        %broadcast_in_dim3A_307 = vector.broadcast %broadcast_in_dim3A_306 : f32 to vector<16xf32>
        %select_n3A = arith.select %ne3A_305, %gather3A_303, %broadcast_in_dim3A_307 : vector<16xi1>, vector<16xf32>
        %add3A_308 = arith.addf %scan3A_300, %select_n3A : vector<16xf32>
        %broadcast_in_dim3A_309 = arith.constant 1.000000e+00 : f32
        %broadcast_in_dim3A_310 = vector.broadcast %broadcast_in_dim3A_309 : f32 to vector<16xf32>
        %select_n3A_311 = arith.select %ne3A_305, %broadcast_in_dim3A_310, %broadcast_in_dim3A_307 : vector<16xi1>, vector<16xf32>
        %add3A_312 = arith.addf %scan3A_301, %select_n3A_311 : vector<16xf32>
        scf.yield %add3A_308, %add3A_312 : vector<16xf32>, vector<16xf32>
      }
      %scan3A_241 = arith.constant 200 : i32
      %div3A_242 = arith.divf %scan3A_240#0, %scan3A_240#1 : vector<16xf32>
      %swap3A_243 = arith.constant 0 : index
      %swap3A_244 = tpu.vector_load %arg8[%swap3A_243] {strides = array<i32>} : memref<64xf32, #tpu.memory_space<vmem>>, vector<16xf32>,
      tpu.vector_store %arg8[%swap3A_243], %div3A_242 {strides = array<i32>} : memref<64xf32, #tpu.memory_space<vmem>>, vector<16xf32>,
      %broadcast_in_dim3A_245 = arith.constant 16 : i32
      %broadcast_in_dim3A_246 = vector.broadcast %broadcast_in_dim3A_245 : i32 to vector<16xi32>
      %iota3A_247 = tpu.iota {dimensions = array<i32: 0>} : vector<16xi32>
      %add3A_248 = arith.addi %broadcast_in_dim3A_246, %iota3A_247 : vector<16xi32>
      %broadcast_in_dim3A_249 = arith.constant 0.000000e+00 : f32
      %broadcast_in_dim3A_250 = vector.broadcast %broadcast_in_dim3A_249 : f32 to vector<16xf32>
      %broadcast_in_dim3A_251 = arith.constant 0.000000e+00 : f32
      %broadcast_in_dim3A_252 = vector.broadcast %broadcast_in_dim3A_251 : f32 to vector<16xf32>
      %scan3A_253 = arith.constant 0 : i32
      %scan3A_254 = arith.constant 200 : i32
      %scan3A_255 = arith.addi %scan3A_253, %scan3A_254 : i32
      %scan3A_256 = arith.constant 1 : i32
      %scan3A_257:2 = scf.for %scan3A_299 = %scan3A_253 to %scan3A_255 step %scan3A_256 iter_args(%scan3A_300 = %broadcast_in_dim3A_250, %scan3A_301 = %broadcast_in_dim3A_252) -> (vector<16xf32>, vector<16xf32>)  : i32 {
        %broadcast_in_dim3A_302 = vector.broadcast %scan3A_299 : i32 to vector<16xi32>
        %gather3A = tpu.vector_load_idx %arg7[%add3A_248, %broadcast_in_dim3A_302] : memref<64x200xi32, #tpu.memory_space<vmem>>[vector<16xi32>, vector<16xi32>], vector<16xi32>,
        %gather3A_303 = tpu.vector_load_idx %arg6[%gather3A] : memref<100000xf32, #tpu.memory_space<vmem>>[vector<16xi32>], vector<16xf32>,
        %ne3A = arith.constant 1 : i32
        %ne3A_304 = vector.broadcast %ne3A : i32 to vector<16xi32>
        %ne3A_305 = arith.cmpi ne, %gather3A, %ne3A_304 : vector<16xi32>
        %broadcast_in_dim3A_306 = arith.constant 0.000000e+00 : f32
        %broadcast_in_dim3A_307 = vector.broadcast %broadcast_in_dim3A_306 : f32 to vector<16xf32>
        %select_n3A = arith.select %ne3A_305, %gather3A_303, %broadcast_in_dim3A_307 : vector<16xi1>, vector<16xf32>
        %add3A_308 = arith.addf %scan3A_300, %select_n3A : vector<16xf32>
        %broadcast_in_dim3A_309 = arith.constant 1.000000e+00 : f32
        %broadcast_in_dim3A_310 = vector.broadcast %broadcast_in_dim3A_309 : f32 to vector<16xf32>
        %select_n3A_311 = arith.select %ne3A_305, %broadcast_in_dim3A_310, %broadcast_in_dim3A_307 : vector<16xi1>, vector<16xf32>
        %add3A_312 = arith.addf %scan3A_301, %select_n3A_311 : vector<16xf32>
        scf.yield %add3A_308, %add3A_312 : vector<16xf32>, vector<16xf32>
      }
      %scan3A_258 = arith.constant 200 : i32
      %div3A_259 = arith.divf %scan3A_257#0, %scan3A_257#1 : vector<16xf32>
      %swap3A_260 = arith.constant 16 : index
      %swap3A_261 = tpu.vector_load %arg8[%swap3A_260] {strides = array<i32>} : memref<64xf32, #tpu.memory_space<vmem>>, vector<16xf32>,
      tpu.vector_store %arg8[%swap3A_260], %div3A_259 {strides = array<i32>} : memref<64xf32, #tpu.memory_space<vmem>>, vector<16xf32>,
      %broadcast_in_dim3A_262 = arith.constant 32 : i32
      %broadcast_in_dim3A_263 = vector.broadcast %broadcast_in_dim3A_262 : i32 to vector<16xi32>
      %iota3A_264 = tpu.iota {dimensions = array<i32: 0>} : vector<16xi32>
      %add3A_265 = arith.addi %broadcast_in_dim3A_263, %iota3A_264 : vector<16xi32>
      %broadcast_in_dim3A_266 = arith.constant 0.000000e+00 : f32
      %broadcast_in_dim3A_267 = vector.broadcast %broadcast_in_dim3A_266 : f32 to vector<16xf32>
      %broadcast_in_dim3A_268 = arith.constant 0.000000e+00 : f32
      %broadcast_in_dim3A_269 = vector.broadcast %broadcast_in_dim3A_268 : f32 to vector<16xf32>
      %scan3A_270 = arith.constant 0 : i32
      %scan3A_271 = arith.constant 200 : i32
      %scan3A_272 = arith.addi %scan3A_270, %scan3A_271 : i32
      %scan3A_273 = arith.constant 1 : i32
      %scan3A_274:2 = scf.for %scan3A_299 = %scan3A_270 to %scan3A_272 step %scan3A_273 iter_args(%scan3A_300 = %broadcast_in_dim3A_267, %scan3A_301 = %broadcast_in_dim3A_269) -> (vector<16xf32>, vector<16xf32>)  : i32 {
        %broadcast_in_dim3A_302 = vector.broadcast %scan3A_299 : i32 to vector<16xi32>
        %gather3A = tpu.vector_load_idx %arg7[%add3A_265, %broadcast_in_dim3A_302] : memref<64x200xi32, #tpu.memory_space<vmem>>[vector<16xi32>, vector<16xi32>], vector<16xi32>,
        %gather3A_303 = tpu.vector_load_idx %arg6[%gather3A] : memref<100000xf32, #tpu.memory_space<vmem>>[vector<16xi32>], vector<16xf32>,
        %ne3A = arith.constant 1 : i32
        %ne3A_304 = vector.broadcast %ne3A : i32 to vector<16xi32>
        %ne3A_305 = arith.cmpi ne, %gather3A, %ne3A_304 : vector<16xi32>
        %broadcast_in_dim3A_306 = arith.constant 0.000000e+00 : f32
        %broadcast_in_dim3A_307 = vector.broadcast %broadcast_in_dim3A_306 : f32 to vector<16xf32>
        %select_n3A = arith.select %ne3A_305, %gather3A_303, %broadcast_in_dim3A_307 : vector<16xi1>, vector<16xf32>
        %add3A_308 = arith.addf %scan3A_300, %select_n3A : vector<16xf32>
        %broadcast_in_dim3A_309 = arith.constant 1.000000e+00 : f32
        %broadcast_in_dim3A_310 = vector.broadcast %broadcast_in_dim3A_309 : f32 to vector<16xf32>
        %select_n3A_311 = arith.select %ne3A_305, %broadcast_in_dim3A_310, %broadcast_in_dim3A_307 : vector<16xi1>, vector<16xf32>
        %add3A_312 = arith.addf %scan3A_301, %select_n3A_311 : vector<16xf32>
        scf.yield %add3A_308, %add3A_312 : vector<16xf32>, vector<16xf32>
      }
      %scan3A_275 = arith.constant 200 : i32
      %div3A_276 = arith.divf %scan3A_274#0, %scan3A_274#1 : vector<16xf32>
      %swap3A_277 = arith.constant 32 : index
      %swap3A_278 = tpu.vector_load %arg8[%swap3A_277] {strides = array<i32>} : memref<64xf32, #tpu.memory_space<vmem>>, vector<16xf32>,
      tpu.vector_store %arg8[%swap3A_277], %div3A_276 {strides = array<i32>} : memref<64xf32, #tpu.memory_space<vmem>>, vector<16xf32>,
      %broadcast_in_dim3A_279 = arith.constant 48 : i32
      %broadcast_in_dim3A_280 = vector.broadcast %broadcast_in_dim3A_279 : i32 to vector<16xi32>
      %iota3A_281 = tpu.iota {dimensions = array<i32: 0>} : vector<16xi32>
      %add3A_282 = arith.addi %broadcast_in_dim3A_280, %iota3A_281 : vector<16xi32>
      %broadcast_in_dim3A_283 = arith.constant 0.000000e+00 : f32
      %broadcast_in_dim3A_284 = vector.broadcast %broadcast_in_dim3A_283 : f32 to vector<16xf32>
      %broadcast_in_dim3A_285 = arith.constant 0.000000e+00 : f32
      %broadcast_in_dim3A_286 = vector.broadcast %broadcast_in_dim3A_285 : f32 to vector<16xf32>
      %scan3A_287 = arith.constant 0 : i32
      %scan3A_288 = arith.constant 200 : i32
      %scan3A_289 = arith.addi %scan3A_287, %scan3A_288 : i32
      %scan3A_290 = arith.constant 1 : i32
      %scan3A_291:2 = scf.for %scan3A_299 = %scan3A_287 to %scan3A_289 step %scan3A_290 iter_args(%scan3A_300 = %broadcast_in_dim3A_284, %scan3A_301 = %broadcast_in_dim3A_286) -> (vector<16xf32>, vector<16xf32>)  : i32 {
        %broadcast_in_dim3A_302 = vector.broadcast %scan3A_299 : i32 to vector<16xi32>
        %gather3A = tpu.vector_load_idx %arg7[%add3A_282, %broadcast_in_dim3A_302] : memref<64x200xi32, #tpu.memory_space<vmem>>[vector<16xi32>, vector<16xi32>], vector<16xi32>,
        %gather3A_303 = tpu.vector_load_idx %arg6[%gather3A] : memref<100000xf32, #tpu.memory_space<vmem>>[vector<16xi32>], vector<16xf32>,
        %ne3A = arith.constant 1 : i32
        %ne3A_304 = vector.broadcast %ne3A : i32 to vector<16xi32>
        %ne3A_305 = arith.cmpi ne, %gather3A, %ne3A_304 : vector<16xi32>
        %broadcast_in_dim3A_306 = arith.constant 0.000000e+00 : f32
        %broadcast_in_dim3A_307 = vector.broadcast %broadcast_in_dim3A_306 : f32 to vector<16xf32>
        %select_n3A = arith.select %ne3A_305, %gather3A_303, %broadcast_in_dim3A_307 : vector<16xi1>, vector<16xf32>
        %add3A_308 = arith.addf %scan3A_300, %select_n3A : vector<16xf32>
        %broadcast_in_dim3A_309 = arith.constant 1.000000e+00 : f32
        %broadcast_in_dim3A_310 = vector.broadcast %broadcast_in_dim3A_309 : f32 to vector<16xf32>
        %select_n3A_311 = arith.select %ne3A_305, %broadcast_in_dim3A_310, %broadcast_in_dim3A_307 : vector<16xi1>, vector<16xf32>
        %add3A_312 = arith.addf %scan3A_301, %select_n3A_311 : vector<16xf32>
        scf.yield %add3A_308, %add3A_312 : vector<16xf32>, vector<16xf32>
      }
      %scan3A_292 = arith.constant 200 : i32
      %div3A_293 = arith.divf %scan3A_291#0, %scan3A_291#1 : vector<16xf32>
      %swap3A_294 = arith.constant 48 : index
      %swap3A_295 = tpu.vector_load %arg8[%swap3A_294] {strides = array<i32>} : memref<64xf32, #tpu.memory_space<vmem>>, vector<16xf32>,
      tpu.vector_store %arg8[%swap3A_294], %div3A_293 {strides = array<i32>} : memref<64xf32, #tpu.memory_space<vmem>>, vector<16xf32>,
      %mul3A_296 = arith.constant 64 : i32
      %mul3A_297 = arith.muli %add3A_227, %mul3A_296 : i32
      %run_scoped3A_298 = arith.constant 0 : i32
      "tpu.region"() ({
        %run_scoped3A_299 = tpu.sem_alloc : memref<!tpu.dma_semaphore, #tpu.memory_space<semaphore_mem>>
        %dma_start3A = tpu.memref_slice %arg5[%run_scoped3A_298, %mul3A_297] : memref<2x4096xf32, #tpu.memory_space<hbm>> -> memref<1x64xf32, #tpu.memory_space<hbm>>
        %dma_start3A_300 = tpu.memref_squeeze %dma_start3A : memref<1x64xf32, #tpu.memory_space<hbm>> -> memref<64xf32, #tpu.memory_space<hbm>>
        %dma_start3A_301 = tpu.memref_slice %arg5[%run_scoped3A_298, %mul3A_297] : memref<2x4096xf32, #tpu.memory_space<hbm>> -> memref<1x64xf32, #tpu.memory_space<hbm>>
        %dma_start3A_302 = tpu.memref_squeeze %dma_start3A_301 : memref<1x64xf32, #tpu.memory_space<hbm>> -> memref<64xf32, #tpu.memory_space<hbm>>
        tpu.enqueue_dma source(%arg8 : memref<64xf32, #tpu.memory_space<vmem>>) target(%dma_start3A_302 : memref<64xf32, #tpu.memory_space<hbm>>) target_semaphore(%run_scoped3A_299 : memref<!tpu.dma_semaphore, #tpu.memory_space<semaphore_mem>>)
        %dma_wait3A = tpu.memref_slice %arg5[%run_scoped3A_298, %mul3A_297] : memref<2x4096xf32, #tpu.memory_space<hbm>> -> memref<1x64xf32, #tpu.memory_space<hbm>>
        %dma_wait3A_303 = tpu.memref_squeeze %dma_wait3A : memref<1x64xf32, #tpu.memory_space<hbm>> -> memref<64xf32, #tpu.memory_space<hbm>>
        %dma_wait3A_304 = tpu.memref_slice %arg5[%run_scoped3A_298, %mul3A_297] : memref<2x4096xf32, #tpu.memory_space<hbm>> -> memref<1x64xf32, #tpu.memory_space<hbm>>
        %dma_wait3A_305 = tpu.memref_squeeze %dma_wait3A_304 : memref<1x64xf32, #tpu.memory_space<hbm>> -> memref<64xf32, #tpu.memory_space<hbm>>
        tpu.wait_dma2 semaphore(%run_scoped3A_299 : memref<!tpu.dma_semaphore, #tpu.memory_space<semaphore_mem>>) src(%arg8 : memref<64xf32, #tpu.memory_space<vmem>>) dst(%dma_wait3A_305 : memref<64xf32, #tpu.memory_space<hbm>>)
        tpu.yield
      }) : () -> ()
    } else {
    }
    %eq3A_2 = arith.constant 1 : i32
    %eq3A_3 = arith.cmpi eq, %arg0, %eq3A_2 : i32
    %convert_element_type3A_4 = arith.extui %eq3A_3 : i1 to i32
    %cond3A_5 = arith.constant 0 : i32
    %cond3A_6 = arith.cmpi ne, %convert_element_type3A_4, %cond3A_5 : i32
    scf.if %cond3A_6 {
      %mul3A = arith.constant 4 : i32
      %mul3A_7 = arith.muli %arg1, %mul3A : i32
      %add3A = arith.constant 0 : i32
      %add3A_8 = arith.addi %mul3A_7, %add3A : i32
      "tpu.region"() ({
        %run_scoped3A_299 = tpu.sem_alloc : memref<!tpu.dma_semaphore, #tpu.memory_space<semaphore_mem>>
        %dma_start3A = arith.constant 0 : i32
        %dma_start3A_300 = arith.constant 0 : i32
        %dma_start3A_301 = tpu.memref_slice %arg4[%add3A_8, %dma_start3A, %dma_start3A_300] : memref<64x64x200xi32, #tpu.memory_space<hbm>> -> memref<1x64x200xi32, #tpu.memory_space<hbm>>
        %dma_start3A_302 = tpu.memref_squeeze %dma_start3A_301 : memref<1x64x200xi32, #tpu.memory_space<hbm>> -> memref<64x200xi32, #tpu.memory_space<hbm>>
        %dma_start3A_303 = arith.constant 0 : i32
        %dma_start3A_304 = arith.constant 0 : i32
        %dma_start3A_305 = tpu.memref_slice %arg4[%add3A_8, %dma_start3A_303, %dma_start3A_304] : memref<64x64x200xi32, #tpu.memory_space<hbm>> -> memref<1x64x200xi32, #tpu.memory_space<hbm>>
        %dma_start3A_306 = tpu.memref_squeeze %dma_start3A_305 : memref<1x64x200xi32, #tpu.memory_space<hbm>> -> memref<64x200xi32, #tpu.memory_space<hbm>>
        tpu.enqueue_dma source(%dma_start3A_306 : memref<64x200xi32, #tpu.memory_space<hbm>>) target(%arg7 : memref<64x200xi32, #tpu.memory_space<vmem>>) target_semaphore(%run_scoped3A_299 : memref<!tpu.dma_semaphore, #tpu.memory_space<semaphore_mem>>)
        %dma_wait3A = arith.constant 0 : i32
        %dma_wait3A_307 = arith.constant 0 : i32
        %dma_wait3A_308 = tpu.memref_slice %arg4[%add3A_8, %dma_wait3A, %dma_wait3A_307] : memref<64x64x200xi32, #tpu.memory_space<hbm>> -> memref<1x64x200xi32, #tpu.memory_space<hbm>>
        %dma_wait3A_309 = tpu.memref_squeeze %dma_wait3A_308 : memref<1x64x200xi32, #tpu.memory_space<hbm>> -> memref<64x200xi32, #tpu.memory_space<hbm>>
        %dma_wait3A_310 = arith.constant 0 : i32
        %dma_wait3A_311 = arith.constant 0 : i32
        %dma_wait3A_312 = tpu.memref_slice %arg4[%add3A_8, %dma_wait3A_310, %dma_wait3A_311] : memref<64x64x200xi32, #tpu.memory_space<hbm>> -> memref<1x64x200xi32, #tpu.memory_space<hbm>>
        %dma_wait3A_313 = tpu.memref_squeeze %dma_wait3A_312 : memref<1x64x200xi32, #tpu.memory_space<hbm>> -> memref<64x200xi32, #tpu.memory_space<hbm>>
        tpu.wait_dma2 semaphore(%run_scoped3A_299 : memref<!tpu.dma_semaphore, #tpu.memory_space<semaphore_mem>>) src(%dma_wait3A_313 : memref<64x200xi32, #tpu.memory_space<hbm>>) dst(%arg7 : memref<64x200xi32, #tpu.memory_space<vmem>>)
        tpu.yield
      }) : () -> ()
      %broadcast_in_dim3A = arith.constant 0 : i32
      %broadcast_in_dim3A_9 = vector.broadcast %broadcast_in_dim3A : i32 to vector<16xi32>
      %iota3A = tpu.iota {dimensions = array<i32: 0>} : vector<16xi32>
      %add3A_10 = arith.addi %broadcast_in_dim3A_9, %iota3A : vector<16xi32>
      %broadcast_in_dim3A_11 = arith.constant 0.000000e+00 : f32
      %broadcast_in_dim3A_12 = vector.broadcast %broadcast_in_dim3A_11 : f32 to vector<16xf32>
      %broadcast_in_dim3A_13 = arith.constant 0.000000e+00 : f32
      %broadcast_in_dim3A_14 = vector.broadcast %broadcast_in_dim3A_13 : f32 to vector<16xf32>
      %scan3A = arith.constant 0 : i32
      %scan3A_15 = arith.constant 200 : i32
      %scan3A_16 = arith.addi %scan3A, %scan3A_15 : i32
      %scan3A_17 = arith.constant 1 : i32
      %scan3A_18:2 = scf.for %scan3A_299 = %scan3A to %scan3A_16 step %scan3A_17 iter_args(%scan3A_300 = %broadcast_in_dim3A_12, %scan3A_301 = %broadcast_in_dim3A_14) -> (vector<16xf32>, vector<16xf32>)  : i32 {
        %broadcast_in_dim3A_302 = vector.broadcast %scan3A_299 : i32 to vector<16xi32>
        %gather3A = tpu.vector_load_idx %arg7[%add3A_10, %broadcast_in_dim3A_302] : memref<64x200xi32, #tpu.memory_space<vmem>>[vector<16xi32>, vector<16xi32>], vector<16xi32>,
        %gather3A_303 = tpu.vector_load_idx %arg6[%gather3A] : memref<100000xf32, #tpu.memory_space<vmem>>[vector<16xi32>], vector<16xf32>,
        %ne3A = arith.constant 1 : i32
        %ne3A_304 = vector.broadcast %ne3A : i32 to vector<16xi32>
        %ne3A_305 = arith.cmpi ne, %gather3A, %ne3A_304 : vector<16xi32>
        %broadcast_in_dim3A_306 = arith.constant 0.000000e+00 : f32
        %broadcast_in_dim3A_307 = vector.broadcast %broadcast_in_dim3A_306 : f32 to vector<16xf32>
        %select_n3A = arith.select %ne3A_305, %gather3A_303, %broadcast_in_dim3A_307 : vector<16xi1>, vector<16xf32>
        %add3A_308 = arith.addf %scan3A_300, %select_n3A : vector<16xf32>
        %broadcast_in_dim3A_309 = arith.constant 1.000000e+00 : f32
        %broadcast_in_dim3A_310 = vector.broadcast %broadcast_in_dim3A_309 : f32 to vector<16xf32>
        %select_n3A_311 = arith.select %ne3A_305, %broadcast_in_dim3A_310, %broadcast_in_dim3A_307 : vector<16xi1>, vector<16xf32>
        %add3A_312 = arith.addf %scan3A_301, %select_n3A_311 : vector<16xf32>
        scf.yield %add3A_308, %add3A_312 : vector<16xf32>, vector<16xf32>
      }
      %scan3A_19 = arith.constant 200 : i32
      %div3A = arith.divf %scan3A_18#0, %scan3A_18#1 : vector<16xf32>
      %swap3A = arith.constant 0 : index
      %swap3A_20 = tpu.vector_load %arg8[%swap3A] {strides = array<i32>} : memref<64xf32, #tpu.memory_space<vmem>>, vector<16xf32>,
      tpu.vector_store %arg8[%swap3A], %div3A {strides = array<i32>} : memref<64xf32, #tpu.memory_space<vmem>>, vector<16xf32>,
      %broadcast_in_dim3A_21 = arith.constant 16 : i32
      %broadcast_in_dim3A_22 = vector.broadcast %broadcast_in_dim3A_21 : i32 to vector<16xi32>
      %iota3A_23 = tpu.iota {dimensions = array<i32: 0>} : vector<16xi32>
      %add3A_24 = arith.addi %broadcast_in_dim3A_22, %iota3A_23 : vector<16xi32>
      %broadcast_in_dim3A_25 = arith.constant 0.000000e+00 : f32
      %broadcast_in_dim3A_26 = vector.broadcast %broadcast_in_dim3A_25 : f32 to vector<16xf32>
      %broadcast_in_dim3A_27 = arith.constant 0.000000e+00 : f32
      %broadcast_in_dim3A_28 = vector.broadcast %broadcast_in_dim3A_27 : f32 to vector<16xf32>
      %scan3A_29 = arith.constant 0 : i32
      %scan3A_30 = arith.constant 200 : i32
      %scan3A_31 = arith.addi %scan3A_29, %scan3A_30 : i32
      %scan3A_32 = arith.constant 1 : i32
      %scan3A_33:2 = scf.for %scan3A_299 = %scan3A_29 to %scan3A_31 step %scan3A_32 iter_args(%scan3A_300 = %broadcast_in_dim3A_26, %scan3A_301 = %broadcast_in_dim3A_28) -> (vector<16xf32>, vector<16xf32>)  : i32 {
        %broadcast_in_dim3A_302 = vector.broadcast %scan3A_299 : i32 to vector<16xi32>
        %gather3A = tpu.vector_load_idx %arg7[%add3A_24, %broadcast_in_dim3A_302] : memref<64x200xi32, #tpu.memory_space<vmem>>[vector<16xi32>, vector<16xi32>], vector<16xi32>,
        %gather3A_303 = tpu.vector_load_idx %arg6[%gather3A] : memref<100000xf32, #tpu.memory_space<vmem>>[vector<16xi32>], vector<16xf32>,
        %ne3A = arith.constant 1 : i32
        %ne3A_304 = vector.broadcast %ne3A : i32 to vector<16xi32>
        %ne3A_305 = arith.cmpi ne, %gather3A, %ne3A_304 : vector<16xi32>
        %broadcast_in_dim3A_306 = arith.constant 0.000000e+00 : f32
        %broadcast_in_dim3A_307 = vector.broadcast %broadcast_in_dim3A_306 : f32 to vector<16xf32>
        %select_n3A = arith.select %ne3A_305, %gather3A_303, %broadcast_in_dim3A_307 : vector<16xi1>, vector<16xf32>
        %add3A_308 = arith.addf %scan3A_300, %select_n3A : vector<16xf32>
        %broadcast_in_dim3A_309 = arith.constant 1.000000e+00 : f32
        %broadcast_in_dim3A_310 = vector.broadcast %broadcast_in_dim3A_309 : f32 to vector<16xf32>
        %select_n3A_311 = arith.select %ne3A_305, %broadcast_in_dim3A_310, %broadcast_in_dim3A_307 : vector<16xi1>, vector<16xf32>
        %add3A_312 = arith.addf %scan3A_301, %select_n3A_311 : vector<16xf32>
        scf.yield %add3A_308, %add3A_312 : vector<16xf32>, vector<16xf32>
      }
      %scan3A_34 = arith.constant 200 : i32
      %div3A_35 = arith.divf %scan3A_33#0, %scan3A_33#1 : vector<16xf32>
      %swap3A_36 = arith.constant 16 : index
      %swap3A_37 = tpu.vector_load %arg8[%swap3A_36] {strides = array<i32>} : memref<64xf32, #tpu.memory_space<vmem>>, vector<16xf32>,
      tpu.vector_store %arg8[%swap3A_36], %div3A_35 {strides = array<i32>} : memref<64xf32, #tpu.memory_space<vmem>>, vector<16xf32>,
      %broadcast_in_dim3A_38 = arith.constant 32 : i32
      %broadcast_in_dim3A_39 = vector.broadcast %broadcast_in_dim3A_38 : i32 to vector<16xi32>
      %iota3A_40 = tpu.iota {dimensions = array<i32: 0>} : vector<16xi32>
      %add3A_41 = arith.addi %broadcast_in_dim3A_39, %iota3A_40 : vector<16xi32>
      %broadcast_in_dim3A_42 = arith.constant 0.000000e+00 : f32
      %broadcast_in_dim3A_43 = vector.broadcast %broadcast_in_dim3A_42 : f32 to vector<16xf32>
      %broadcast_in_dim3A_44 = arith.constant 0.000000e+00 : f32
      %broadcast_in_dim3A_45 = vector.broadcast %broadcast_in_dim3A_44 : f32 to vector<16xf32>
      %scan3A_46 = arith.constant 0 : i32
      %scan3A_47 = arith.constant 200 : i32
      %scan3A_48 = arith.addi %scan3A_46, %scan3A_47 : i32
      %scan3A_49 = arith.constant 1 : i32
      %scan3A_50:2 = scf.for %scan3A_299 = %scan3A_46 to %scan3A_48 step %scan3A_49 iter_args(%scan3A_300 = %broadcast_in_dim3A_43, %scan3A_301 = %broadcast_in_dim3A_45) -> (vector<16xf32>, vector<16xf32>)  : i32 {
        %broadcast_in_dim3A_302 = vector.broadcast %scan3A_299 : i32 to vector<16xi32>
        %gather3A = tpu.vector_load_idx %arg7[%add3A_41, %broadcast_in_dim3A_302] : memref<64x200xi32, #tpu.memory_space<vmem>>[vector<16xi32>, vector<16xi32>], vector<16xi32>,
        %gather3A_303 = tpu.vector_load_idx %arg6[%gather3A] : memref<100000xf32, #tpu.memory_space<vmem>>[vector<16xi32>], vector<16xf32>,
        %ne3A = arith.constant 1 : i32
        %ne3A_304 = vector.broadcast %ne3A : i32 to vector<16xi32>
        %ne3A_305 = arith.cmpi ne, %gather3A, %ne3A_304 : vector<16xi32>
        %broadcast_in_dim3A_306 = arith.constant 0.000000e+00 : f32
        %broadcast_in_dim3A_307 = vector.broadcast %broadcast_in_dim3A_306 : f32 to vector<16xf32>
        %select_n3A = arith.select %ne3A_305, %gather3A_303, %broadcast_in_dim3A_307 : vector<16xi1>, vector<16xf32>
        %add3A_308 = arith.addf %scan3A_300, %select_n3A : vector<16xf32>
        %broadcast_in_dim3A_309 = arith.constant 1.000000e+00 : f32
        %broadcast_in_dim3A_310 = vector.broadcast %broadcast_in_dim3A_309 : f32 to vector<16xf32>
        %select_n3A_311 = arith.select %ne3A_305, %broadcast_in_dim3A_310, %broadcast_in_dim3A_307 : vector<16xi1>, vector<16xf32>
        %add3A_312 = arith.addf %scan3A_301, %select_n3A_311 : vector<16xf32>
        scf.yield %add3A_308, %add3A_312 : vector<16xf32>, vector<16xf32>
      }
      %scan3A_51 = arith.constant 200 : i32
      %div3A_52 = arith.divf %scan3A_50#0, %scan3A_50#1 : vector<16xf32>
      %swap3A_53 = arith.constant 32 : index
      %swap3A_54 = tpu.vector_load %arg8[%swap3A_53] {strides = array<i32>} : memref<64xf32, #tpu.memory_space<vmem>>, vector<16xf32>,
      tpu.vector_store %arg8[%swap3A_53], %div3A_52 {strides = array<i32>} : memref<64xf32, #tpu.memory_space<vmem>>, vector<16xf32>,
      %broadcast_in_dim3A_55 = arith.constant 48 : i32
      %broadcast_in_dim3A_56 = vector.broadcast %broadcast_in_dim3A_55 : i32 to vector<16xi32>
      %iota3A_57 = tpu.iota {dimensions = array<i32: 0>} : vector<16xi32>
      %add3A_58 = arith.addi %broadcast_in_dim3A_56, %iota3A_57 : vector<16xi32>
      %broadcast_in_dim3A_59 = arith.constant 0.000000e+00 : f32
      %broadcast_in_dim3A_60 = vector.broadcast %broadcast_in_dim3A_59 : f32 to vector<16xf32>
      %broadcast_in_dim3A_61 = arith.constant 0.000000e+00 : f32
      %broadcast_in_dim3A_62 = vector.broadcast %broadcast_in_dim3A_61 : f32 to vector<16xf32>
      %scan3A_63 = arith.constant 0 : i32
      %scan3A_64 = arith.constant 200 : i32
      %scan3A_65 = arith.addi %scan3A_63, %scan3A_64 : i32
      %scan3A_66 = arith.constant 1 : i32
      %scan3A_67:2 = scf.for %scan3A_299 = %scan3A_63 to %scan3A_65 step %scan3A_66 iter_args(%scan3A_300 = %broadcast_in_dim3A_60, %scan3A_301 = %broadcast_in_dim3A_62) -> (vector<16xf32>, vector<16xf32>)  : i32 {
        %broadcast_in_dim3A_302 = vector.broadcast %scan3A_299 : i32 to vector<16xi32>
        %gather3A = tpu.vector_load_idx %arg7[%add3A_58, %broadcast_in_dim3A_302] : memref<64x200xi32, #tpu.memory_space<vmem>>[vector<16xi32>, vector<16xi32>], vector<16xi32>,
        %gather3A_303 = tpu.vector_load_idx %arg6[%gather3A] : memref<100000xf32, #tpu.memory_space<vmem>>[vector<16xi32>], vector<16xf32>,
        %ne3A = arith.constant 1 : i32
        %ne3A_304 = vector.broadcast %ne3A : i32 to vector<16xi32>
        %ne3A_305 = arith.cmpi ne, %gather3A, %ne3A_304 : vector<16xi32>
        %broadcast_in_dim3A_306 = arith.constant 0.000000e+00 : f32
        %broadcast_in_dim3A_307 = vector.broadcast %broadcast_in_dim3A_306 : f32 to vector<16xf32>
        %select_n3A = arith.select %ne3A_305, %gather3A_303, %broadcast_in_dim3A_307 : vector<16xi1>, vector<16xf32>
        %add3A_308 = arith.addf %scan3A_300, %select_n3A : vector<16xf32>
        %broadcast_in_dim3A_309 = arith.constant 1.000000e+00 : f32
        %broadcast_in_dim3A_310 = vector.broadcast %broadcast_in_dim3A_309 : f32 to vector<16xf32>
        %select_n3A_311 = arith.select %ne3A_305, %broadcast_in_dim3A_310, %broadcast_in_dim3A_307 : vector<16xi1>, vector<16xf32>
        %add3A_312 = arith.addf %scan3A_301, %select_n3A_311 : vector<16xf32>
        scf.yield %add3A_308, %add3A_312 : vector<16xf32>, vector<16xf32>
      }
      %scan3A_68 = arith.constant 200 : i32
      %div3A_69 = arith.divf %scan3A_67#0, %scan3A_67#1 : vector<16xf32>
      %swap3A_70 = arith.constant 48 : index
      %swap3A_71 = tpu.vector_load %arg8[%swap3A_70] {strides = array<i32>} : memref<64xf32, #tpu.memory_space<vmem>>, vector<16xf32>,
      tpu.vector_store %arg8[%swap3A_70], %div3A_69 {strides = array<i32>} : memref<64xf32, #tpu.memory_space<vmem>>, vector<16xf32>,
      %mul3A_72 = arith.constant 64 : i32
      %mul3A_73 = arith.muli %add3A_8, %mul3A_72 : i32
      %run_scoped3A = arith.constant 1 : i32
      "tpu.region"() ({
        %run_scoped3A_299 = tpu.sem_alloc : memref<!tpu.dma_semaphore, #tpu.memory_space<semaphore_mem>>
        %dma_start3A = tpu.memref_slice %arg5[%run_scoped3A, %mul3A_73] : memref<2x4096xf32, #tpu.memory_space<hbm>> -> memref<1x64xf32, #tpu.memory_space<hbm>>
        %dma_start3A_300 = tpu.memref_squeeze %dma_start3A : memref<1x64xf32, #tpu.memory_space<hbm>> -> memref<64xf32, #tpu.memory_space<hbm>>
        %dma_start3A_301 = tpu.memref_slice %arg5[%run_scoped3A, %mul3A_73] : memref<2x4096xf32, #tpu.memory_space<hbm>> -> memref<1x64xf32, #tpu.memory_space<hbm>>
        %dma_start3A_302 = tpu.memref_squeeze %dma_start3A_301 : memref<1x64xf32, #tpu.memory_space<hbm>> -> memref<64xf32, #tpu.memory_space<hbm>>
        tpu.enqueue_dma source(%arg8 : memref<64xf32, #tpu.memory_space<vmem>>) target(%dma_start3A_302 : memref<64xf32, #tpu.memory_space<hbm>>) target_semaphore(%run_scoped3A_299 : memref<!tpu.dma_semaphore, #tpu.memory_space<semaphore_mem>>)
        %dma_wait3A = tpu.memref_slice %arg5[%run_scoped3A, %mul3A_73] : memref<2x4096xf32, #tpu.memory_space<hbm>> -> memref<1x64xf32, #tpu.memory_space<hbm>>
        %dma_wait3A_303 = tpu.memref_squeeze %dma_wait3A : memref<1x64xf32, #tpu.memory_space<hbm>> -> memref<64xf32, #tpu.memory_space<hbm>>
        %dma_wait3A_304 = tpu.memref_slice %arg5[%run_scoped3A, %mul3A_73] : memref<2x4096xf32, #tpu.memory_space<hbm>> -> memref<1x64xf32, #tpu.memory_space<hbm>>
        %dma_wait3A_305 = tpu.memref_squeeze %dma_wait3A_304 : memref<1x64xf32, #tpu.memory_space<hbm>> -> memref<64xf32, #tpu.memory_space<hbm>>
        tpu.wait_dma2 semaphore(%run_scoped3A_299 : memref<!tpu.dma_semaphore, #tpu.memory_space<semaphore_mem>>) src(%arg8 : memref<64xf32, #tpu.memory_space<vmem>>) dst(%dma_wait3A_305 : memref<64xf32, #tpu.memory_space<hbm>>)
        tpu.yield
      }) : () -> ()
      %mul3A_74 = arith.constant 4 : i32
      %mul3A_75 = arith.muli %arg1, %mul3A_74 : i32
      %add3A_76 = arith.constant 1 : i32
      %add3A_77 = arith.addi %mul3A_75, %add3A_76 : i32
      "tpu.region"() ({
        %run_scoped3A_299 = tpu.sem_alloc : memref<!tpu.dma_semaphore, #tpu.memory_space<semaphore_mem>>
        %dma_start3A = arith.constant 0 : i32
        %dma_start3A_300 = arith.constant 0 : i32
        %dma_start3A_301 = tpu.memref_slice %arg4[%add3A_77, %dma_start3A, %dma_start3A_300] : memref<64x64x200xi32, #tpu.memory_space<hbm>> -> memref<1x64x200xi32, #tpu.memory_space<hbm>>
        %dma_start3A_302 = tpu.memref_squeeze %dma_start3A_301 : memref<1x64x200xi32, #tpu.memory_space<hbm>> -> memref<64x200xi32, #tpu.memory_space<hbm>>
        %dma_start3A_303 = arith.constant 0 : i32
        %dma_start3A_304 = arith.constant 0 : i32
        %dma_start3A_305 = tpu.memref_slice %arg4[%add3A_77, %dma_start3A_303, %dma_start3A_304] : memref<64x64x200xi32, #tpu.memory_space<hbm>> -> memref<1x64x200xi32, #tpu.memory_space<hbm>>
        %dma_start3A_306 = tpu.memref_squeeze %dma_start3A_305 : memref<1x64x200xi32, #tpu.memory_space<hbm>> -> memref<64x200xi32, #tpu.memory_space<hbm>>
        tpu.enqueue_dma source(%dma_start3A_306 : memref<64x200xi32, #tpu.memory_space<hbm>>) target(%arg7 : memref<64x200xi32, #tpu.memory_space<vmem>>) target_semaphore(%run_scoped3A_299 : memref<!tpu.dma_semaphore, #tpu.memory_space<semaphore_mem>>)
        %dma_wait3A = arith.constant 0 : i32
        %dma_wait3A_307 = arith.constant 0 : i32
        %dma_wait3A_308 = tpu.memref_slice %arg4[%add3A_77, %dma_wait3A, %dma_wait3A_307] : memref<64x64x200xi32, #tpu.memory_space<hbm>> -> memref<1x64x200xi32, #tpu.memory_space<hbm>>
        %dma_wait3A_309 = tpu.memref_squeeze %dma_wait3A_308 : memref<1x64x200xi32, #tpu.memory_space<hbm>> -> memref<64x200xi32, #tpu.memory_space<hbm>>
        %dma_wait3A_310 = arith.constant 0 : i32
        %dma_wait3A_311 = arith.constant 0 : i32
        %dma_wait3A_312 = tpu.memref_slice %arg4[%add3A_77, %dma_wait3A_310, %dma_wait3A_311] : memref<64x64x200xi32, #tpu.memory_space<hbm>> -> memref<1x64x200xi32, #tpu.memory_space<hbm>>
        %dma_wait3A_313 = tpu.memref_squeeze %dma_wait3A_312 : memref<1x64x200xi32, #tpu.memory_space<hbm>> -> memref<64x200xi32, #tpu.memory_space<hbm>>
        tpu.wait_dma2 semaphore(%run_scoped3A_299 : memref<!tpu.dma_semaphore, #tpu.memory_space<semaphore_mem>>) src(%dma_wait3A_313 : memref<64x200xi32, #tpu.memory_space<hbm>>) dst(%arg7 : memref<64x200xi32, #tpu.memory_space<vmem>>)
        tpu.yield
      }) : () -> ()
      %broadcast_in_dim3A_78 = arith.constant 0 : i32
      %broadcast_in_dim3A_79 = vector.broadcast %broadcast_in_dim3A_78 : i32 to vector<16xi32>
      %iota3A_80 = tpu.iota {dimensions = array<i32: 0>} : vector<16xi32>
      %add3A_81 = arith.addi %broadcast_in_dim3A_79, %iota3A_80 : vector<16xi32>
      %broadcast_in_dim3A_82 = arith.constant 0.000000e+00 : f32
      %broadcast_in_dim3A_83 = vector.broadcast %broadcast_in_dim3A_82 : f32 to vector<16xf32>
      %broadcast_in_dim3A_84 = arith.constant 0.000000e+00 : f32
      %broadcast_in_dim3A_85 = vector.broadcast %broadcast_in_dim3A_84 : f32 to vector<16xf32>
      %scan3A_86 = arith.constant 0 : i32
      %scan3A_87 = arith.constant 200 : i32
      %scan3A_88 = arith.addi %scan3A_86, %scan3A_87 : i32
      %scan3A_89 = arith.constant 1 : i32
      %scan3A_90:2 = scf.for %scan3A_299 = %scan3A_86 to %scan3A_88 step %scan3A_89 iter_args(%scan3A_300 = %broadcast_in_dim3A_83, %scan3A_301 = %broadcast_in_dim3A_85) -> (vector<16xf32>, vector<16xf32>)  : i32 {
        %broadcast_in_dim3A_302 = vector.broadcast %scan3A_299 : i32 to vector<16xi32>
        %gather3A = tpu.vector_load_idx %arg7[%add3A_81, %broadcast_in_dim3A_302] : memref<64x200xi32, #tpu.memory_space<vmem>>[vector<16xi32>, vector<16xi32>], vector<16xi32>,
        %gather3A_303 = tpu.vector_load_idx %arg6[%gather3A] : memref<100000xf32, #tpu.memory_space<vmem>>[vector<16xi32>], vector<16xf32>,
        %ne3A = arith.constant 1 : i32
        %ne3A_304 = vector.broadcast %ne3A : i32 to vector<16xi32>
        %ne3A_305 = arith.cmpi ne, %gather3A, %ne3A_304 : vector<16xi32>
        %broadcast_in_dim3A_306 = arith.constant 0.000000e+00 : f32
        %broadcast_in_dim3A_307 = vector.broadcast %broadcast_in_dim3A_306 : f32 to vector<16xf32>
        %select_n3A = arith.select %ne3A_305, %gather3A_303, %broadcast_in_dim3A_307 : vector<16xi1>, vector<16xf32>
        %add3A_308 = arith.addf %scan3A_300, %select_n3A : vector<16xf32>
        %broadcast_in_dim3A_309 = arith.constant 1.000000e+00 : f32
        %broadcast_in_dim3A_310 = vector.broadcast %broadcast_in_dim3A_309 : f32 to vector<16xf32>
        %select_n3A_311 = arith.select %ne3A_305, %broadcast_in_dim3A_310, %broadcast_in_dim3A_307 : vector<16xi1>, vector<16xf32>
        %add3A_312 = arith.addf %scan3A_301, %select_n3A_311 : vector<16xf32>
        scf.yield %add3A_308, %add3A_312 : vector<16xf32>, vector<16xf32>
      }
      %scan3A_91 = arith.constant 200 : i32
      %div3A_92 = arith.divf %scan3A_90#0, %scan3A_90#1 : vector<16xf32>
      %swap3A_93 = arith.constant 0 : index
      %swap3A_94 = tpu.vector_load %arg8[%swap3A_93] {strides = array<i32>} : memref<64xf32, #tpu.memory_space<vmem>>, vector<16xf32>,
      tpu.vector_store %arg8[%swap3A_93], %div3A_92 {strides = array<i32>} : memref<64xf32, #tpu.memory_space<vmem>>, vector<16xf32>,
      %broadcast_in_dim3A_95 = arith.constant 16 : i32
      %broadcast_in_dim3A_96 = vector.broadcast %broadcast_in_dim3A_95 : i32 to vector<16xi32>
      %iota3A_97 = tpu.iota {dimensions = array<i32: 0>} : vector<16xi32>
      %add3A_98 = arith.addi %broadcast_in_dim3A_96, %iota3A_97 : vector<16xi32>
      %broadcast_in_dim3A_99 = arith.constant 0.000000e+00 : f32
      %broadcast_in_dim3A_100 = vector.broadcast %broadcast_in_dim3A_99 : f32 to vector<16xf32>
      %broadcast_in_dim3A_101 = arith.constant 0.000000e+00 : f32
      %broadcast_in_dim3A_102 = vector.broadcast %broadcast_in_dim3A_101 : f32 to vector<16xf32>
      %scan3A_103 = arith.constant 0 : i32
      %scan3A_104 = arith.constant 200 : i32
      %scan3A_105 = arith.addi %scan3A_103, %scan3A_104 : i32
      %scan3A_106 = arith.constant 1 : i32
      %scan3A_107:2 = scf.for %scan3A_299 = %scan3A_103 to %scan3A_105 step %scan3A_106 iter_args(%scan3A_300 = %broadcast_in_dim3A_100, %scan3A_301 = %broadcast_in_dim3A_102) -> (vector<16xf32>, vector<16xf32>)  : i32 {
        %broadcast_in_dim3A_302 = vector.broadcast %scan3A_299 : i32 to vector<16xi32>
        %gather3A = tpu.vector_load_idx %arg7[%add3A_98, %broadcast_in_dim3A_302] : memref<64x200xi32, #tpu.memory_space<vmem>>[vector<16xi32>, vector<16xi32>], vector<16xi32>,
        %gather3A_303 = tpu.vector_load_idx %arg6[%gather3A] : memref<100000xf32, #tpu.memory_space<vmem>>[vector<16xi32>], vector<16xf32>,
        %ne3A = arith.constant 1 : i32
        %ne3A_304 = vector.broadcast %ne3A : i32 to vector<16xi32>
        %ne3A_305 = arith.cmpi ne, %gather3A, %ne3A_304 : vector<16xi32>
        %broadcast_in_dim3A_306 = arith.constant 0.000000e+00 : f32
        %broadcast_in_dim3A_307 = vector.broadcast %broadcast_in_dim3A_306 : f32 to vector<16xf32>
        %select_n3A = arith.select %ne3A_305, %gather3A_303, %broadcast_in_dim3A_307 : vector<16xi1>, vector<16xf32>
        %add3A_308 = arith.addf %scan3A_300, %select_n3A : vector<16xf32>
        %broadcast_in_dim3A_309 = arith.constant 1.000000e+00 : f32
        %broadcast_in_dim3A_310 = vector.broadcast %broadcast_in_dim3A_309 : f32 to vector<16xf32>
        %select_n3A_311 = arith.select %ne3A_305, %broadcast_in_dim3A_310, %broadcast_in_dim3A_307 : vector<16xi1>, vector<16xf32>
        %add3A_312 = arith.addf %scan3A_301, %select_n3A_311 : vector<16xf32>
        scf.yield %add3A_308, %add3A_312 : vector<16xf32>, vector<16xf32>
      }
      %scan3A_108 = arith.constant 200 : i32
      %div3A_109 = arith.divf %scan3A_107#0, %scan3A_107#1 : vector<16xf32>
      %swap3A_110 = arith.constant 16 : index
      %swap3A_111 = tpu.vector_load %arg8[%swap3A_110] {strides = array<i32>} : memref<64xf32, #tpu.memory_space<vmem>>, vector<16xf32>,
      tpu.vector_store %arg8[%swap3A_110], %div3A_109 {strides = array<i32>} : memref<64xf32, #tpu.memory_space<vmem>>, vector<16xf32>,
      %broadcast_in_dim3A_112 = arith.constant 32 : i32
      %broadcast_in_dim3A_113 = vector.broadcast %broadcast_in_dim3A_112 : i32 to vector<16xi32>
      %iota3A_114 = tpu.iota {dimensions = array<i32: 0>} : vector<16xi32>
      %add3A_115 = arith.addi %broadcast_in_dim3A_113, %iota3A_114 : vector<16xi32>
      %broadcast_in_dim3A_116 = arith.constant 0.000000e+00 : f32
      %broadcast_in_dim3A_117 = vector.broadcast %broadcast_in_dim3A_116 : f32 to vector<16xf32>
      %broadcast_in_dim3A_118 = arith.constant 0.000000e+00 : f32
      %broadcast_in_dim3A_119 = vector.broadcast %broadcast_in_dim3A_118 : f32 to vector<16xf32>
      %scan3A_120 = arith.constant 0 : i32
      %scan3A_121 = arith.constant 200 : i32
      %scan3A_122 = arith.addi %scan3A_120, %scan3A_121 : i32
      %scan3A_123 = arith.constant 1 : i32
      %scan3A_124:2 = scf.for %scan3A_299 = %scan3A_120 to %scan3A_122 step %scan3A_123 iter_args(%scan3A_300 = %broadcast_in_dim3A_117, %scan3A_301 = %broadcast_in_dim3A_119) -> (vector<16xf32>, vector<16xf32>)  : i32 {
        %broadcast_in_dim3A_302 = vector.broadcast %scan3A_299 : i32 to vector<16xi32>
        %gather3A = tpu.vector_load_idx %arg7[%add3A_115, %broadcast_in_dim3A_302] : memref<64x200xi32, #tpu.memory_space<vmem>>[vector<16xi32>, vector<16xi32>], vector<16xi32>,
        %gather3A_303 = tpu.vector_load_idx %arg6[%gather3A] : memref<100000xf32, #tpu.memory_space<vmem>>[vector<16xi32>], vector<16xf32>,
        %ne3A = arith.constant 1 : i32
        %ne3A_304 = vector.broadcast %ne3A : i32 to vector<16xi32>
        %ne3A_305 = arith.cmpi ne, %gather3A, %ne3A_304 : vector<16xi32>
        %broadcast_in_dim3A_306 = arith.constant 0.000000e+00 : f32
        %broadcast_in_dim3A_307 = vector.broadcast %broadcast_in_dim3A_306 : f32 to vector<16xf32>
        %select_n3A = arith.select %ne3A_305, %gather3A_303, %broadcast_in_dim3A_307 : vector<16xi1>, vector<16xf32>
        %add3A_308 = arith.addf %scan3A_300, %select_n3A : vector<16xf32>
        %broadcast_in_dim3A_309 = arith.constant 1.000000e+00 : f32
        %broadcast_in_dim3A_310 = vector.broadcast %broadcast_in_dim3A_309 : f32 to vector<16xf32>
        %select_n3A_311 = arith.select %ne3A_305, %broadcast_in_dim3A_310, %broadcast_in_dim3A_307 : vector<16xi1>, vector<16xf32>
        %add3A_312 = arith.addf %scan3A_301, %select_n3A_311 : vector<16xf32>
        scf.yield %add3A_308, %add3A_312 : vector<16xf32>, vector<16xf32>
      }
      %scan3A_125 = arith.constant 200 : i32
      %div3A_126 = arith.divf %scan3A_124#0, %scan3A_124#1 : vector<16xf32>
      %swap3A_127 = arith.constant 32 : index
      %swap3A_128 = tpu.vector_load %arg8[%swap3A_127] {strides = array<i32>} : memref<64xf32, #tpu.memory_space<vmem>>, vector<16xf32>,
      tpu.vector_store %arg8[%swap3A_127], %div3A_126 {strides = array<i32>} : memref<64xf32, #tpu.memory_space<vmem>>, vector<16xf32>,
      %broadcast_in_dim3A_129 = arith.constant 48 : i32
      %broadcast_in_dim3A_130 = vector.broadcast %broadcast_in_dim3A_129 : i32 to vector<16xi32>
      %iota3A_131 = tpu.iota {dimensions = array<i32: 0>} : vector<16xi32>
      %add3A_132 = arith.addi %broadcast_in_dim3A_130, %iota3A_131 : vector<16xi32>
      %broadcast_in_dim3A_133 = arith.constant 0.000000e+00 : f32
      %broadcast_in_dim3A_134 = vector.broadcast %broadcast_in_dim3A_133 : f32 to vector<16xf32>
      %broadcast_in_dim3A_135 = arith.constant 0.000000e+00 : f32
      %broadcast_in_dim3A_136 = vector.broadcast %broadcast_in_dim3A_135 : f32 to vector<16xf32>
      %scan3A_137 = arith.constant 0 : i32
      %scan3A_138 = arith.constant 200 : i32
      %scan3A_139 = arith.addi %scan3A_137, %scan3A_138 : i32
      %scan3A_140 = arith.constant 1 : i32
      %scan3A_141:2 = scf.for %scan3A_299 = %scan3A_137 to %scan3A_139 step %scan3A_140 iter_args(%scan3A_300 = %broadcast_in_dim3A_134, %scan3A_301 = %broadcast_in_dim3A_136) -> (vector<16xf32>, vector<16xf32>)  : i32 {
        %broadcast_in_dim3A_302 = vector.broadcast %scan3A_299 : i32 to vector<16xi32>
        %gather3A = tpu.vector_load_idx %arg7[%add3A_132, %broadcast_in_dim3A_302] : memref<64x200xi32, #tpu.memory_space<vmem>>[vector<16xi32>, vector<16xi32>], vector<16xi32>,
        %gather3A_303 = tpu.vector_load_idx %arg6[%gather3A] : memref<100000xf32, #tpu.memory_space<vmem>>[vector<16xi32>], vector<16xf32>,
        %ne3A = arith.constant 1 : i32
        %ne3A_304 = vector.broadcast %ne3A : i32 to vector<16xi32>
        %ne3A_305 = arith.cmpi ne, %gather3A, %ne3A_304 : vector<16xi32>
        %broadcast_in_dim3A_306 = arith.constant 0.000000e+00 : f32
        %broadcast_in_dim3A_307 = vector.broadcast %broadcast_in_dim3A_306 : f32 to vector<16xf32>
        %select_n3A = arith.select %ne3A_305, %gather3A_303, %broadcast_in_dim3A_307 : vector<16xi1>, vector<16xf32>
        %add3A_308 = arith.addf %scan3A_300, %select_n3A : vector<16xf32>
        %broadcast_in_dim3A_309 = arith.constant 1.000000e+00 : f32
        %broadcast_in_dim3A_310 = vector.broadcast %broadcast_in_dim3A_309 : f32 to vector<16xf32>
        %select_n3A_311 = arith.select %ne3A_305, %broadcast_in_dim3A_310, %broadcast_in_dim3A_307 : vector<16xi1>, vector<16xf32>
        %add3A_312 = arith.addf %scan3A_301, %select_n3A_311 : vector<16xf32>
        scf.yield %add3A_308, %add3A_312 : vector<16xf32>, vector<16xf32>
      }
      %scan3A_142 = arith.constant 200 : i32
      %div3A_143 = arith.divf %scan3A_141#0, %scan3A_141#1 : vector<16xf32>
      %swap3A_144 = arith.constant 48 : index
      %swap3A_145 = tpu.vector_load %arg8[%swap3A_144] {strides = array<i32>} : memref<64xf32, #tpu.memory_space<vmem>>, vector<16xf32>,
      tpu.vector_store %arg8[%swap3A_144], %div3A_143 {strides = array<i32>} : memref<64xf32, #tpu.memory_space<vmem>>, vector<16xf32>,
      %mul3A_146 = arith.constant 64 : i32
      %mul3A_147 = arith.muli %add3A_77, %mul3A_146 : i32
      %run_scoped3A_148 = arith.constant 1 : i32
      "tpu.region"() ({
        %run_scoped3A_299 = tpu.sem_alloc : memref<!tpu.dma_semaphore, #tpu.memory_space<semaphore_mem>>
        %dma_start3A = tpu.memref_slice %arg5[%run_scoped3A_148, %mul3A_147] : memref<2x4096xf32, #tpu.memory_space<hbm>> -> memref<1x64xf32, #tpu.memory_space<hbm>>
        %dma_start3A_300 = tpu.memref_squeeze %dma_start3A : memref<1x64xf32, #tpu.memory_space<hbm>> -> memref<64xf32, #tpu.memory_space<hbm>>
        %dma_start3A_301 = tpu.memref_slice %arg5[%run_scoped3A_148, %mul3A_147] : memref<2x4096xf32, #tpu.memory_space<hbm>> -> memref<1x64xf32, #tpu.memory_space<hbm>>
        %dma_start3A_302 = tpu.memref_squeeze %dma_start3A_301 : memref<1x64xf32, #tpu.memory_space<hbm>> -> memref<64xf32, #tpu.memory_space<hbm>>
        tpu.enqueue_dma source(%arg8 : memref<64xf32, #tpu.memory_space<vmem>>) target(%dma_start3A_302 : memref<64xf32, #tpu.memory_space<hbm>>) target_semaphore(%run_scoped3A_299 : memref<!tpu.dma_semaphore, #tpu.memory_space<semaphore_mem>>)
        %dma_wait3A = tpu.memref_slice %arg5[%run_scoped3A_148, %mul3A_147] : memref<2x4096xf32, #tpu.memory_space<hbm>> -> memref<1x64xf32, #tpu.memory_space<hbm>>
        %dma_wait3A_303 = tpu.memref_squeeze %dma_wait3A : memref<1x64xf32, #tpu.memory_space<hbm>> -> memref<64xf32, #tpu.memory_space<hbm>>
        %dma_wait3A_304 = tpu.memref_slice %arg5[%run_scoped3A_148, %mul3A_147] : memref<2x4096xf32, #tpu.memory_space<hbm>> -> memref<1x64xf32, #tpu.memory_space<hbm>>
        %dma_wait3A_305 = tpu.memref_squeeze %dma_wait3A_304 : memref<1x64xf32, #tpu.memory_space<hbm>> -> memref<64xf32, #tpu.memory_space<hbm>>
        tpu.wait_dma2 semaphore(%run_scoped3A_299 : memref<!tpu.dma_semaphore, #tpu.memory_space<semaphore_mem>>) src(%arg8 : memref<64xf32, #tpu.memory_space<vmem>>) dst(%dma_wait3A_305 : memref<64xf32, #tpu.memory_space<hbm>>)
        tpu.yield
      }) : () -> ()
      %mul3A_149 = arith.constant 4 : i32
      %mul3A_150 = arith.muli %arg1, %mul3A_149 : i32
      %add3A_151 = arith.constant 2 : i32
      %add3A_152 = arith.addi %mul3A_150, %add3A_151 : i32
      "tpu.region"() ({
        %run_scoped3A_299 = tpu.sem_alloc : memref<!tpu.dma_semaphore, #tpu.memory_space<semaphore_mem>>
        %dma_start3A = arith.constant 0 : i32
        %dma_start3A_300 = arith.constant 0 : i32
        %dma_start3A_301 = tpu.memref_slice %arg4[%add3A_152, %dma_start3A, %dma_start3A_300] : memref<64x64x200xi32, #tpu.memory_space<hbm>> -> memref<1x64x200xi32, #tpu.memory_space<hbm>>
        %dma_start3A_302 = tpu.memref_squeeze %dma_start3A_301 : memref<1x64x200xi32, #tpu.memory_space<hbm>> -> memref<64x200xi32, #tpu.memory_space<hbm>>
        %dma_start3A_303 = arith.constant 0 : i32
        %dma_start3A_304 = arith.constant 0 : i32
        %dma_start3A_305 = tpu.memref_slice %arg4[%add3A_152, %dma_start3A_303, %dma_start3A_304] : memref<64x64x200xi32, #tpu.memory_space<hbm>> -> memref<1x64x200xi32, #tpu.memory_space<hbm>>
        %dma_start3A_306 = tpu.memref_squeeze %dma_start3A_305 : memref<1x64x200xi32, #tpu.memory_space<hbm>> -> memref<64x200xi32, #tpu.memory_space<hbm>>
        tpu.enqueue_dma source(%dma_start3A_306 : memref<64x200xi32, #tpu.memory_space<hbm>>) target(%arg7 : memref<64x200xi32, #tpu.memory_space<vmem>>) target_semaphore(%run_scoped3A_299 : memref<!tpu.dma_semaphore, #tpu.memory_space<semaphore_mem>>)
        %dma_wait3A = arith.constant 0 : i32
        %dma_wait3A_307 = arith.constant 0 : i32
        %dma_wait3A_308 = tpu.memref_slice %arg4[%add3A_152, %dma_wait3A, %dma_wait3A_307] : memref<64x64x200xi32, #tpu.memory_space<hbm>> -> memref<1x64x200xi32, #tpu.memory_space<hbm>>
        %dma_wait3A_309 = tpu.memref_squeeze %dma_wait3A_308 : memref<1x64x200xi32, #tpu.memory_space<hbm>> -> memref<64x200xi32, #tpu.memory_space<hbm>>
        %dma_wait3A_310 = arith.constant 0 : i32
        %dma_wait3A_311 = arith.constant 0 : i32
        %dma_wait3A_312 = tpu.memref_slice %arg4[%add3A_152, %dma_wait3A_310, %dma_wait3A_311] : memref<64x64x200xi32, #tpu.memory_space<hbm>> -> memref<1x64x200xi32, #tpu.memory_space<hbm>>
        %dma_wait3A_313 = tpu.memref_squeeze %dma_wait3A_312 : memref<1x64x200xi32, #tpu.memory_space<hbm>> -> memref<64x200xi32, #tpu.memory_space<hbm>>
        tpu.wait_dma2 semaphore(%run_scoped3A_299 : memref<!tpu.dma_semaphore, #tpu.memory_space<semaphore_mem>>) src(%dma_wait3A_313 : memref<64x200xi32, #tpu.memory_space<hbm>>) dst(%arg7 : memref<64x200xi32, #tpu.memory_space<vmem>>)
        tpu.yield
      }) : () -> ()
      %broadcast_in_dim3A_153 = arith.constant 0 : i32
      %broadcast_in_dim3A_154 = vector.broadcast %broadcast_in_dim3A_153 : i32 to vector<16xi32>
      %iota3A_155 = tpu.iota {dimensions = array<i32: 0>} : vector<16xi32>
      %add3A_156 = arith.addi %broadcast_in_dim3A_154, %iota3A_155 : vector<16xi32>
      %broadcast_in_dim3A_157 = arith.constant 0.000000e+00 : f32
      %broadcast_in_dim3A_158 = vector.broadcast %broadcast_in_dim3A_157 : f32 to vector<16xf32>
      %broadcast_in_dim3A_159 = arith.constant 0.000000e+00 : f32
      %broadcast_in_dim3A_160 = vector.broadcast %broadcast_in_dim3A_159 : f32 to vector<16xf32>
      %scan3A_161 = arith.constant 0 : i32
      %scan3A_162 = arith.constant 200 : i32
      %scan3A_163 = arith.addi %scan3A_161, %scan3A_162 : i32
      %scan3A_164 = arith.constant 1 : i32
      %scan3A_165:2 = scf.for %scan3A_299 = %scan3A_161 to %scan3A_163 step %scan3A_164 iter_args(%scan3A_300 = %broadcast_in_dim3A_158, %scan3A_301 = %broadcast_in_dim3A_160) -> (vector<16xf32>, vector<16xf32>)  : i32 {
        %broadcast_in_dim3A_302 = vector.broadcast %scan3A_299 : i32 to vector<16xi32>
        %gather3A = tpu.vector_load_idx %arg7[%add3A_156, %broadcast_in_dim3A_302] : memref<64x200xi32, #tpu.memory_space<vmem>>[vector<16xi32>, vector<16xi32>], vector<16xi32>,
        %gather3A_303 = tpu.vector_load_idx %arg6[%gather3A] : memref<100000xf32, #tpu.memory_space<vmem>>[vector<16xi32>], vector<16xf32>,
        %ne3A = arith.constant 1 : i32
        %ne3A_304 = vector.broadcast %ne3A : i32 to vector<16xi32>
        %ne3A_305 = arith.cmpi ne, %gather3A, %ne3A_304 : vector<16xi32>
        %broadcast_in_dim3A_306 = arith.constant 0.000000e+00 : f32
        %broadcast_in_dim3A_307 = vector.broadcast %broadcast_in_dim3A_306 : f32 to vector<16xf32>
        %select_n3A = arith.select %ne3A_305, %gather3A_303, %broadcast_in_dim3A_307 : vector<16xi1>, vector<16xf32>
        %add3A_308 = arith.addf %scan3A_300, %select_n3A : vector<16xf32>
        %broadcast_in_dim3A_309 = arith.constant 1.000000e+00 : f32
        %broadcast_in_dim3A_310 = vector.broadcast %broadcast_in_dim3A_309 : f32 to vector<16xf32>
        %select_n3A_311 = arith.select %ne3A_305, %broadcast_in_dim3A_310, %broadcast_in_dim3A_307 : vector<16xi1>, vector<16xf32>
        %add3A_312 = arith.addf %scan3A_301, %select_n3A_311 : vector<16xf32>
        scf.yield %add3A_308, %add3A_312 : vector<16xf32>, vector<16xf32>
      }
      %scan3A_166 = arith.constant 200 : i32
      %div3A_167 = arith.divf %scan3A_165#0, %scan3A_165#1 : vector<16xf32>
      %swap3A_168 = arith.constant 0 : index
      %swap3A_169 = tpu.vector_load %arg8[%swap3A_168] {strides = array<i32>} : memref<64xf32, #tpu.memory_space<vmem>>, vector<16xf32>,
      tpu.vector_store %arg8[%swap3A_168], %div3A_167 {strides = array<i32>} : memref<64xf32, #tpu.memory_space<vmem>>, vector<16xf32>,
      %broadcast_in_dim3A_170 = arith.constant 16 : i32
      %broadcast_in_dim3A_171 = vector.broadcast %broadcast_in_dim3A_170 : i32 to vector<16xi32>
      %iota3A_172 = tpu.iota {dimensions = array<i32: 0>} : vector<16xi32>
      %add3A_173 = arith.addi %broadcast_in_dim3A_171, %iota3A_172 : vector<16xi32>
      %broadcast_in_dim3A_174 = arith.constant 0.000000e+00 : f32
      %broadcast_in_dim3A_175 = vector.broadcast %broadcast_in_dim3A_174 : f32 to vector<16xf32>
      %broadcast_in_dim3A_176 = arith.constant 0.000000e+00 : f32
      %broadcast_in_dim3A_177 = vector.broadcast %broadcast_in_dim3A_176 : f32 to vector<16xf32>
      %scan3A_178 = arith.constant 0 : i32
      %scan3A_179 = arith.constant 200 : i32
      %scan3A_180 = arith.addi %scan3A_178, %scan3A_179 : i32
      %scan3A_181 = arith.constant 1 : i32
      %scan3A_182:2 = scf.for %scan3A_299 = %scan3A_178 to %scan3A_180 step %scan3A_181 iter_args(%scan3A_300 = %broadcast_in_dim3A_175, %scan3A_301 = %broadcast_in_dim3A_177) -> (vector<16xf32>, vector<16xf32>)  : i32 {
        %broadcast_in_dim3A_302 = vector.broadcast %scan3A_299 : i32 to vector<16xi32>
        %gather3A = tpu.vector_load_idx %arg7[%add3A_173, %broadcast_in_dim3A_302] : memref<64x200xi32, #tpu.memory_space<vmem>>[vector<16xi32>, vector<16xi32>], vector<16xi32>,
        %gather3A_303 = tpu.vector_load_idx %arg6[%gather3A] : memref<100000xf32, #tpu.memory_space<vmem>>[vector<16xi32>], vector<16xf32>,
        %ne3A = arith.constant 1 : i32
        %ne3A_304 = vector.broadcast %ne3A : i32 to vector<16xi32>
        %ne3A_305 = arith.cmpi ne, %gather3A, %ne3A_304 : vector<16xi32>
        %broadcast_in_dim3A_306 = arith.constant 0.000000e+00 : f32
        %broadcast_in_dim3A_307 = vector.broadcast %broadcast_in_dim3A_306 : f32 to vector<16xf32>
        %select_n3A = arith.select %ne3A_305, %gather3A_303, %broadcast_in_dim3A_307 : vector<16xi1>, vector<16xf32>
        %add3A_308 = arith.addf %scan3A_300, %select_n3A : vector<16xf32>
        %broadcast_in_dim3A_309 = arith.constant 1.000000e+00 : f32
        %broadcast_in_dim3A_310 = vector.broadcast %broadcast_in_dim3A_309 : f32 to vector<16xf32>
        %select_n3A_311 = arith.select %ne3A_305, %broadcast_in_dim3A_310, %broadcast_in_dim3A_307 : vector<16xi1>, vector<16xf32>
        %add3A_312 = arith.addf %scan3A_301, %select_n3A_311 : vector<16xf32>
        scf.yield %add3A_308, %add3A_312 : vector<16xf32>, vector<16xf32>
      }
      %scan3A_183 = arith.constant 200 : i32
      %div3A_184 = arith.divf %scan3A_182#0, %scan3A_182#1 : vector<16xf32>
      %swap3A_185 = arith.constant 16 : index
      %swap3A_186 = tpu.vector_load %arg8[%swap3A_185] {strides = array<i32>} : memref<64xf32, #tpu.memory_space<vmem>>, vector<16xf32>,
      tpu.vector_store %arg8[%swap3A_185], %div3A_184 {strides = array<i32>} : memref<64xf32, #tpu.memory_space<vmem>>, vector<16xf32>,
      %broadcast_in_dim3A_187 = arith.constant 32 : i32
      %broadcast_in_dim3A_188 = vector.broadcast %broadcast_in_dim3A_187 : i32 to vector<16xi32>
      %iota3A_189 = tpu.iota {dimensions = array<i32: 0>} : vector<16xi32>
      %add3A_190 = arith.addi %broadcast_in_dim3A_188, %iota3A_189 : vector<16xi32>
      %broadcast_in_dim3A_191 = arith.constant 0.000000e+00 : f32
      %broadcast_in_dim3A_192 = vector.broadcast %broadcast_in_dim3A_191 : f32 to vector<16xf32>
      %broadcast_in_dim3A_193 = arith.constant 0.000000e+00 : f32
      %broadcast_in_dim3A_194 = vector.broadcast %broadcast_in_dim3A_193 : f32 to vector<16xf32>
      %scan3A_195 = arith.constant 0 : i32
      %scan3A_196 = arith.constant 200 : i32
      %scan3A_197 = arith.addi %scan3A_195, %scan3A_196 : i32
      %scan3A_198 = arith.constant 1 : i32
      %scan3A_199:2 = scf.for %scan3A_299 = %scan3A_195 to %scan3A_197 step %scan3A_198 iter_args(%scan3A_300 = %broadcast_in_dim3A_192, %scan3A_301 = %broadcast_in_dim3A_194) -> (vector<16xf32>, vector<16xf32>)  : i32 {
        %broadcast_in_dim3A_302 = vector.broadcast %scan3A_299 : i32 to vector<16xi32>
        %gather3A = tpu.vector_load_idx %arg7[%add3A_190, %broadcast_in_dim3A_302] : memref<64x200xi32, #tpu.memory_space<vmem>>[vector<16xi32>, vector<16xi32>], vector<16xi32>,
        %gather3A_303 = tpu.vector_load_idx %arg6[%gather3A] : memref<100000xf32, #tpu.memory_space<vmem>>[vector<16xi32>], vector<16xf32>,
        %ne3A = arith.constant 1 : i32
        %ne3A_304 = vector.broadcast %ne3A : i32 to vector<16xi32>
        %ne3A_305 = arith.cmpi ne, %gather3A, %ne3A_304 : vector<16xi32>
        %broadcast_in_dim3A_306 = arith.constant 0.000000e+00 : f32
        %broadcast_in_dim3A_307 = vector.broadcast %broadcast_in_dim3A_306 : f32 to vector<16xf32>
        %select_n3A = arith.select %ne3A_305, %gather3A_303, %broadcast_in_dim3A_307 : vector<16xi1>, vector<16xf32>
        %add3A_308 = arith.addf %scan3A_300, %select_n3A : vector<16xf32>
        %broadcast_in_dim3A_309 = arith.constant 1.000000e+00 : f32
        %broadcast_in_dim3A_310 = vector.broadcast %broadcast_in_dim3A_309 : f32 to vector<16xf32>
        %select_n3A_311 = arith.select %ne3A_305, %broadcast_in_dim3A_310, %broadcast_in_dim3A_307 : vector<16xi1>, vector<16xf32>
        %add3A_312 = arith.addf %scan3A_301, %select_n3A_311 : vector<16xf32>
        scf.yield %add3A_308, %add3A_312 : vector<16xf32>, vector<16xf32>
      }
      %scan3A_200 = arith.constant 200 : i32
      %div3A_201 = arith.divf %scan3A_199#0, %scan3A_199#1 : vector<16xf32>
      %swap3A_202 = arith.constant 32 : index
      %swap3A_203 = tpu.vector_load %arg8[%swap3A_202] {strides = array<i32>} : memref<64xf32, #tpu.memory_space<vmem>>, vector<16xf32>,
      tpu.vector_store %arg8[%swap3A_202], %div3A_201 {strides = array<i32>} : memref<64xf32, #tpu.memory_space<vmem>>, vector<16xf32>,
      %broadcast_in_dim3A_204 = arith.constant 48 : i32
      %broadcast_in_dim3A_205 = vector.broadcast %broadcast_in_dim3A_204 : i32 to vector<16xi32>
      %iota3A_206 = tpu.iota {dimensions = array<i32: 0>} : vector<16xi32>
      %add3A_207 = arith.addi %broadcast_in_dim3A_205, %iota3A_206 : vector<16xi32>
      %broadcast_in_dim3A_208 = arith.constant 0.000000e+00 : f32
      %broadcast_in_dim3A_209 = vector.broadcast %broadcast_in_dim3A_208 : f32 to vector<16xf32>
      %broadcast_in_dim3A_210 = arith.constant 0.000000e+00 : f32
      %broadcast_in_dim3A_211 = vector.broadcast %broadcast_in_dim3A_210 : f32 to vector<16xf32>
      %scan3A_212 = arith.constant 0 : i32
      %scan3A_213 = arith.constant 200 : i32
      %scan3A_214 = arith.addi %scan3A_212, %scan3A_213 : i32
      %scan3A_215 = arith.constant 1 : i32
      %scan3A_216:2 = scf.for %scan3A_299 = %scan3A_212 to %scan3A_214 step %scan3A_215 iter_args(%scan3A_300 = %broadcast_in_dim3A_209, %scan3A_301 = %broadcast_in_dim3A_211) -> (vector<16xf32>, vector<16xf32>)  : i32 {
        %broadcast_in_dim3A_302 = vector.broadcast %scan3A_299 : i32 to vector<16xi32>
        %gather3A = tpu.vector_load_idx %arg7[%add3A_207, %broadcast_in_dim3A_302] : memref<64x200xi32, #tpu.memory_space<vmem>>[vector<16xi32>, vector<16xi32>], vector<16xi32>,
        %gather3A_303 = tpu.vector_load_idx %arg6[%gather3A] : memref<100000xf32, #tpu.memory_space<vmem>>[vector<16xi32>], vector<16xf32>,
        %ne3A = arith.constant 1 : i32
        %ne3A_304 = vector.broadcast %ne3A : i32 to vector<16xi32>
        %ne3A_305 = arith.cmpi ne, %gather3A, %ne3A_304 : vector<16xi32>
        %broadcast_in_dim3A_306 = arith.constant 0.000000e+00 : f32
        %broadcast_in_dim3A_307 = vector.broadcast %broadcast_in_dim3A_306 : f32 to vector<16xf32>
        %select_n3A = arith.select %ne3A_305, %gather3A_303, %broadcast_in_dim3A_307 : vector<16xi1>, vector<16xf32>
        %add3A_308 = arith.addf %scan3A_300, %select_n3A : vector<16xf32>
        %broadcast_in_dim3A_309 = arith.constant 1.000000e+00 : f32
        %broadcast_in_dim3A_310 = vector.broadcast %broadcast_in_dim3A_309 : f32 to vector<16xf32>
        %select_n3A_311 = arith.select %ne3A_305, %broadcast_in_dim3A_310, %broadcast_in_dim3A_307 : vector<16xi1>, vector<16xf32>
        %add3A_312 = arith.addf %scan3A_301, %select_n3A_311 : vector<16xf32>
        scf.yield %add3A_308, %add3A_312 : vector<16xf32>, vector<16xf32>
      }
      %scan3A_217 = arith.constant 200 : i32
      %div3A_218 = arith.divf %scan3A_216#0, %scan3A_216#1 : vector<16xf32>
      %swap3A_219 = arith.constant 48 : index
      %swap3A_220 = tpu.vector_load %arg8[%swap3A_219] {strides = array<i32>} : memref<64xf32, #tpu.memory_space<vmem>>, vector<16xf32>,
      tpu.vector_store %arg8[%swap3A_219], %div3A_218 {strides = array<i32>} : memref<64xf32, #tpu.memory_space<vmem>>, vector<16xf32>,
      %mul3A_221 = arith.constant 64 : i32
      %mul3A_222 = arith.muli %add3A_152, %mul3A_221 : i32
      %run_scoped3A_223 = arith.constant 1 : i32
      "tpu.region"() ({
        %run_scoped3A_299 = tpu.sem_alloc : memref<!tpu.dma_semaphore, #tpu.memory_space<semaphore_mem>>
        %dma_start3A = tpu.memref_slice %arg5[%run_scoped3A_223, %mul3A_222] : memref<2x4096xf32, #tpu.memory_space<hbm>> -> memref<1x64xf32, #tpu.memory_space<hbm>>
        %dma_start3A_300 = tpu.memref_squeeze %dma_start3A : memref<1x64xf32, #tpu.memory_space<hbm>> -> memref<64xf32, #tpu.memory_space<hbm>>
        %dma_start3A_301 = tpu.memref_slice %arg5[%run_scoped3A_223, %mul3A_222] : memref<2x4096xf32, #tpu.memory_space<hbm>> -> memref<1x64xf32, #tpu.memory_space<hbm>>
        %dma_start3A_302 = tpu.memref_squeeze %dma_start3A_301 : memref<1x64xf32, #tpu.memory_space<hbm>> -> memref<64xf32, #tpu.memory_space<hbm>>
        tpu.enqueue_dma source(%arg8 : memref<64xf32, #tpu.memory_space<vmem>>) target(%dma_start3A_302 : memref<64xf32, #tpu.memory_space<hbm>>) target_semaphore(%run_scoped3A_299 : memref<!tpu.dma_semaphore, #tpu.memory_space<semaphore_mem>>)
        %dma_wait3A = tpu.memref_slice %arg5[%run_scoped3A_223, %mul3A_222] : memref<2x4096xf32, #tpu.memory_space<hbm>> -> memref<1x64xf32, #tpu.memory_space<hbm>>
        %dma_wait3A_303 = tpu.memref_squeeze %dma_wait3A : memref<1x64xf32, #tpu.memory_space<hbm>> -> memref<64xf32, #tpu.memory_space<hbm>>
        %dma_wait3A_304 = tpu.memref_slice %arg5[%run_scoped3A_223, %mul3A_222] : memref<2x4096xf32, #tpu.memory_space<hbm>> -> memref<1x64xf32, #tpu.memory_space<hbm>>
        %dma_wait3A_305 = tpu.memref_squeeze %dma_wait3A_304 : memref<1x64xf32, #tpu.memory_space<hbm>> -> memref<64xf32, #tpu.memory_space<hbm>>
        tpu.wait_dma2 semaphore(%run_scoped3A_299 : memref<!tpu.dma_semaphore, #tpu.memory_space<semaphore_mem>>) src(%arg8 : memref<64xf32, #tpu.memory_space<vmem>>) dst(%dma_wait3A_305 : memref<64xf32, #tpu.memory_space<hbm>>)
        tpu.yield
      }) : () -> ()
      %mul3A_224 = arith.constant 4 : i32
      %mul3A_225 = arith.muli %arg1, %mul3A_224 : i32
      %add3A_226 = arith.constant 3 : i32
      %add3A_227 = arith.addi %mul3A_225, %add3A_226 : i32
      "tpu.region"() ({
        %run_scoped3A_299 = tpu.sem_alloc : memref<!tpu.dma_semaphore, #tpu.memory_space<semaphore_mem>>
        %dma_start3A = arith.constant 0 : i32
        %dma_start3A_300 = arith.constant 0 : i32
        %dma_start3A_301 = tpu.memref_slice %arg4[%add3A_227, %dma_start3A, %dma_start3A_300] : memref<64x64x200xi32, #tpu.memory_space<hbm>> -> memref<1x64x200xi32, #tpu.memory_space<hbm>>
        %dma_start3A_302 = tpu.memref_squeeze %dma_start3A_301 : memref<1x64x200xi32, #tpu.memory_space<hbm>> -> memref<64x200xi32, #tpu.memory_space<hbm>>
        %dma_start3A_303 = arith.constant 0 : i32
        %dma_start3A_304 = arith.constant 0 : i32
        %dma_start3A_305 = tpu.memref_slice %arg4[%add3A_227, %dma_start3A_303, %dma_start3A_304] : memref<64x64x200xi32, #tpu.memory_space<hbm>> -> memref<1x64x200xi32, #tpu.memory_space<hbm>>
        %dma_start3A_306 = tpu.memref_squeeze %dma_start3A_305 : memref<1x64x200xi32, #tpu.memory_space<hbm>> -> memref<64x200xi32, #tpu.memory_space<hbm>>
        tpu.enqueue_dma source(%dma_start3A_306 : memref<64x200xi32, #tpu.memory_space<hbm>>) target(%arg7 : memref<64x200xi32, #tpu.memory_space<vmem>>) target_semaphore(%run_scoped3A_299 : memref<!tpu.dma_semaphore, #tpu.memory_space<semaphore_mem>>)
        %dma_wait3A = arith.constant 0 : i32
        %dma_wait3A_307 = arith.constant 0 : i32
        %dma_wait3A_308 = tpu.memref_slice %arg4[%add3A_227, %dma_wait3A, %dma_wait3A_307] : memref<64x64x200xi32, #tpu.memory_space<hbm>> -> memref<1x64x200xi32, #tpu.memory_space<hbm>>
        %dma_wait3A_309 = tpu.memref_squeeze %dma_wait3A_308 : memref<1x64x200xi32, #tpu.memory_space<hbm>> -> memref<64x200xi32, #tpu.memory_space<hbm>>
        %dma_wait3A_310 = arith.constant 0 : i32
        %dma_wait3A_311 = arith.constant 0 : i32
        %dma_wait3A_312 = tpu.memref_slice %arg4[%add3A_227, %dma_wait3A_310, %dma_wait3A_311] : memref<64x64x200xi32, #tpu.memory_space<hbm>> -> memref<1x64x200xi32, #tpu.memory_space<hbm>>
        %dma_wait3A_313 = tpu.memref_squeeze %dma_wait3A_312 : memref<1x64x200xi32, #tpu.memory_space<hbm>> -> memref<64x200xi32, #tpu.memory_space<hbm>>
        tpu.wait_dma2 semaphore(%run_scoped3A_299 : memref<!tpu.dma_semaphore, #tpu.memory_space<semaphore_mem>>) src(%dma_wait3A_313 : memref<64x200xi32, #tpu.memory_space<hbm>>) dst(%arg7 : memref<64x200xi32, #tpu.memory_space<vmem>>)
        tpu.yield
      }) : () -> ()
      %broadcast_in_dim3A_228 = arith.constant 0 : i32
      %broadcast_in_dim3A_229 = vector.broadcast %broadcast_in_dim3A_228 : i32 to vector<16xi32>
      %iota3A_230 = tpu.iota {dimensions = array<i32: 0>} : vector<16xi32>
      %add3A_231 = arith.addi %broadcast_in_dim3A_229, %iota3A_230 : vector<16xi32>
      %broadcast_in_dim3A_232 = arith.constant 0.000000e+00 : f32
      %broadcast_in_dim3A_233 = vector.broadcast %broadcast_in_dim3A_232 : f32 to vector<16xf32>
      %broadcast_in_dim3A_234 = arith.constant 0.000000e+00 : f32
      %broadcast_in_dim3A_235 = vector.broadcast %broadcast_in_dim3A_234 : f32 to vector<16xf32>
      %scan3A_236 = arith.constant 0 : i32
      %scan3A_237 = arith.constant 200 : i32
      %scan3A_238 = arith.addi %scan3A_236, %scan3A_237 : i32
      %scan3A_239 = arith.constant 1 : i32
      %scan3A_240:2 = scf.for %scan3A_299 = %scan3A_236 to %scan3A_238 step %scan3A_239 iter_args(%scan3A_300 = %broadcast_in_dim3A_233, %scan3A_301 = %broadcast_in_dim3A_235) -> (vector<16xf32>, vector<16xf32>)  : i32 {
        %broadcast_in_dim3A_302 = vector.broadcast %scan3A_299 : i32 to vector<16xi32>
        %gather3A = tpu.vector_load_idx %arg7[%add3A_231, %broadcast_in_dim3A_302] : memref<64x200xi32, #tpu.memory_space<vmem>>[vector<16xi32>, vector<16xi32>], vector<16xi32>,
        %gather3A_303 = tpu.vector_load_idx %arg6[%gather3A] : memref<100000xf32, #tpu.memory_space<vmem>>[vector<16xi32>], vector<16xf32>,
        %ne3A = arith.constant 1 : i32
        %ne3A_304 = vector.broadcast %ne3A : i32 to vector<16xi32>
        %ne3A_305 = arith.cmpi ne, %gather3A, %ne3A_304 : vector<16xi32>
        %broadcast_in_dim3A_306 = arith.constant 0.000000e+00 : f32
        %broadcast_in_dim3A_307 = vector.broadcast %broadcast_in_dim3A_306 : f32 to vector<16xf32>
        %select_n3A = arith.select %ne3A_305, %gather3A_303, %broadcast_in_dim3A_307 : vector<16xi1>, vector<16xf32>
        %add3A_308 = arith.addf %scan3A_300, %select_n3A : vector<16xf32>
        %broadcast_in_dim3A_309 = arith.constant 1.000000e+00 : f32
        %broadcast_in_dim3A_310 = vector.broadcast %broadcast_in_dim3A_309 : f32 to vector<16xf32>
        %select_n3A_311 = arith.select %ne3A_305, %broadcast_in_dim3A_310, %broadcast_in_dim3A_307 : vector<16xi1>, vector<16xf32>
        %add3A_312 = arith.addf %scan3A_301, %select_n3A_311 : vector<16xf32>
        scf.yield %add3A_308, %add3A_312 : vector<16xf32>, vector<16xf32>
      }
      %scan3A_241 = arith.constant 200 : i32
      %div3A_242 = arith.divf %scan3A_240#0, %scan3A_240#1 : vector<16xf32>
      %swap3A_243 = arith.constant 0 : index
      %swap3A_244 = tpu.vector_load %arg8[%swap3A_243] {strides = array<i32>} : memref<64xf32, #tpu.memory_space<vmem>>, vector<16xf32>,
      tpu.vector_store %arg8[%swap3A_243], %div3A_242 {strides = array<i32>} : memref<64xf32, #tpu.memory_space<vmem>>, vector<16xf32>,
      %broadcast_in_dim3A_245 = arith.constant 16 : i32
      %broadcast_in_dim3A_246 = vector.broadcast %broadcast_in_dim3A_245 : i32 to vector<16xi32>
      %iota3A_247 = tpu.iota {dimensions = array<i32: 0>} : vector<16xi32>
      %add3A_248 = arith.addi %broadcast_in_dim3A_246, %iota3A_247 : vector<16xi32>
      %broadcast_in_dim3A_249 = arith.constant 0.000000e+00 : f32
      %broadcast_in_dim3A_250 = vector.broadcast %broadcast_in_dim3A_249 : f32 to vector<16xf32>
      %broadcast_in_dim3A_251 = arith.constant 0.000000e+00 : f32
      %broadcast_in_dim3A_252 = vector.broadcast %broadcast_in_dim3A_251 : f32 to vector<16xf32>
      %scan3A_253 = arith.constant 0 : i32
      %scan3A_254 = arith.constant 200 : i32
      %scan3A_255 = arith.addi %scan3A_253, %scan3A_254 : i32
      %scan3A_256 = arith.constant 1 : i32
      %scan3A_257:2 = scf.for %scan3A_299 = %scan3A_253 to %scan3A_255 step %scan3A_256 iter_args(%scan3A_300 = %broadcast_in_dim3A_250, %scan3A_301 = %broadcast_in_dim3A_252) -> (vector<16xf32>, vector<16xf32>)  : i32 {
        %broadcast_in_dim3A_302 = vector.broadcast %scan3A_299 : i32 to vector<16xi32>
        %gather3A = tpu.vector_load_idx %arg7[%add3A_248, %broadcast_in_dim3A_302] : memref<64x200xi32, #tpu.memory_space<vmem>>[vector<16xi32>, vector<16xi32>], vector<16xi32>,
        %gather3A_303 = tpu.vector_load_idx %arg6[%gather3A] : memref<100000xf32, #tpu.memory_space<vmem>>[vector<16xi32>], vector<16xf32>,
        %ne3A = arith.constant 1 : i32
        %ne3A_304 = vector.broadcast %ne3A : i32 to vector<16xi32>
        %ne3A_305 = arith.cmpi ne, %gather3A, %ne3A_304 : vector<16xi32>
        %broadcast_in_dim3A_306 = arith.constant 0.000000e+00 : f32
        %broadcast_in_dim3A_307 = vector.broadcast %broadcast_in_dim3A_306 : f32 to vector<16xf32>
        %select_n3A = arith.select %ne3A_305, %gather3A_303, %broadcast_in_dim3A_307 : vector<16xi1>, vector<16xf32>
        %add3A_308 = arith.addf %scan3A_300, %select_n3A : vector<16xf32>
        %broadcast_in_dim3A_309 = arith.constant 1.000000e+00 : f32
        %broadcast_in_dim3A_310 = vector.broadcast %broadcast_in_dim3A_309 : f32 to vector<16xf32>
        %select_n3A_311 = arith.select %ne3A_305, %broadcast_in_dim3A_310, %broadcast_in_dim3A_307 : vector<16xi1>, vector<16xf32>
        %add3A_312 = arith.addf %scan3A_301, %select_n3A_311 : vector<16xf32>
        scf.yield %add3A_308, %add3A_312 : vector<16xf32>, vector<16xf32>
      }
      %scan3A_258 = arith.constant 200 : i32
      %div3A_259 = arith.divf %scan3A_257#0, %scan3A_257#1 : vector<16xf32>
      %swap3A_260 = arith.constant 16 : index
      %swap3A_261 = tpu.vector_load %arg8[%swap3A_260] {strides = array<i32>} : memref<64xf32, #tpu.memory_space<vmem>>, vector<16xf32>,
      tpu.vector_store %arg8[%swap3A_260], %div3A_259 {strides = array<i32>} : memref<64xf32, #tpu.memory_space<vmem>>, vector<16xf32>,
      %broadcast_in_dim3A_262 = arith.constant 32 : i32
      %broadcast_in_dim3A_263 = vector.broadcast %broadcast_in_dim3A_262 : i32 to vector<16xi32>
      %iota3A_264 = tpu.iota {dimensions = array<i32: 0>} : vector<16xi32>
      %add3A_265 = arith.addi %broadcast_in_dim3A_263, %iota3A_264 : vector<16xi32>
      %broadcast_in_dim3A_266 = arith.constant 0.000000e+00 : f32
      %broadcast_in_dim3A_267 = vector.broadcast %broadcast_in_dim3A_266 : f32 to vector<16xf32>
      %broadcast_in_dim3A_268 = arith.constant 0.000000e+00 : f32
      %broadcast_in_dim3A_269 = vector.broadcast %broadcast_in_dim3A_268 : f32 to vector<16xf32>
      %scan3A_270 = arith.constant 0 : i32
      %scan3A_271 = arith.constant 200 : i32
      %scan3A_272 = arith.addi %scan3A_270, %scan3A_271 : i32
      %scan3A_273 = arith.constant 1 : i32
      %scan3A_274:2 = scf.for %scan3A_299 = %scan3A_270 to %scan3A_272 step %scan3A_273 iter_args(%scan3A_300 = %broadcast_in_dim3A_267, %scan3A_301 = %broadcast_in_dim3A_269) -> (vector<16xf32>, vector<16xf32>)  : i32 {
        %broadcast_in_dim3A_302 = vector.broadcast %scan3A_299 : i32 to vector<16xi32>
        %gather3A = tpu.vector_load_idx %arg7[%add3A_265, %broadcast_in_dim3A_302] : memref<64x200xi32, #tpu.memory_space<vmem>>[vector<16xi32>, vector<16xi32>], vector<16xi32>,
        %gather3A_303 = tpu.vector_load_idx %arg6[%gather3A] : memref<100000xf32, #tpu.memory_space<vmem>>[vector<16xi32>], vector<16xf32>,
        %ne3A = arith.constant 1 : i32
        %ne3A_304 = vector.broadcast %ne3A : i32 to vector<16xi32>
        %ne3A_305 = arith.cmpi ne, %gather3A, %ne3A_304 : vector<16xi32>
        %broadcast_in_dim3A_306 = arith.constant 0.000000e+00 : f32
        %broadcast_in_dim3A_307 = vector.broadcast %broadcast_in_dim3A_306 : f32 to vector<16xf32>
        %select_n3A = arith.select %ne3A_305, %gather3A_303, %broadcast_in_dim3A_307 : vector<16xi1>, vector<16xf32>
        %add3A_308 = arith.addf %scan3A_300, %select_n3A : vector<16xf32>
        %broadcast_in_dim3A_309 = arith.constant 1.000000e+00 : f32
        %broadcast_in_dim3A_310 = vector.broadcast %broadcast_in_dim3A_309 : f32 to vector<16xf32>
        %select_n3A_311 = arith.select %ne3A_305, %broadcast_in_dim3A_310, %broadcast_in_dim3A_307 : vector<16xi1>, vector<16xf32>
        %add3A_312 = arith.addf %scan3A_301, %select_n3A_311 : vector<16xf32>
        scf.yield %add3A_308, %add3A_312 : vector<16xf32>, vector<16xf32>
      }
      %scan3A_275 = arith.constant 200 : i32
      %div3A_276 = arith.divf %scan3A_274#0, %scan3A_274#1 : vector<16xf32>
      %swap3A_277 = arith.constant 32 : index
      %swap3A_278 = tpu.vector_load %arg8[%swap3A_277] {strides = array<i32>} : memref<64xf32, #tpu.memory_space<vmem>>, vector<16xf32>,
      tpu.vector_store %arg8[%swap3A_277], %div3A_276 {strides = array<i32>} : memref<64xf32, #tpu.memory_space<vmem>>, vector<16xf32>,
      %broadcast_in_dim3A_279 = arith.constant 48 : i32
      %broadcast_in_dim3A_280 = vector.broadcast %broadcast_in_dim3A_279 : i32 to vector<16xi32>
      %iota3A_281 = tpu.iota {dimensions = array<i32: 0>} : vector<16xi32>
      %add3A_282 = arith.addi %broadcast_in_dim3A_280, %iota3A_281 : vector<16xi32>
      %broadcast_in_dim3A_283 = arith.constant 0.000000e+00 : f32
      %broadcast_in_dim3A_284 = vector.broadcast %broadcast_in_dim3A_283 : f32 to vector<16xf32>
      %broadcast_in_dim3A_285 = arith.constant 0.000000e+00 : f32
      %broadcast_in_dim3A_286 = vector.broadcast %broadcast_in_dim3A_285 : f32 to vector<16xf32>
      %scan3A_287 = arith.constant 0 : i32
      %scan3A_288 = arith.constant 200 : i32
      %scan3A_289 = arith.addi %scan3A_287, %scan3A_288 : i32
      %scan3A_290 = arith.constant 1 : i32
      %scan3A_291:2 = scf.for %scan3A_299 = %scan3A_287 to %scan3A_289 step %scan3A_290 iter_args(%scan3A_300 = %broadcast_in_dim3A_284, %scan3A_301 = %broadcast_in_dim3A_286) -> (vector<16xf32>, vector<16xf32>)  : i32 {
        %broadcast_in_dim3A_302 = vector.broadcast %scan3A_299 : i32 to vector<16xi32>
        %gather3A = tpu.vector_load_idx %arg7[%add3A_282, %broadcast_in_dim3A_302] : memref<64x200xi32, #tpu.memory_space<vmem>>[vector<16xi32>, vector<16xi32>], vector<16xi32>,
        %gather3A_303 = tpu.vector_load_idx %arg6[%gather3A] : memref<100000xf32, #tpu.memory_space<vmem>>[vector<16xi32>], vector<16xf32>,
        %ne3A = arith.constant 1 : i32
        %ne3A_304 = vector.broadcast %ne3A : i32 to vector<16xi32>
        %ne3A_305 = arith.cmpi ne, %gather3A, %ne3A_304 : vector<16xi32>
        %broadcast_in_dim3A_306 = arith.constant 0.000000e+00 : f32
        %broadcast_in_dim3A_307 = vector.broadcast %broadcast_in_dim3A_306 : f32 to vector<16xf32>
        %select_n3A = arith.select %ne3A_305, %gather3A_303, %broadcast_in_dim3A_307 : vector<16xi1>, vector<16xf32>
        %add3A_308 = arith.addf %scan3A_300, %select_n3A : vector<16xf32>
        %broadcast_in_dim3A_309 = arith.constant 1.000000e+00 : f32
        %broadcast_in_dim3A_310 = vector.broadcast %broadcast_in_dim3A_309 : f32 to vector<16xf32>
        %select_n3A_311 = arith.select %ne3A_305, %broadcast_in_dim3A_310, %broadcast_in_dim3A_307 : vector<16xi1>, vector<16xf32>
        %add3A_312 = arith.addf %scan3A_301, %select_n3A_311 : vector<16xf32>
        scf.yield %add3A_308, %add3A_312 : vector<16xf32>, vector<16xf32>
      }
      %scan3A_292 = arith.constant 200 : i32
      %div3A_293 = arith.divf %scan3A_291#0, %scan3A_291#1 : vector<16xf32>
      %swap3A_294 = arith.constant 48 : index
      %swap3A_295 = tpu.vector_load %arg8[%swap3A_294] {strides = array<i32>} : memref<64xf32, #tpu.memory_space<vmem>>, vector<16xf32>,
      tpu.vector_store %arg8[%swap3A_294], %div3A_293 {strides = array<i32>} : memref<64xf32, #tpu.memory_space<vmem>>, vector<16xf32>,
      %mul3A_296 = arith.constant 64 : i32
      %mul3A_297 = arith.muli %add3A_227, %mul3A_296 : i32
      %run_scoped3A_298 = arith.constant 1 : i32
      "tpu.region"() ({
        %run_scoped3A_299 = tpu.sem_alloc : memref<!tpu.dma_semaphore, #tpu.memory_space<semaphore_mem>>
        %dma_start3A = tpu.memref_slice %arg5[%run_scoped3A_298, %mul3A_297] : memref<2x4096xf32, #tpu.memory_space<hbm>> -> memref<1x64xf32, #tpu.memory_space<hbm>>
        %dma_start3A_300 = tpu.memref_squeeze %dma_start3A : memref<1x64xf32, #tpu.memory_space<hbm>> -> memref<64xf32, #tpu.memory_space<hbm>>
        %dma_start3A_301 = tpu.memref_slice %arg5[%run_scoped3A_298, %mul3A_297] : memref<2x4096xf32, #tpu.memory_space<hbm>> -> memref<1x64xf32, #tpu.memory_space<hbm>>
        %dma_start3A_302 = tpu.memref_squeeze %dma_start3A_301 : memref<1x64xf32, #tpu.memory_space<hbm>> -> memref<64xf32, #tpu.memory_space<hbm>>
        tpu.enqueue_dma source(%arg8 : memref<64xf32, #tpu.memory_space<vmem>>) target(%dma_start3A_302 : memref<64xf32, #tpu.memory_space<hbm>>) target_semaphore(%run_scoped3A_299 : memref<!tpu.dma_semaphore, #tpu.memory_space<semaphore_mem>>)
        %dma_wait3A = tpu.memref_slice %arg5[%run_scoped3A_298, %mul3A_297] : memref<2x4096xf32, #tpu.memory_space<hbm>> -> memref<1x64xf32, #tpu.memory_space<hbm>>
        %dma_wait3A_303 = tpu.memref_squeeze %dma_wait3A : memref<1x64xf32, #tpu.memory_space<hbm>> -> memref<64xf32, #tpu.memory_space<hbm>>
        %dma_wait3A_304 = tpu.memref_slice %arg5[%run_scoped3A_298, %mul3A_297] : memref<2x4096xf32, #tpu.memory_space<hbm>> -> memref<1x64xf32, #tpu.memory_space<hbm>>
        %dma_wait3A_305 = tpu.memref_squeeze %dma_wait3A_304 : memref<1x64xf32, #tpu.memory_space<hbm>> -> memref<64xf32, #tpu.memory_space<hbm>>
        tpu.wait_dma2 semaphore(%run_scoped3A_299 : memref<!tpu.dma_semaphore, #tpu.memory_space<semaphore_mem>>) src(%arg8 : memref<64xf32, #tpu.memory_space<vmem>>) dst(%dma_wait3A_305 : memref<64xf32, #tpu.memory_space<hbm>>)
        tpu.yield
      }) : () -> ()
    } else {
    }
    return
  }
}

module attributes {stable_mosaic.version = 14 : i64} {
  func.func @_matvec_body(%arg0: i32, %arg1: memref<2000x128xf32, #tpu.memory_space<vmem>>, %arg2: memref<128x2xf32, #tpu.memory_space<vmem>>, %arg3: memref<2000x2xf32, #tpu.memory_space<vmem>>) attributes {dimension_semantics = [#tpu.dimension_semantics<arbitrary>], iteration_bounds = array<i64: 50>, scalar_prefetch = 0 : i64, scratch_operands = 0 : i64, tpu.core_type = #tpu.core_type<tc>, window_params = [{transform_indices = @transform_0, window_bounds = array<i64: 2000, 128>}, {pipeline_mode = #tpu.pipeline_mode<synchronous>, transform_indices = @transform_1, window_bounds = array<i64: 128, 2>}, {transform_indices = @transform_2, window_bounds = array<i64: 2000, 2>}]} {
    %get3A = arith.constant 0 : index
    %get3A_0 = arith.constant 0 : index
    %get3A_1 = vector.load %arg1[%get3A, %get3A_0] : memref<2000x128xf32, #tpu.memory_space<vmem>>, vector<2000x128xf32>
    %get3A_2 = arith.constant 0 : index
    %get3A_3 = arith.constant 0 : index
    %get3A_4 = vector.load %arg2[%get3A_2, %get3A_3] : memref<128x2xf32, #tpu.memory_space<vmem>>, vector<128x2xf32>
    %dot_general3A = arith.constant dense<0.000000e+00> : vector<2000x2xf32>
    %dot_general3A_5 = tpu.matmul %get3A_1, %get3A_4, %dot_general3A {dimension_numbers = #tpu.dot_dimension_numbers<[1], [0], [0], [1], [0, 0, 1, 1], [], []>, transpose_lhs_hint = false} : vector<2000x128xf32>, vector<128x2xf32>, vector<2000x2xf32> -> vector<2000x2xf32>
    %swap3A = arith.constant 0 : index
    %swap3A_6 = arith.constant 0 : index
    %swap3A_7 = vector.load %arg3[%swap3A, %swap3A_6] : memref<2000x2xf32, #tpu.memory_space<vmem>>, vector<2000x2xf32>
    tpu.vector_store %arg3[%swap3A, %swap3A_6], %dot_general3A_5 {strides = array<i32>} : memref<2000x2xf32, #tpu.memory_space<vmem>>, vector<2000x2xf32>,
    return
  }
  func.func @transform_0(%arg0: i32) -> (i32, i32) {
    %c0_i32 = arith.constant 0 : i32
    %c0_i32_0 = arith.constant 0 : i32
    return %arg0, %c0_i32 : i32, i32
  }
  func.func @transform_1(%arg0: i32) -> (i32, i32) {
    %c0_i32 = arith.constant 0 : i32
    %c0_i32_0 = arith.constant 0 : i32
    %c0_i32_1 = arith.constant 0 : i32
    return %c0_i32, %c0_i32_0 : i32, i32
  }
  func.func @transform_2(%arg0: i32) -> (i32, i32) {
    %c0_i32 = arith.constant 0 : i32
    %c0_i32_0 = arith.constant 0 : i32
    return %arg0, %c0_i32 : i32, i32
  }
}

module attributes {stable_mosaic.version = 14 : i64} {
  func.func @_combine_body(%arg0: memref<2x4096xf32, #tpu.memory_space<vmem>>, %arg1: memref<1xf32, #tpu.memory_space<smem>>, %arg2: memref<4096xf32, #tpu.memory_space<vmem>>) attributes {dimension_semantics = [], scalar_prefetch = 0 : i64, scratch_operands = 0 : i64, tpu.core_type = #tpu.core_type<tc>} {
    %get3A = arith.constant 0 : index
    %get3A_0 = arith.constant 0 : index
    %get3A_1 = vector.load %arg0[%get3A, %get3A_0] : memref<2x4096xf32, #tpu.memory_space<vmem>>, vector<1x4096xf32>
    %get3A_2 = vector.shape_cast %get3A_1 : vector<1x4096xf32> to vector<4096xf32>
    %get3A_3 = arith.constant 1 : index
    %get3A_4 = arith.constant 0 : index
    %get3A_5 = vector.load %arg0[%get3A_3, %get3A_4] : memref<2x4096xf32, #tpu.memory_space<vmem>>, vector<1x4096xf32>
    %get3A_6 = vector.shape_cast %get3A_5 : vector<1x4096xf32> to vector<4096xf32>
    %add3A = arith.addf %get3A_2, %get3A_6 : vector<4096xf32>
    %get3A_7 = arith.constant 0 : index
    %get3A_8 = memref.load %arg1[%get3A_7] : memref<1xf32, #tpu.memory_space<smem>>
    %add3A_9 = vector.broadcast %get3A_8 : f32 to vector<4096xf32>
    %add3A_10 = arith.addf %add3A, %add3A_9 : vector<4096xf32>
    %neg3A = arith.constant 0.000000e+00 : f32
    %neg3A_11 = vector.broadcast %neg3A : f32 to vector<4096xf32>
    %neg3A_12 = arith.subf %neg3A_11, %add3A_10 : vector<4096xf32>
    %exp3A = math.exp %neg3A_12 : vector<4096xf32>
    %add3A_13 = arith.constant 1.000000e+00 : f32
    %add3A_14 = vector.broadcast %add3A_13 : f32 to vector<4096xf32>
    %add3A_15 = arith.addf %add3A_14, %exp3A : vector<4096xf32>
    %div3A = arith.constant 1.000000e+00 : f32
    %div3A_16 = vector.broadcast %div3A : f32 to vector<4096xf32>
    %div3A_17 = arith.divf %div3A_16, %add3A_15 : vector<4096xf32>
    %swap3A = arith.constant 0 : index
    %swap3A_18 = vector.load %arg2[%swap3A] : memref<4096xf32, #tpu.memory_space<vmem>>, vector<4096xf32>
    tpu.vector_store %arg2[%swap3A], %div3A_17 {strides = array<i32>} : memref<4096xf32, #tpu.memory_space<vmem>>, vector<4096xf32>,
    return
  }
}

</mosaic_0001>

<sc_bundles>
// kernel: kernel.5.cloned.1.call-start
scs
__scs_entry_jumppad:
0x0: {  	(pc) =	sbr.rel $0x88, $3  }
0x1: {  	(tag) =	ssettag $0x0;
	lr =	simm.s32 $0x1  }
0x2: {  	[smem:$0x3F9C] =	sst lr;
	_ =	strace $0xD0000000  }
0x3: {  	_ = 	snop  }
0x4: {  	_ = 	snop  }
0x5: {  	_ = 	snop  }
0x6: {  	_ = 	snop  }
0x7: {  	_ = 	snop  }
__scs_overlays_trampoline_lowered:
0x8: {  	[smem:$0x3FAB] =	sst s0  }
0x9: {  	[smem:$0x3FAC] =	sst s1  }
0xa: {  	[smem:$0x3FAD] =	sst s2  }
0xb: {  	[smem:$0x3FAE] =	sst s3  }
0xc: {  	[smem:$0x3FAF] =	sst s4  }
0xd: {  	[smem:$0x3FB0] =	sst s5  }
0xe: {  	[smem:$0x3FB1] =	sst s6  }
0xf: {  	[smem:$0x3FB2] =	sst s7  }
0x10: {  	[smem:$0x3FB3] =	sst s8  }
0x11: {  	[smem:$0x3FB4] =	sst s9;
	s0 =	simm.s32 @!p0 $0x0  }
0x12: {  	s1 =	sld [smem:$0x3F9A];
	s0 =	simm.s32 @p0 $0x1  }
0x13: {  	[smem:$0x3FB5] =	sst s0;
	s0 =	simm.s32 @!p1 $0x0  }
0x14: {  	s2 =	sld [smem:$0x3F99];
	s0 =	simm.s32 @p1 $0x1  }
0x15: {  	[smem:$0x3FB6] =	sst s0;
	s0 =	simm.s32 @!p2 $0x0  }
0x16: {  	s3 =	sld [smem:$0x3FDB];
	s0 =	simm.s32 @p2 $0x1  }
0x17: {  	s4 =	simm.s32 $0x1BF5;
	[smem:$0x3FB8] =	sst s0  }
0x18: {  	s0 =	sld [smem:$0x3F9B];
	_ =	swait.ge [sflag:s4], $0x0  }
0x19: {  	s7 =	sld [smem:$0x3F9C]  }
0x1a: {  	s8 =	sadd.s32 $0xFFFFE003, lr  }
0x1b: {  	s9 =	sadd.s32 $0xFFFFFEF7, lr;
	s5 =	simm.s32 $0xFFFFFFFF;
	p2 =	slt.u32 s8, $0xFFFFF086  }
0x1c: {  	p1 =	slt.u32 s9, $0xF7A;
	s5 =	simm.s32 @!p2 $0x0  }
0x1d: {  	s5 =	simm.s32 @p1 $0x1;
	p0 =	seq.s32 s7, s2  }
0x1e: {  	s7 =	smul.u32 @!p0 $0xF7A, s2;
	p2 =	seq.s32 @!p0 s5, $0x0  }
0x1f: {  	s9 =	smul.u32 $0xF7A, s1;
	s8 =	simm.s32 @!p0 $0x1BF5;
	p2 =	por !p2, p0  }
0x20: {  	[sflag:s8] =	ssyncset.s32 @!p0 $0xFFFFF086;
	s6 =	sadd.s32 @!p0 s3, s7;
	s7 =	simm.s32 @!p0 $0x108  }
0x21: {  	s3 =	sadd.s32 s3, s9;
	s6 =	sadd.s32 @!p0 $0x88, s6;
	s7 =	simm.s32 @p2 $0x1082  }
0x22: {  	[simem:s7], [sflag:s8] =	dma.local @!p0 [hbm:s6], $0xF7A  }
0x23: {  	s9 =	sor.u32 $0xD0000000, s2;
	s6 =	simm.s32 $0x108;
	_ =	swait.ge @!p0 [sflag:s8], $0x0  }
0x24: {  	s3 =	sadd.s32 $0x88, s3;
	s6 =	simm.s32 @!p1 $0x1082;
	[sflag:s4] =	ssyncset.s32 $0xFFFFF086  }
0x25: {  	[simem:s6], [sflag:s4] =	dma.local [hbm:s3], $0xF7A  }
0x26: {  	[smem:$0x3F9C] =	sst s1;
	(tag) =	ssettag s2;
	_ =	strace s9  }
0x27: {  	s1 =	sld [smem:$0x3FAC]  }
0x28: {  	s2 =	sld [smem:$0x3FAD]  }
0x29: {  	s4 =	sld [smem:$0x3FAF]  }
0x2a: {  	p0 =	seq.s32 s5, $0x0;
	s5 =	sld [smem:$0x3FB0]  }
0x2b: {  	s6 =	sld [smem:$0x3FB1]  }
0x2c: {  	s7 =	sld [smem:$0x3FB2]  }
0x2d: {  	s3 =	simm.s32 $0x108;
	s8 =	sld [smem:$0x3FB3]  }
0x2e: {  	s3 =	simm.s32 @!p0 $0x1082;
	s9 =	sld [smem:$0x3FB4]  }
0x2f: {  	lr =	sadd.s32 s0, s3;
	s0 =	sld [smem:$0x3FAB]  }
0x30: {  	s3 =	sld [smem:$0x3FAE]  }
0x31: {  	[smem:$0x3FB7] =	sst s10  }
0x32: {  	s10 =	sld [smem:$0x3FB5];
	_ =	sdelay $0x3  }
0x33: {  	p0 =	seq.s32 s10, $0x1;
	s10 =	sld [smem:$0x3FB7];
	_ =	sdelay $0x3  }
0x34: {  	[smem:$0x3FB7] =	sst s10  }
0x35: {  	s10 =	sld [smem:$0x3FB6];
	_ =	sdelay $0x3  }
0x36: {  	p1 =	seq.s32 s10, $0x1;
	s10 =	sld [smem:$0x3FB7];
	_ =	sdelay $0x3  }
0x37: {  	[smem:$0x3FB7] =	sst s10  }
0x38: {  	s10 =	sld [smem:$0x3FB8]  }
0x39: {  	_ = 	snop;
	(pc) =	sbr.ind lr, $3  }
0x3a: {  	_ = 	snop  }
0x3b: {  	_ = 	snop  }
0x3c: {  	p2 =	seq.s32 s10, $0x1;
	s10 =	sld [smem:$0x3FB7]  }
0x3d: {  	_ =	shalt  }
0x3e: {  	_ =	shalt  }
0x3f: {  	_ =	shalt  }
0x40: {  	_ =	shalt  }
0x41: {  	_ =	shalt  }
0x42: {  	_ =	shalt  }
0x43: {  	_ =	shalt  }
0x44: {  	_ =	shalt  }
0x45: {  	_ =	shalt  }
0x46: {  	_ =	shalt  }
0x47: {  	_ =	shalt  }
0x48: {  	_ =	shalt  }
0x49: {  	_ =	shalt  }
0x4a: {  	_ =	shalt  }
0x4b: {  	_ =	shalt  }
0x4c: {  	_ =	shalt  }
0x4d: {  	_ =	shalt  }
0x4e: {  	_ =	shalt  }
0x4f: {  	_ =	shalt  }
0x50: {  	_ =	shalt  }
0x51: {  	_ =	shalt  }
0x52: {  	_ =	shalt  }
0x53: {  	_ =	shalt  }
0x54: {  	_ =	shalt  }
0x55: {  	_ =	shalt  }
0x56: {  	_ =	shalt  }
0x57: {  	_ =	shalt  }
0x58: {  	_ =	shalt  }
0x59: {  	_ =	shalt  }
0x5a: {  	_ =	shalt  }
0x5b: {  	_ =	shalt  }
0x5c: {  	_ =	shalt  }
0x5d: {  	_ =	shalt  }
0x5e: {  	_ =	shalt  }
0x5f: {  	_ =	shalt  }
0x60: {  	_ =	shalt  }
0x61: {  	_ =	shalt  }
0x62: {  	_ =	shalt  }
0x63: {  	_ =	shalt  }
0x64: {  	_ =	shalt  }
0x65: {  	_ =	shalt  }
0x66: {  	_ =	shalt  }
0x67: {  	_ =	shalt  }
0x68: {  	_ =	shalt  }
0x69: {  	_ =	shalt  }
0x6a: {  	_ =	shalt  }
0x6b: {  	_ =	shalt  }
0x6c: {  	_ =	shalt  }
0x6d: {  	_ =	shalt  }
0x6e: {  	_ =	shalt  }
0x6f: {  	_ =	shalt  }
0x70: {  	_ =	shalt  }
0x71: {  	_ =	shalt  }
0x72: {  	_ =	shalt  }
0x73: {  	_ =	shalt  }
0x74: {  	_ =	shalt  }
0x75: {  	_ =	shalt  }
0x76: {  	_ =	shalt  }
0x77: {  	_ =	shalt  }
0x78: {  	_ =	shalt  }
0x79: {  	_ =	shalt  }
0x7a: {  	_ =	shalt  }
0x7b: {  	_ =	shalt  }
0x7c: {  	_ =	shalt  }
0x7d: {  	_ =	shalt  }
0x7e: {  	_ =	shalt  }
0x7f: {  	_ =	shalt  }
0x80: {  	_ =	shalt  }
0x81: {  	_ =	shalt  }
0x82: {  	_ =	shalt  }
0x83: {  	_ =	shalt  }
0x84: {  	_ =	shalt  }
0x85: {  	_ =	shalt  }
0x86: {  	_ =	shalt  }
0x87: {  	_ =	shalt  }
.Lfunc_end0:
.L_simem_size_0:
called_computation_lowered:
.L_overlay_start_0:
0x88: {  	s2 =	sld [smem:$0x3FD9]  }
0x89: {  	s3 =	sld [smem:$0x3FFE];
	_ =	sdelay $0x1  }
0x8a: {  	s1 =	srdreg.scid  }
0x8b: {  	s0 =	sand.u32 $0x1, s1  }
0x8c: {  	s16 =	sshll.u32 s0, $0xA;
	s2 =	sadd.s32 s3, s2  }
0x8d: {  	s2 =	sadd.s32 s2, s16  }
0x8e: {  	[smem:$0x3FC3] =	sst s2  }
0x8f: {  	_ = 	snop  }
0x90: {  	(tm) =	ssettm $0x1  }
0x91: {  	s17 =	sld [smem:$0x3FFB];
	_ =	sdelay $0x3  }
0x92: {  	_ =	strace s17  }
0x93: {  	s2 =	sld [smem:$0x3FFC];
	_ =	sdelay $0x3  }
0x94: {  	_ =	strace s2  }
0x95: {  	s2 =	sld [smem:$0x3FFD];
	_ =	sdelay $0x3  }
0x96: {  	_ =	strace s2  }
0x97: {  	_ =	strace $0x8FFFFFFF  }
0x98: {  	s18 =	sld [smem:$0x3FDB];
	_ =	sdelay $0x1  }
0x99: {  	s19 =	simm.s32 $_scs_section_size  }
0x9a: {  	s4 =	simm.s32 $_size__tile_overlayer_lowered;
	s5 =	simm.s32 $_tile_overlayer_lowered  }
0x9b: {  	s22 =	simm.s32 $0x1BFF;
	s21 =	sshll.u32 s5, $0x1;
	s2 =	sadd.s32 s19, s18  }
0x9c: {  	s6 =	simm.s32 $0x0;
	s20 =	sshll.u32 s4, $0x1;
	s4 =	sadd.s32 s21, s2  }
0x9d: {  	[timem:s6], [sflag:s22] =	dma.local [hbm:s4], s20  }
0x9e: {  	_ =	swait.ge [sflag:s22], s20  }
0x9f: {  	s3 =	ssub.s32 $0x0, s20;
	[sflag:s22] =	ssyncset.done $0x0  }
0xa0: {  	[sflag:s22] =	ssyncadd.s32 s3;
	_ =	sdelay $0x1  }
0xa1: {  	s23 =	simm.s32 $0x1B8B  }
0xa2: {  	_ =	swait.ge [sflag:s23], $0x1  }
0xa3: {  	[sflag:s23] =	ssyncset.done $0x0  }
0xa4: {  	s25 =	simm.s32 $0x1B8E;
	s24 =	sld [smem:$0x3FFE];
	[sflag:s23] =	ssyncadd.s32 $0xFFFFFFFF  }
0xa5: {  	s26 =	simm.s32 $execute0_lowered;
	[smem:$0x3FD2] =	sst s25  }
0xa6: {  	s4 =	sshll.u32 s26, $0x1;
	_ =	strace $0x80000046;
	[dreg:$0x1] =	wrdreg $0xFFFFFFFF  }
0xa7: {  	s28 =	simm.s32 $_size_execute0_lowered;
	s2 =	sadd.s32 s2, s4;
	[dreg:$0x0] =	wrdreg $0x0  }
0xa8: {  	s4 =	sshll.u32 s28, $0x1;
	[dreg:$0x2] =	wrdreg s2  }
0xa9: {  	[dreg:$0x3] =	wrdreg s4  }
0xaa: {  	[dreg:$0x4] =	wrdreg $0xC0  }
0xab: {  	_ =	task [dreg:s6], $0x5FFFF  }
0xac: {  	[dreg:$0x1] =	wrdreg $0xFFFFFFFF  }
0xad: {  	[dreg:$0x0] =	wrdreg $0x60  }
0xae: {  	[dreg:$0x2] =	wrdreg s24  }
0xaf: {  	[dreg:$0x3] =	wrdreg $0x9  }
0xb0: {  	_ =	task.clear_ibuf [dreg:s6], $0x4FFFF;
	_ =	strace $0x90000046  }
0xb1: {  	s29 =	simm.s32 $0x9;
	_ =	strace $0x80000048  }
0xb2: {  	_ =	swait.ge [sflag:s29], $0x1  }
0xb3: {  	[sflag:s29] =	ssyncadd.s32 $0xFFFFFFFF  }
0xb4: {  	_ =	strace $0x90000048  }
0xb5: {  	_ =	sfence  }
0xb6: {  	s30 =	sld [smem:$0x0];
	_ =	sdelay $0x2  }
0xb7: {  	s31 =	sshll.u32 s1, $0xD;
	s1 =	sshrl.u32 s1, $0x2  }
0xb8: {  	s3 =	sand.u32 $0x4000, s31;
	s1 =	sadd.s32 s1, s30  }
0xb9: {  	s0 =	sor.u32 s3, s0;
	s1 =	sshll.u32 s1, $0x11  }
0xba: {  	s0 =	sor.u32 s1, s0  }
0xbb: {  	s0 =	sadd.s32 $0x8F2B, s0  }
0xbc: {  	[sflag:s0] =	ssyncadd.remote.s32 $0x1  }
0xbd: {  	_ =	sfence.sel $0xFFFF  }
0xbe: {  	[dreg:$0x0] =	wrdreg $0xFFFFFFFF;
	(pc) =	sbr.abs _section_cstart, $3  }
0xbf: {  	[dreg:$0x1] =	wrdreg $0xFFFFFFFF  }
0xc0: {  	_ =	task.clear_ibuf [dreg:s6], $0x2FFFF;
	_ =	strace $0x9FFFFFFF  }
0xc1: {  	(tm) =	ssettm $0x7FFFFFFF  }
tec
execute0_lowered:
.L_overlay_start_1:
0x0: {  	(tag) =	ssettag $0x1  }
0x1: {  	v0 =	vimm.s32 $0xB80;
	vm14 =	vcmask $0x300  }
0x2: {  	vm13 =	vcmask $0x704;
	vm12 =	vcmask $0xB08;
	vm11 =	vcmask $0xF0C  }
0x3: {  	vm10 =	vcmask $0x1310;
	vm9 =	vcmask $0x1714;
	vm8 =	vcmask $0x1B18  }
0x4: {  	vm7 =	vcmask $0x1F1C;
	vm6 =	vcmask $0x2320;
	vm5 =	vcmask $0x2724  }
0x5: {  	vm4 =	vcmask $0x2B28;
	vm3 =	vcmask $0x2F2C;
	vm2 =	vcmask $0x3330  }
0x6: {  	vm0 =	vcmask $0x3734;
	vm1 =	vcmask $0x3B38;
	v1 =	vimm.f32 $1.000000000e+00  }
0x7: {  	v2 =	vimm.s32 $0x1B80;
	v3 =	vimm.s32 $0x2B80;
	v4 =	vimm.s32 $0x3B80  }
0x8: {  	v0 =	vsel vm14, $0x0, v0;
	v2 =	vsel vm14, $0x1000, v2;
	v3 =	vsel vm14, $0x2000, v3  }
0x9: {  	v4 =	vsel vm14, $0x3000, v4;
	v0 =	vsel vm13, $0x80, v0;
	v2 =	vsel vm13, $0x1080, v2  }
0xa: {  	s13 =	rddreg [dreg:$0x0];
	v3 =	vsel vm13, $0x2080, v3;
	v4 =	vsel vm13, $0x3080, v4;
	v0 =	vsel vm12, $0x100, v0  }
0xb: {  	s2 =	srdreg.scid;
	s0 =	rddreg [dreg:$0x1];
	s1 =	simm.s32 $0x0;
	v2 =	vsel vm12, $0x1100, v2;
	v3 =	vsel vm12, $0x2100, v3;
	v4 =	vsel vm12, $0x3100, v4  }
0xc: {  	s24 =	simm.s32 $0x1;
	s25 =	simm.s32 $0x18700;
	s26 =	simm.s32 $0x1C700;
	v0 =	vsel vm11, $0x180, v0;
	v2 =	vsel vm11, $0x1180, v2;
	v3 =	vsel vm11, $0x2180, v3  }
0xd: {  	s28 =	simm.s32 $0x0;
	s4 =	sand.u32 $0x1, s2;
	[smem:$0x7FF] =	sst s1;
	v4 =	vsel vm11, $0x3180, v4;
	v0 =	vsel vm10, $0x200, v0;
	v2 =	vsel vm10, $0x1200, v2  }
0xe: {  	s11 =	sadd.s32 $0xC00, s13;
	s20 =	sadd.s32 $0x20C00, s13;
	s10 =	sadd.s32 $0x40C00, s13;
	v3 =	vsel vm10, $0x2200, v3;
	v4 =	vsel vm10, $0x3200, v4;
	v0 =	vsel vm9, $0x280, v0  }
0xf: {  	s23 =	sadd.s32 $0x40C10, s13;
	s2 =	sshll.u32 s4, $0x4;
	s5 =	ssub.s32 $0x2, s4;
	v2 =	vsel vm9, $0x1280, v2;
	v3 =	vsel vm9, $0x2280, v3;
	v4 =	vsel vm9, $0x3280, v4  }
0x10: {  	_ =	strace $0x80000047;
	p0 =	seq.s32 s4, $0x1;
	s6 =	sshrl.u32 s5, $0x1;
	v0 =	vsel vm8, $0x300, v0;
	v2 =	vsel vm8, $0x1300, v2;
	v3 =	vsel vm8, $0x2300, v3  }
0x11: {  	s3 =	sadd.s32 s2, s13;
	s2 =	stileid.u32;
	s21 =	ssub.s32 s5, s6;
	v4 =	vsel vm8, $0x3300, v4;
	v0 =	vsel vm7, $0x380, v0;
	v2 =	vsel vm7, $0x1380, v2  }
0x12: {  	s3 =	sadd.s32 $0x187600, s3;
	s9 =	sshll.u32 s2, $0x2;
	s14 =	sshll.u32 s2, $0xD;
	v3 =	vsel vm7, $0x2380, v3;
	v4 =	vsel vm7, $0x3380, v4;
	v0 =	vsel vm6, $0x800, v0  }
0x13: {  	s15 =	sshll.u32 s2, $0x6;
	s6 =	sadd.s32 $0x40C08, s13;
	s12 =	sshllo.u32 s2, $0x2;
	v2 =	vsel vm6, $0x1800, v2;
	v3 =	vsel vm6, $0x2800, v3;
	v4 =	vsel vm6, $0x3800, v4  }
0x14: {  	s4 =	sadd.s32 s11, s14;
	s5 =	sadd.s32 s10, s15;
	s8 =	sadd.s32 s15, s6;
	v0 =	vsel vm5, $0x880, v0;
	v2 =	vsel vm5, $0x1880, v2;
	v3 =	vsel vm5, $0x2880, v3  }
0x15: {  	s9 =	sor.u32 $0x2, s9;
	s22 =	sshll.u32 s12, $0xB;
	s12 =	sshll.u32 s12, $0x4;
	v4 =	vsel vm5, $0x3880, v4;
	v0 =	vsel vm4, $0x900, v0;
	v2 =	vsel vm4, $0x1900, v2  }
0x16: {  	s14 =	sadd.s32 s20, s14;
	s15 =	sadd.s32 s15, s23;
	s21 =	smax.u32 s21, $0x1;
	v3 =	vsel vm4, $0x2900, v3;
	v4 =	vsel vm4, $0x3900, v4;
	v0 =	vsel vm3, $0x980, v0  }
.Ltmp0:
0x17: {  	s7 =	sadd.s32 $0x800, s4;
	s18 =	sshll.u32 s9, $0xB;
	v2 =	vsel vm3, $0x1980, v2;
	v3 =	vsel vm3, $0x2980, v3;
	v4 =	vsel vm3, $0x3980, v4;
	(pc) =	sbr.rel .LBB2_1-.Ltmp0, $4  }
0x18: {  	s19 =	sshll.u32 s9, $0x4;
	s13 =	sand.u32 $0x3E0, s12;
	s16 =	sadd.s32 $0x800, s14;
	v0 =	vsel vm2, $0xA00, v0;
	v2 =	vsel vm2, $0x1A00, v2;
	v3 =	vsel vm2, $0x2A00, v3  }
0x19: {  	s17 =	sadd.s32 $0x18, s5;
	s9 =	sadd.s32 s11, s18;
	s10 =	sadd.s32 s10, s19;
	v4 =	vsel vm2, $0x3A00, v4;
	v0 =	vsel vm0, $0xA80, v0;
	v2 =	vsel vm0, $0x1A80, v2  }
0x1a: {  	s11 =	sadd.s32 s11, s22;
	s18 =	sadd.s32 s20, s18;
	s19 =	sadd.s32 s19, s23;
	v3 =	vsel vm0, $0x2A80, v3;
	v4 =	vsel vm0, $0x3A80, v4;
	v0 =	vsel vm1, $0xB00, v0  }
0x1b: {  	s20 =	sadd.s32 s20, s22;
	s22 =	simm.s32 $0x80;
	s23 =	simm.s32 $0x100;
	v2 =	vsel vm1, $0x1B00, v2;
	v3 =	vsel vm1, $0x2B00, v3;
	v4 =	vsel vm1, $0x3B00, v4  }
.LBB2_67:
0x1c: {  	v11 =	vshll.u32 v10, $0x3  }
0x1d: {  	v61 =	vand.u32 $0x7F, v10;
	v11 =	vand.u32 $0x400, v11  }
0x1e: {  	v10 =	vor.u32 v11, v61  }
0x1f: {  	v10 =	vor.u32 v4, v10;
	_ =	sdelay $0x4  }
0x20: {  	v10 =	vld.idx.msk [tilespmem:v10+s25+$0x0], $0xffff;
	_ =	sdelay $0x5  }
0x21: {  	v62 =	vld.idx.msk [tilespmem:v8+s1+$0x0], $0xffff;
	_ =	sdelay $0x1  }
0x22: {  	vm0 =	veq.s32 v6, $0x1;
	v6 =	vld.idx.msk [tilespmem:v10+s1+$0x0], $0xffff  }
0x23: {  	v9 =	vsel vm0, $0x0, v9;
	v12 =	vsel vm0, $0x0, v1  }
0x24: {  	vm14 =	veq.s32 v8, $0x1;
	v5 =	vadd.f32 v9, v5;
	v7 =	vadd.f32 v12, v7  }
0x25: {  	v63 =	vsel vm14, $0x0, v1;
	v8 =	vsel vm14, $0x0, v62  }
0x26: {  	v7 =	vadd.f32 v63, v7;
	v5 =	vadd.f32 v8, v5;
	vm15 =	veq.s32 v10, $0x1  }
0x27: {  	v8 =	vsel vm15, $0x0, v1;
	v6 =	vsel vm15, $0x0, v6  }
0x28: {  	s29 =	smov.u32 s12;
	v5 =	vadd.f32 v6, v5;
	v6 =	vadd.f32 v8, v7  }
.LBB2_68:
0x29: {  	_ = 	snop  }
0x2a: {  	(erf) = vrcp.f32 v6;
	_ =	sdelay $0x8  }
0x2b: {  	v6 =	vpop (erf)  }
0x2c: {  	s28 =	sadd.s32 $0x1, s28;
	v5 =	vmul.f32 v6, v5  }
0x2d: {  	p1 =	sne.s32 s28, s21  }
.Ltmp1:
0x2e: {  	s29 =	sadd.s32 s29, s6;
	[tilespmem:$0x1C730] =	vst v5;
	(pc) =	sbr.rel @!p1 .LBB2_69-.Ltmp1, $4  }
0x2f: {  	[hbm4b:s29+s1] =	stream.linear.scatter [tilespmem:s26], [sflag:$0x1], $0x40, $0x38;
	[tilespmem:$0x1C780] =	vst v63  }
0x30: {  	_ =	swait.ge [sflag:s24], $0x40  }
0x31: {  	[sflag:s24] =	ssyncset.done $0x0  }
0x32: {  	[sflag:s24] =	ssyncadd.s32 $0xFFFFFFC0  }
.LBB2_1:
0x33: {  	s29 =	simm.s32 $0x0  }
.Ltmp2:
0x34: {  	v5 =	vmov s29;
	(pc) =	sbr.rel @!p0 .LBB2_2-.Ltmp2, $4  }
0x35: {  	[tilespmem:s1], [sflag:$0x1] =	stream.strided.gather [hbm4b:s3+s22], $0x18700, s23, s22, $0x38;
	v6 =	vshll.u32 v5, $0x3;
	[tilespmem:$0x1C780] =	vst v63  }
0x36: {  	_ =	swait.ge [sflag:s24], $0x18700;
	v5 =	vand.u32 $0x7F, v5;
	v6 =	vand.u32 $0x400, v6  }
0x37: {  	[sflag:s24] =	ssyncset.done $0x0;
	v5 =	vor.u32 v6, v5  }
0x38: {  	[sflag:s24] =	ssyncadd.s32 $0xFFFE7900;
	v5 =	vor.u32 v0, v5  }
0x39: {  	[tilespmem:s25], [sflag:$0x1] =	stream.linear.gather [hbm4b:s14+s29], $0x4000, $0x38;
	[tilespmem:$0x1C780] =	vst v63  }
0x3a: {  	_ =	swait.ge [sflag:s24], $0x4000  }
0x3b: {  	[sflag:s24] =	ssyncset.done $0x0  }
0x3c: {  	s29 =	simm.s32 $0x1;
	[sflag:s24] =	ssyncadd.s32 $0xFFFFC000  }
0x3d: {  	v6 =	vmov s29;
	v8 =	vld.idx.msk [tilespmem:v5+s25+$0x0], $0xffff  }
0x3e: {  	v5 =	vshll.u32 v6, $0x3  }
0x3f: {  	v6 =	vand.u32 $0x7F, v6;
	v5 =	vand.u32 $0x400, v5  }
0x40: {  	v5 =	vor.u32 v5, v6  }
0x41: {  	v7 =	vor.u32 v0, v5;
	_ =	sdelay $0x3  }
0x42: {  	s29 =	simm.s32 $0x2;
	v6 =	vld.idx.msk [tilespmem:v8+s1+$0x0], $0xffff  }
0x43: {  	v9 =	vimm.f32 $0.0e+00;
	v10 =	vmov s29;
	s29 =	simm.s32 $0x3;
	v5 =	vimm.f32 $0.0e+00;
	v7 =	vld.idx.msk [tilespmem:v7+s25+$0x0], $0xffff  }
.LBB2_36:
0x44: {  	p1 =	sne.s32 s29, $0xC7;
	v11 =	vshll.u32 v10, $0x3  }
0x45: {  	v10 =	vand.u32 $0x7F, v10;
	v11 =	vand.u32 $0x400, v11  }
0x46: {  	v10 =	vor.u32 v11, v10  }
0x47: {  	vm0 =	veq.s32 v8, $0x1;
	v11 =	vor.u32 v0, v10  }
.Ltmp3:
0x48: {  	v6 =	vsel vm0, $0x0, v6;
	v10 =	vsel vm0, $0x0, v1;
	(pc) =	sbr.rel @p1 .LBB2_36-.Ltmp3, $3  }
0x49: {  	v5 =	vadd.f32 v6, v5;
	v9 =	vadd.f32 v10, v9;
	v8 =	vmov v7;
	_ =	sdelay $0x1  }
0x4a: {  	v6 =	vld.idx.msk [tilespmem:v7+s1+$0x0], $0xffff  }
0x4b: {  	v10 =	vmov s29;
	s29 =	sadd.s32 $0x1, s29;
	v7 =	vld.idx.msk [tilespmem:v11+s25+$0x0], $0xffff  }
0x4c: {  	v11 =	vshll.u32 v10, $0x3  }
0x4d: {  	v10 =	vand.u32 $0x7F, v10;
	v11 =	vand.u32 $0x400, v11  }
0x4e: {  	v10 =	vor.u32 v11, v10  }
0x4f: {  	v10 =	vor.u32 v0, v10;
	_ =	sdelay $0x4  }
0x50: {  	v10 =	vld.idx.msk [tilespmem:v10+s25+$0x0], $0xffff  }
0x51: {  	vm0 =	veq.s32 v8, $0x1  }
0x52: {  	v8 =	vsel vm0, $0x0, v1  }
0x53: {  	v8 =	vadd.f32 v8, v9;
	vm1 =	veq.s32 v7, $0x1  }
0x54: {  	v9 =	vsel vm1, $0x0, v1  }
0x55: {  	v8 =	vadd.f32 v9, v8;
	vm2 =	veq.s32 v10, $0x1  }
0x56: {  	v9 =	vsel vm2, $0x0, v1  }
0x57: {  	v8 =	vadd.f32 v9, v8;
	_ =	sdelay $0x1  }
0x58: {  	v7 =	vld.idx.msk [tilespmem:v7+s1+$0x0], $0xffff;
	(erf) = vrcp.f32 v8;
	_ =	sdelay $0x1  }
0x59: {  	v8 =	vld.idx.msk [tilespmem:v10+s1+$0x0], $0xffff  }
0x5a: {  	s29 =	simm.s32 $0x0;
	v6 =	vsel vm0, $0x0, v6  }
0x5b: {  	v5 =	vadd.f32 v6, v5;
	v6 =	vmov s29  }
0x5c: {  	v7 =	vsel vm1, $0x0, v7;
	v9 =	vshll.u32 v6, $0x3  }
0x5d: {  	v5 =	vadd.f32 v7, v5;
	v6 =	vand.u32 $0x7F, v6;
	v7 =	vand.u32 $0x400, v9  }
0x5e: {  	v6 =	vor.u32 v7, v6;
	v8 =	vsel vm2, $0x0, v8  }
0x5f: {  	v6 =	vor.u32 v2, v6;
	v5 =	vadd.f32 v8, v5  }
0x60: {  	v7 =	vpop (erf)  }
0x61: {  	v5 =	vmul.f32 v7, v5;
	_ =	sdelay $0x1  }
0x62: {  	s29 =	simm.s32 $0x1;
	[tilespmem:$0x1C700] =	vst v5  }
0x63: {  	v5 =	vmov s29;
	v8 =	vld.idx.msk [tilespmem:v6+s25+$0x0], $0xffff  }
0x64: {  	v6 =	vshll.u32 v5, $0x3  }
0x65: {  	v5 =	vand.u32 $0x7F, v5;
	v6 =	vand.u32 $0x400, v6  }
0x66: {  	v5 =	vor.u32 v6, v5  }
0x67: {  	v7 =	vor.u32 v2, v5;
	_ =	sdelay $0x3  }
0x68: {  	s29 =	simm.s32 $0x2;
	v6 =	vld.idx.msk [tilespmem:v8+s1+$0x0], $0xffff  }
0x69: {  	v9 =	vimm.f32 $0.0e+00;
	v10 =	vmov s29;
	s29 =	simm.s32 $0x3;
	v5 =	vimm.f32 $0.0e+00;
	v7 =	vld.idx.msk [tilespmem:v7+s25+$0x0], $0xffff  }
.LBB2_38:
0x6a: {  	p1 =	sne.s32 s29, $0xC7;
	v11 =	vshll.u32 v10, $0x3  }
0x6b: {  	v10 =	vand.u32 $0x7F, v10;
	v11 =	vand.u32 $0x400, v11  }
0x6c: {  	v10 =	vor.u32 v11, v10  }
0x6d: {  	vm0 =	veq.s32 v8, $0x1;
	v11 =	vor.u32 v2, v10  }
.Ltmp4:
0x6e: {  	v6 =	vsel vm0, $0x0, v6;
	v10 =	vsel vm0, $0x0, v1;
	(pc) =	sbr.rel @p1 .LBB2_38-.Ltmp4, $3  }
0x6f: {  	v5 =	vadd.f32 v6, v5;
	v9 =	vadd.f32 v10, v9;
	v8 =	vmov v7;
	_ =	sdelay $0x1  }
0x70: {  	v6 =	vld.idx.msk [tilespmem:v7+s1+$0x0], $0xffff  }
0x71: {  	v10 =	vmov s29;
	s29 =	sadd.s32 $0x1, s29;
	v7 =	vld.idx.msk [tilespmem:v11+s25+$0x0], $0xffff  }
0x72: {  	v11 =	vshll.u32 v10, $0x3  }
0x73: {  	v10 =	vand.u32 $0x7F, v10;
	v11 =	vand.u32 $0x400, v11  }
0x74: {  	v10 =	vor.u32 v11, v10  }
0x75: {  	v10 =	vor.u32 v2, v10;
	_ =	sdelay $0x4  }
0x76: {  	v10 =	vld.idx.msk [tilespmem:v10+s25+$0x0], $0xffff  }
0x77: {  	vm0 =	veq.s32 v8, $0x1  }
0x78: {  	v8 =	vsel vm0, $0x0, v1  }
0x79: {  	v8 =	vadd.f32 v8, v9;
	vm1 =	veq.s32 v7, $0x1  }
0x7a: {  	v9 =	vsel vm1, $0x0, v1  }
0x7b: {  	v8 =	vadd.f32 v9, v8;
	vm2 =	veq.s32 v10, $0x1  }
0x7c: {  	v9 =	vsel vm2, $0x0, v1  }
0x7d: {  	v8 =	vadd.f32 v9, v8;
	_ =	sdelay $0x1  }
0x7e: {  	v7 =	vld.idx.msk [tilespmem:v7+s1+$0x0], $0xffff;
	(erf) = vrcp.f32 v8;
	_ =	sdelay $0x1  }
0x7f: {  	v8 =	vld.idx.msk [tilespmem:v10+s1+$0x0], $0xffff  }
0x80: {  	s29 =	simm.s32 $0x0;
	v6 =	vsel vm0, $0x0, v6  }
0x81: {  	v5 =	vadd.f32 v6, v5;
	v6 =	vmov s29  }
0x82: {  	v7 =	vsel vm1, $0x0, v7;
	v9 =	vshll.u32 v6, $0x3  }
0x83: {  	v5 =	vadd.f32 v7, v5;
	v6 =	vand.u32 $0x7F, v6;
	v7 =	vand.u32 $0x400, v9  }
0x84: {  	v6 =	vor.u32 v7, v6;
	v8 =	vsel vm2, $0x0, v8  }
0x85: {  	v6 =	vor.u32 v3, v6;
	v5 =	vadd.f32 v8, v5  }
0x86: {  	v7 =	vpop (erf)  }
0x87: {  	v5 =	vmul.f32 v7, v5;
	_ =	sdelay $0x1  }
0x88: {  	s29 =	simm.s32 $0x1;
	[tilespmem:$0x1C710] =	vst v5  }
0x89: {  	v5 =	vmov s29;
	v8 =	vld.idx.msk [tilespmem:v6+s25+$0x0], $0xffff  }
0x8a: {  	v6 =	vshll.u32 v5, $0x3  }
0x8b: {  	v5 =	vand.u32 $0x7F, v5;
	v6 =	vand.u32 $0x400, v6  }
0x8c: {  	v5 =	vor.u32 v6, v5  }
0x8d: {  	v7 =	vor.u32 v3, v5;
	_ =	sdelay $0x3  }
0x8e: {  	s29 =	simm.s32 $0x2;
	v6 =	vld.idx.msk [tilespmem:v8+s1+$0x0], $0xffff  }
0x8f: {  	v9 =	vimm.f32 $0.0e+00;
	v10 =	vmov s29;
	s29 =	simm.s32 $0x3;
	v5 =	vimm.f32 $0.0e+00;
	v7 =	vld.idx.msk [tilespmem:v7+s25+$0x0], $0xffff  }
.LBB2_40:
0x90: {  	p1 =	sne.s32 s29, $0xC7;
	v11 =	vshll.u32 v10, $0x3  }
0x91: {  	v10 =	vand.u32 $0x7F, v10;
	v11 =	vand.u32 $0x400, v11  }
0x92: {  	v10 =	vor.u32 v11, v10  }
0x93: {  	vm0 =	veq.s32 v8, $0x1;
	v11 =	vor.u32 v3, v10  }
.Ltmp5:
0x94: {  	v6 =	vsel vm0, $0x0, v6;
	v10 =	vsel vm0, $0x0, v1;
	(pc) =	sbr.rel @p1 .LBB2_40-.Ltmp5, $3  }
0x95: {  	v5 =	vadd.f32 v6, v5;
	v9 =	vadd.f32 v10, v9;
	v8 =	vmov v7;
	_ =	sdelay $0x1  }
0x96: {  	v6 =	vld.idx.msk [tilespmem:v7+s1+$0x0], $0xffff  }
0x97: {  	v10 =	vmov s29;
	s29 =	sadd.s32 $0x1, s29;
	v7 =	vld.idx.msk [tilespmem:v11+s25+$0x0], $0xffff  }
0x98: {  	v11 =	vshll.u32 v10, $0x3  }
0x99: {  	v10 =	vand.u32 $0x7F, v10;
	v11 =	vand.u32 $0x400, v11  }
0x9a: {  	v10 =	vor.u32 v11, v10  }
0x9b: {  	v10 =	vor.u32 v3, v10;
	_ =	sdelay $0x4  }
0x9c: {  	v10 =	vld.idx.msk [tilespmem:v10+s25+$0x0], $0xffff  }
0x9d: {  	vm0 =	veq.s32 v8, $0x1  }
0x9e: {  	v8 =	vsel vm0, $0x0, v1  }
0x9f: {  	v8 =	vadd.f32 v8, v9;
	vm1 =	veq.s32 v7, $0x1  }
0xa0: {  	v9 =	vsel vm1, $0x0, v1  }
0xa1: {  	v8 =	vadd.f32 v9, v8;
	vm2 =	veq.s32 v10, $0x1  }
0xa2: {  	v9 =	vsel vm2, $0x0, v1  }
0xa3: {  	v8 =	vadd.f32 v9, v8;
	_ =	sdelay $0x1  }
0xa4: {  	v7 =	vld.idx.msk [tilespmem:v7+s1+$0x0], $0xffff;
	(erf) = vrcp.f32 v8;
	_ =	sdelay $0x1  }
0xa5: {  	v8 =	vld.idx.msk [tilespmem:v10+s1+$0x0], $0xffff  }
0xa6: {  	s29 =	simm.s32 $0x0;
	v6 =	vsel vm0, $0x0, v6  }
0xa7: {  	v5 =	vadd.f32 v6, v5;
	v6 =	vmov s29  }
0xa8: {  	v7 =	vsel vm1, $0x0, v7;
	v9 =	vshll.u32 v6, $0x3  }
0xa9: {  	v5 =	vadd.f32 v7, v5;
	v6 =	vand.u32 $0x7F, v6;
	v7 =	vand.u32 $0x400, v9  }
0xaa: {  	v6 =	vor.u32 v7, v6;
	v8 =	vsel vm2, $0x0, v8  }
0xab: {  	v6 =	vor.u32 v4, v6;
	v5 =	vadd.f32 v8, v5  }
0xac: {  	v7 =	vpop (erf)  }
0xad: {  	v5 =	vmul.f32 v7, v5;
	_ =	sdelay $0x1  }
0xae: {  	s29 =	simm.s32 $0x1;
	[tilespmem:$0x1C720] =	vst v5  }
0xaf: {  	v5 =	vmov s29;
	v8 =	vld.idx.msk [tilespmem:v6+s25+$0x0], $0xffff  }
0xb0: {  	v6 =	vshll.u32 v5, $0x3  }
0xb1: {  	v5 =	vand.u32 $0x7F, v5;
	v6 =	vand.u32 $0x400, v6  }
0xb2: {  	v5 =	vor.u32 v6, v5  }
0xb3: {  	v7 =	vor.u32 v4, v5;
	_ =	sdelay $0x3  }
0xb4: {  	s29 =	simm.s32 $0x2;
	v6 =	vld.idx.msk [tilespmem:v8+s1+$0x0], $0xffff  }
0xb5: {  	v9 =	vimm.f32 $0.0e+00;
	v10 =	vmov s29;
	s29 =	simm.s32 $0x3;
	v5 =	vimm.f32 $0.0e+00;
	v7 =	vld.idx.msk [tilespmem:v7+s25+$0x0], $0xffff  }
.LBB2_42:
0xb6: {  	p1 =	sne.s32 s29, $0xC7;
	v11 =	vshll.u32 v10, $0x3  }
0xb7: {  	v10 =	vand.u32 $0x7F, v10;
	v11 =	vand.u32 $0x400, v11  }
0xb8: {  	v10 =	vor.u32 v11, v10  }
0xb9: {  	vm0 =	veq.s32 v8, $0x1;
	v11 =	vor.u32 v4, v10  }
.Ltmp6:
0xba: {  	v6 =	vsel vm0, $0x0, v6;
	v10 =	vsel vm0, $0x0, v1;
	(pc) =	sbr.rel @p1 .LBB2_42-.Ltmp6, $3  }
0xbb: {  	v5 =	vadd.f32 v6, v5;
	v9 =	vadd.f32 v10, v9;
	v8 =	vmov v7;
	_ =	sdelay $0x1  }
0xbc: {  	v6 =	vld.idx.msk [tilespmem:v7+s1+$0x0], $0xffff  }
0xbd: {  	v10 =	vmov s29;
	s29 =	sadd.s32 $0x1, s29;
	v7 =	vld.idx.msk [tilespmem:v11+s25+$0x0], $0xffff  }
0xbe: {  	v11 =	vshll.u32 v10, $0x3  }
0xbf: {  	v10 =	vand.u32 $0x7F, v10;
	v11 =	vand.u32 $0x400, v11  }
0xc0: {  	v10 =	vor.u32 v11, v10  }
0xc1: {  	v10 =	vor.u32 v4, v10;
	_ =	sdelay $0x4  }
0xc2: {  	v10 =	vld.idx.msk [tilespmem:v10+s25+$0x0], $0xffff  }
0xc3: {  	vm0 =	veq.s32 v8, $0x1  }
0xc4: {  	v8 =	vsel vm0, $0x0, v1  }
0xc5: {  	v8 =	vadd.f32 v8, v9;
	vm1 =	veq.s32 v7, $0x1  }
0xc6: {  	v9 =	vsel vm1, $0x0, v1  }
0xc7: {  	v8 =	vadd.f32 v9, v8;
	vm2 =	veq.s32 v10, $0x1  }
0xc8: {  	v9 =	vsel vm2, $0x0, v1  }
0xc9: {  	v8 =	vadd.f32 v9, v8;
	_ =	sdelay $0x1  }
0xca: {  	v7 =	vld.idx.msk [tilespmem:v7+s1+$0x0], $0xffff;
	(erf) = vrcp.f32 v8  }
0xcb: {  	v8 =	vld.idx.msk [tilespmem:v10+s1+$0x0], $0xffff;
	_ =	sdelay $0x1  }
0xcc: {  	v6 =	vsel vm0, $0x0, v6  }
0xcd: {  	v5 =	vadd.f32 v6, v5  }
0xce: {  	v6 =	vsel vm1, $0x0, v7  }
0xcf: {  	v5 =	vadd.f32 v6, v5;
	v6 =	vsel vm2, $0x0, v8;
	_ =	sdelay $0x1  }
0xd0: {  	v5 =	vadd.f32 v6, v5  }
0xd1: {  	v6 =	vpop (erf)  }
0xd2: {  	v5 =	vmul.f32 v6, v5  }
0xd3: {  	s29 =	simm.s32 $0x0  }
0xd4: {  	[tilespmem:$0x1C730] =	vst v5;
	v5 =	vmov s29  }
0xd5: {  	[hbm4b:s15+s29] =	stream.linear.scatter [tilespmem:s26], [sflag:$0x1], $0x40, $0x38;
	v6 =	vshll.u32 v5, $0x3;
	[tilespmem:$0x1C780] =	vst v63  }
0xd6: {  	v5 =	vand.u32 $0x7F, v5;
	_ =	swait.ge [sflag:s24], $0x40;
	v6 =	vand.u32 $0x400, v6  }
0xd7: {  	[sflag:s24] =	ssyncset.done $0x0;
	v5 =	vor.u32 v6, v5  }
0xd8: {  	[sflag:s24] =	ssyncadd.s32 $0xFFFFFFC0;
	v5 =	vor.u32 v0, v5  }
0xd9: {  	[tilespmem:s25], [sflag:$0x1] =	stream.linear.gather [hbm4b:s16+s29], $0x4000, $0x38;
	[tilespmem:$0x1C780] =	vst v63  }
0xda: {  	_ =	swait.ge [sflag:s24], $0x4000  }
0xdb: {  	[sflag:s24] =	ssyncset.done $0x0  }
0xdc: {  	s29 =	simm.s32 $0x1;
	[sflag:s24] =	ssyncadd.s32 $0xFFFFC000  }
0xdd: {  	v6 =	vmov s29;
	v8 =	vld.idx.msk [tilespmem:v5+s25+$0x0], $0xffff  }
0xde: {  	v5 =	vshll.u32 v6, $0x3  }
0xdf: {  	v6 =	vand.u32 $0x7F, v6;
	v5 =	vand.u32 $0x400, v5  }
0xe0: {  	v5 =	vor.u32 v5, v6  }
0xe1: {  	v7 =	vor.u32 v0, v5;
	_ =	sdelay $0x3  }
0xe2: {  	s29 =	simm.s32 $0x2;
	v6 =	vld.idx.msk [tilespmem:v8+s1+$0x0], $0xffff  }
0xe3: {  	v9 =	vimm.f32 $0.0e+00;
	v10 =	vmov s29;
	s29 =	simm.s32 $0x3;
	v5 =	vimm.f32 $0.0e+00;
	v7 =	vld.idx.msk [tilespmem:v7+s25+$0x0], $0xffff  }
.LBB2_44:
0xe4: {  	p1 =	sne.s32 s29, $0xC7;
	v11 =	vshll.u32 v10, $0x3  }
0xe5: {  	v10 =	vand.u32 $0x7F, v10;
	v11 =	vand.u32 $0x400, v11  }
0xe6: {  	v10 =	vor.u32 v11, v10  }
0xe7: {  	vm0 =	veq.s32 v8, $0x1;
	v11 =	vor.u32 v0, v10  }
.Ltmp7:
0xe8: {  	v6 =	vsel vm0, $0x0, v6;
	v10 =	vsel vm0, $0x0, v1;
	(pc) =	sbr.rel @p1 .LBB2_44-.Ltmp7, $3  }
0xe9: {  	v5 =	vadd.f32 v6, v5;
	v9 =	vadd.f32 v10, v9;
	v8 =	vmov v7;
	_ =	sdelay $0x1  }
0xea: {  	v6 =	vld.idx.msk [tilespmem:v7+s1+$0x0], $0xffff  }
0xeb: {  	v10 =	vmov s29;
	s29 =	sadd.s32 $0x1, s29;
	v7 =	vld.idx.msk [tilespmem:v11+s25+$0x0], $0xffff  }
0xec: {  	v11 =	vshll.u32 v10, $0x3  }
0xed: {  	v10 =	vand.u32 $0x7F, v10;
	v11 =	vand.u32 $0x400, v11  }
0xee: {  	v10 =	vor.u32 v11, v10  }
0xef: {  	v10 =	vor.u32 v0, v10;
	_ =	sdelay $0x4  }
0xf0: {  	v10 =	vld.idx.msk [tilespmem:v10+s25+$0x0], $0xffff  }
0xf1: {  	vm0 =	veq.s32 v8, $0x1  }
0xf2: {  	v8 =	vsel vm0, $0x0, v1  }
0xf3: {  	v8 =	vadd.f32 v8, v9;
	vm1 =	veq.s32 v7, $0x1  }
0xf4: {  	v9 =	vsel vm1, $0x0, v1  }
0xf5: {  	v8 =	vadd.f32 v9, v8;
	vm2 =	veq.s32 v10, $0x1  }
0xf6: {  	v9 =	vsel vm2, $0x0, v1  }
0xf7: {  	v8 =	vadd.f32 v9, v8;
	_ =	sdelay $0x1  }
0xf8: {  	v7 =	vld.idx.msk [tilespmem:v7+s1+$0x0], $0xffff;
	(erf) = vrcp.f32 v8;
	_ =	sdelay $0x1  }
0xf9: {  	v8 =	vld.idx.msk [tilespmem:v10+s1+$0x0], $0xffff  }
0xfa: {  	s29 =	simm.s32 $0x0;
	v6 =	vsel vm0, $0x0, v6  }
0xfb: {  	v5 =	vadd.f32 v6, v5;
	v6 =	vmov s29  }
0xfc: {  	v7 =	vsel vm1, $0x0, v7;
	v9 =	vshll.u32 v6, $0x3  }
0xfd: {  	v5 =	vadd.f32 v7, v5;
	v6 =	vand.u32 $0x7F, v6;
	v7 =	vand.u32 $0x400, v9  }
0xfe: {  	v6 =	vor.u32 v7, v6;
	v8 =	vsel vm2, $0x0, v8  }
0xff: {  	v6 =	vor.u32 v2, v6;
	v5 =	vadd.f32 v8, v5  }
0x100: {  	v7 =	vpop (erf)  }
0x101: {  	v5 =	vmul.f32 v7, v5;
	_ =	sdelay $0x1  }
0x102: {  	s29 =	simm.s32 $0x1;
	[tilespmem:$0x1C700] =	vst v5  }
0x103: {  	v5 =	vmov s29;
	v8 =	vld.idx.msk [tilespmem:v6+s25+$0x0], $0xffff  }
0x104: {  	v6 =	vshll.u32 v5, $0x3  }
0x105: {  	v5 =	vand.u32 $0x7F, v5;
	v6 =	vand.u32 $0x400, v6  }
0x106: {  	v5 =	vor.u32 v6, v5  }
0x107: {  	v7 =	vor.u32 v2, v5;
	_ =	sdelay $0x3  }
0x108: {  	s29 =	simm.s32 $0x2;
	v6 =	vld.idx.msk [tilespmem:v8+s1+$0x0], $0xffff  }
0x109: {  	v9 =	vimm.f32 $0.0e+00;
	v10 =	vmov s29;
	s29 =	simm.s32 $0x3;
	v5 =	vimm.f32 $0.0e+00;
	v7 =	vld.idx.msk [tilespmem:v7+s25+$0x0], $0xffff  }
.LBB2_46:
0x10a: {  	p1 =	sne.s32 s29, $0xC7;
	v11 =	vshll.u32 v10, $0x3  }
0x10b: {  	v10 =	vand.u32 $0x7F, v10;
	v11 =	vand.u32 $0x400, v11  }
0x10c: {  	v10 =	vor.u32 v11, v10  }
0x10d: {  	vm0 =	veq.s32 v8, $0x1;
	v11 =	vor.u32 v2, v10  }
.Ltmp8:
0x10e: {  	v6 =	vsel vm0, $0x0, v6;
	v10 =	vsel vm0, $0x0, v1;
	(pc) =	sbr.rel @p1 .LBB2_46-.Ltmp8, $3  }
0x10f: {  	v5 =	vadd.f32 v6, v5;
	v9 =	vadd.f32 v10, v9;
	v8 =	vmov v7;
	_ =	sdelay $0x1  }
0x110: {  	v6 =	vld.idx.msk [tilespmem:v7+s1+$0x0], $0xffff  }
0x111: {  	v10 =	vmov s29;
	s29 =	sadd.s32 $0x1, s29;
	v7 =	vld.idx.msk [tilespmem:v11+s25+$0x0], $0xffff  }
0x112: {  	v11 =	vshll.u32 v10, $0x3  }
0x113: {  	v10 =	vand.u32 $0x7F, v10;
	v11 =	vand.u32 $0x400, v11  }
0x114: {  	v10 =	vor.u32 v11, v10  }
0x115: {  	v10 =	vor.u32 v2, v10;
	_ =	sdelay $0x4  }
0x116: {  	v10 =	vld.idx.msk [tilespmem:v10+s25+$0x0], $0xffff  }
0x117: {  	vm0 =	veq.s32 v8, $0x1  }
0x118: {  	v8 =	vsel vm0, $0x0, v1  }
0x119: {  	v8 =	vadd.f32 v8, v9;
	vm1 =	veq.s32 v7, $0x1  }
0x11a: {  	v9 =	vsel vm1, $0x0, v1  }
0x11b: {  	v8 =	vadd.f32 v9, v8;
	vm2 =	veq.s32 v10, $0x1  }
0x11c: {  	v9 =	vsel vm2, $0x0, v1  }
0x11d: {  	v8 =	vadd.f32 v9, v8;
	_ =	sdelay $0x1  }
0x11e: {  	v7 =	vld.idx.msk [tilespmem:v7+s1+$0x0], $0xffff;
	(erf) = vrcp.f32 v8;
	_ =	sdelay $0x1  }
0x11f: {  	v8 =	vld.idx.msk [tilespmem:v10+s1+$0x0], $0xffff  }
0x120: {  	s29 =	simm.s32 $0x0;
	v6 =	vsel vm0, $0x0, v6  }
0x121: {  	v5 =	vadd.f32 v6, v5;
	v6 =	vmov s29  }
0x122: {  	v7 =	vsel vm1, $0x0, v7;
	v9 =	vshll.u32 v6, $0x3  }
0x123: {  	v5 =	vadd.f32 v7, v5;
	v6 =	vand.u32 $0x7F, v6;
	v7 =	vand.u32 $0x400, v9  }
0x124: {  	v6 =	vor.u32 v7, v6;
	v8 =	vsel vm2, $0x0, v8  }
0x125: {  	v6 =	vor.u32 v3, v6;
	v5 =	vadd.f32 v8, v5  }
0x126: {  	v7 =	vpop (erf)  }
0x127: {  	v5 =	vmul.f32 v7, v5;
	_ =	sdelay $0x1  }
0x128: {  	s29 =	simm.s32 $0x1;
	[tilespmem:$0x1C710] =	vst v5  }
0x129: {  	v5 =	vmov s29;
	v8 =	vld.idx.msk [tilespmem:v6+s25+$0x0], $0xffff  }
0x12a: {  	v6 =	vshll.u32 v5, $0x3  }
0x12b: {  	v5 =	vand.u32 $0x7F, v5;
	v6 =	vand.u32 $0x400, v6  }
0x12c: {  	v5 =	vor.u32 v6, v5  }
0x12d: {  	v7 =	vor.u32 v3, v5;
	_ =	sdelay $0x3  }
0x12e: {  	s29 =	simm.s32 $0x2;
	v6 =	vld.idx.msk [tilespmem:v8+s1+$0x0], $0xffff  }
0x12f: {  	v9 =	vimm.f32 $0.0e+00;
	v10 =	vmov s29;
	s29 =	simm.s32 $0x3;
	v5 =	vimm.f32 $0.0e+00;
	v7 =	vld.idx.msk [tilespmem:v7+s25+$0x0], $0xffff  }
.LBB2_48:
0x130: {  	p1 =	sne.s32 s29, $0xC7;
	v11 =	vshll.u32 v10, $0x3  }
0x131: {  	v10 =	vand.u32 $0x7F, v10;
	v11 =	vand.u32 $0x400, v11  }
0x132: {  	v10 =	vor.u32 v11, v10  }
0x133: {  	vm0 =	veq.s32 v8, $0x1;
	v11 =	vor.u32 v3, v10  }
.Ltmp9:
0x134: {  	v6 =	vsel vm0, $0x0, v6;
	v10 =	vsel vm0, $0x0, v1;
	(pc) =	sbr.rel @p1 .LBB2_48-.Ltmp9, $3  }
0x135: {  	v5 =	vadd.f32 v6, v5;
	v9 =	vadd.f32 v10, v9;
	v8 =	vmov v7;
	_ =	sdelay $0x1  }
0x136: {  	v6 =	vld.idx.msk [tilespmem:v7+s1+$0x0], $0xffff  }
0x137: {  	v10 =	vmov s29;
	s29 =	sadd.s32 $0x1, s29;
	v7 =	vld.idx.msk [tilespmem:v11+s25+$0x0], $0xffff  }
0x138: {  	v11 =	vshll.u32 v10, $0x3  }
0x139: {  	v10 =	vand.u32 $0x7F, v10;
	v11 =	vand.u32 $0x400, v11  }
0x13a: {  	v10 =	vor.u32 v11, v10  }
0x13b: {  	v10 =	vor.u32 v3, v10;
	_ =	sdelay $0x4  }
0x13c: {  	v10 =	vld.idx.msk [tilespmem:v10+s25+$0x0], $0xffff  }
0x13d: {  	vm0 =	veq.s32 v8, $0x1  }
0x13e: {  	v8 =	vsel vm0, $0x0, v1  }
0x13f: {  	v8 =	vadd.f32 v8, v9;
	vm1 =	veq.s32 v7, $0x1  }
0x140: {  	v9 =	vsel vm1, $0x0, v1  }
0x141: {  	v8 =	vadd.f32 v9, v8;
	vm2 =	veq.s32 v10, $0x1  }
0x142: {  	v9 =	vsel vm2, $0x0, v1  }
0x143: {  	v8 =	vadd.f32 v9, v8;
	_ =	sdelay $0x1  }
0x144: {  	v7 =	vld.idx.msk [tilespmem:v7+s1+$0x0], $0xffff;
	(erf) = vrcp.f32 v8;
	_ =	sdelay $0x1  }
0x145: {  	v8 =	vld.idx.msk [tilespmem:v10+s1+$0x0], $0xffff  }
0x146: {  	s29 =	simm.s32 $0x0;
	v6 =	vsel vm0, $0x0, v6  }
0x147: {  	v5 =	vadd.f32 v6, v5;
	v6 =	vmov s29  }
0x148: {  	v7 =	vsel vm1, $0x0, v7;
	v9 =	vshll.u32 v6, $0x3  }
0x149: {  	v5 =	vadd.f32 v7, v5;
	v6 =	vand.u32 $0x7F, v6;
	v7 =	vand.u32 $0x400, v9  }
0x14a: {  	v6 =	vor.u32 v7, v6;
	v8 =	vsel vm2, $0x0, v8  }
0x14b: {  	v6 =	vor.u32 v4, v6;
	v5 =	vadd.f32 v8, v5  }
0x14c: {  	v7 =	vpop (erf)  }
0x14d: {  	v5 =	vmul.f32 v7, v5;
	_ =	sdelay $0x1  }
0x14e: {  	s29 =	simm.s32 $0x1;
	[tilespmem:$0x1C720] =	vst v5  }
0x14f: {  	v5 =	vmov s29;
	v8 =	vld.idx.msk [tilespmem:v6+s25+$0x0], $0xffff  }
0x150: {  	v6 =	vshll.u32 v5, $0x3  }
0x151: {  	v5 =	vand.u32 $0x7F, v5;
	v6 =	vand.u32 $0x400, v6  }
0x152: {  	v5 =	vor.u32 v6, v5  }
0x153: {  	v7 =	vor.u32 v4, v5;
	_ =	sdelay $0x3  }
0x154: {  	s29 =	simm.s32 $0x2;
	v6 =	vld.idx.msk [tilespmem:v8+s1+$0x0], $0xffff  }
0x155: {  	v9 =	vimm.f32 $0.0e+00;
	v10 =	vmov s29;
	s29 =	simm.s32 $0x3;
	v5 =	vimm.f32 $0.0e+00;
	v7 =	vld.idx.msk [tilespmem:v7+s25+$0x0], $0xffff  }
.LBB2_50:
0x156: {  	p1 =	sne.s32 s29, $0xC7;
	v11 =	vshll.u32 v10, $0x3  }
0x157: {  	v10 =	vand.u32 $0x7F, v10;
	v11 =	vand.u32 $0x400, v11  }
0x158: {  	v10 =	vor.u32 v11, v10  }
0x159: {  	vm0 =	veq.s32 v8, $0x1;
	v11 =	vor.u32 v4, v10  }
.Ltmp10:
0x15a: {  	v6 =	vsel vm0, $0x0, v6;
	v10 =	vsel vm0, $0x0, v1;
	(pc) =	sbr.rel @p1 .LBB2_50-.Ltmp10, $3  }
0x15b: {  	v5 =	vadd.f32 v6, v5;
	v9 =	vadd.f32 v10, v9;
	v8 =	vmov v7;
	_ =	sdelay $0x1  }
0x15c: {  	v6 =	vld.idx.msk [tilespmem:v7+s1+$0x0], $0xffff  }
0x15d: {  	v10 =	vmov s29;
	s29 =	sadd.s32 $0x1, s29;
	v7 =	vld.idx.msk [tilespmem:v11+s25+$0x0], $0xffff  }
0x15e: {  	v11 =	vshll.u32 v10, $0x3  }
0x15f: {  	v10 =	vand.u32 $0x7F, v10;
	v11 =	vand.u32 $0x400, v11  }
0x160: {  	v10 =	vor.u32 v11, v10  }
0x161: {  	v10 =	vor.u32 v4, v10;
	_ =	sdelay $0x4  }
0x162: {  	v10 =	vld.idx.msk [tilespmem:v10+s25+$0x0], $0xffff  }
0x163: {  	vm0 =	veq.s32 v8, $0x1  }
0x164: {  	v8 =	vsel vm0, $0x0, v1  }
0x165: {  	v8 =	vadd.f32 v8, v9;
	vm1 =	veq.s32 v7, $0x1  }
0x166: {  	v9 =	vsel vm1, $0x0, v1  }
0x167: {  	v8 =	vadd.f32 v9, v8;
	vm2 =	veq.s32 v10, $0x1  }
0x168: {  	v9 =	vsel vm2, $0x0, v1  }
0x169: {  	v8 =	vadd.f32 v9, v8;
	_ =	sdelay $0x1  }
0x16a: {  	v7 =	vld.idx.msk [tilespmem:v7+s1+$0x0], $0xffff;
	(erf) = vrcp.f32 v8  }
0x16b: {  	v8 =	vld.idx.msk [tilespmem:v10+s1+$0x0], $0xffff;
	_ =	sdelay $0x1  }
0x16c: {  	v6 =	vsel vm0, $0x0, v6  }
0x16d: {  	v5 =	vadd.f32 v6, v5  }
0x16e: {  	v6 =	vsel vm1, $0x0, v7  }
0x16f: {  	v5 =	vadd.f32 v6, v5;
	v6 =	vsel vm2, $0x0, v8;
	_ =	sdelay $0x1  }
0x170: {  	v5 =	vadd.f32 v6, v5  }
0x171: {  	v6 =	vpop (erf)  }
0x172: {  	v5 =	vmul.f32 v6, v5  }
0x173: {  	s29 =	simm.s32 $0x0  }
0x174: {  	[tilespmem:$0x1C730] =	vst v5;
	v5 =	vmov s29  }
0x175: {  	[hbm4b:s17+s29] =	stream.linear.scatter [tilespmem:s26], [sflag:$0x1], $0x40, $0x38;
	v6 =	vshll.u32 v5, $0x3;
	[tilespmem:$0x1C780] =	vst v63  }
0x176: {  	v5 =	vand.u32 $0x7F, v5;
	_ =	swait.ge [sflag:s24], $0x40;
	v6 =	vand.u32 $0x400, v6  }
0x177: {  	[sflag:s24] =	ssyncset.done $0x0;
	v5 =	vor.u32 v6, v5  }
0x178: {  	[sflag:s24] =	ssyncadd.s32 $0xFFFFFFC0;
	v5 =	vor.u32 v0, v5  }
0x179: {  	[tilespmem:s25], [sflag:$0x1] =	stream.linear.gather [hbm4b:s18+s29], $0x4000, $0x38;
	[tilespmem:$0x1C780] =	vst v63  }
0x17a: {  	_ =	swait.ge [sflag:s24], $0x4000  }
0x17b: {  	[sflag:s24] =	ssyncset.done $0x0  }
0x17c: {  	s29 =	simm.s32 $0x1;
	[sflag:s24] =	ssyncadd.s32 $0xFFFFC000  }
0x17d: {  	v6 =	vmov s29;
	v8 =	vld.idx.msk [tilespmem:v5+s25+$0x0], $0xffff  }
0x17e: {  	v5 =	vshll.u32 v6, $0x3  }
0x17f: {  	v6 =	vand.u32 $0x7F, v6;
	v5 =	vand.u32 $0x400, v5  }
0x180: {  	v5 =	vor.u32 v5, v6  }
0x181: {  	v7 =	vor.u32 v0, v5;
	_ =	sdelay $0x3  }
0x182: {  	s29 =	simm.s32 $0x2;
	v6 =	vld.idx.msk [tilespmem:v8+s1+$0x0], $0xffff  }
0x183: {  	v9 =	vimm.f32 $0.0e+00;
	v10 =	vmov s29;
	s29 =	simm.s32 $0x3;
	v5 =	vimm.f32 $0.0e+00;
	v7 =	vld.idx.msk [tilespmem:v7+s25+$0x0], $0xffff  }
.LBB2_52:
0x184: {  	p1 =	sne.s32 s29, $0xC7;
	v11 =	vshll.u32 v10, $0x3  }
0x185: {  	v10 =	vand.u32 $0x7F, v10;
	v11 =	vand.u32 $0x400, v11  }
0x186: {  	v10 =	vor.u32 v11, v10  }
0x187: {  	vm0 =	veq.s32 v8, $0x1;
	v11 =	vor.u32 v0, v10  }
.Ltmp11:
0x188: {  	v6 =	vsel vm0, $0x0, v6;
	v10 =	vsel vm0, $0x0, v1;
	(pc) =	sbr.rel @p1 .LBB2_52-.Ltmp11, $3  }
0x189: {  	v5 =	vadd.f32 v6, v5;
	v9 =	vadd.f32 v10, v9;
	v8 =	vmov v7;
	_ =	sdelay $0x1  }
0x18a: {  	v6 =	vld.idx.msk [tilespmem:v7+s1+$0x0], $0xffff  }
0x18b: {  	v10 =	vmov s29;
	s29 =	sadd.s32 $0x1, s29;
	v7 =	vld.idx.msk [tilespmem:v11+s25+$0x0], $0xffff  }
0x18c: {  	v11 =	vshll.u32 v10, $0x3  }
0x18d: {  	v10 =	vand.u32 $0x7F, v10;
	v11 =	vand.u32 $0x400, v11  }
0x18e: {  	v10 =	vor.u32 v11, v10  }
0x18f: {  	v10 =	vor.u32 v0, v10;
	_ =	sdelay $0x4  }
0x190: {  	v10 =	vld.idx.msk [tilespmem:v10+s25+$0x0], $0xffff  }
0x191: {  	vm0 =	veq.s32 v8, $0x1  }
0x192: {  	v8 =	vsel vm0, $0x0, v1  }
0x193: {  	v8 =	vadd.f32 v8, v9;
	vm1 =	veq.s32 v7, $0x1  }
0x194: {  	v9 =	vsel vm1, $0x0, v1  }
0x195: {  	v8 =	vadd.f32 v9, v8;
	vm2 =	veq.s32 v10, $0x1  }
0x196: {  	v9 =	vsel vm2, $0x0, v1  }
0x197: {  	v8 =	vadd.f32 v9, v8;
	_ =	sdelay $0x1  }
0x198: {  	v7 =	vld.idx.msk [tilespmem:v7+s1+$0x0], $0xffff;
	(erf) = vrcp.f32 v8;
	_ =	sdelay $0x1  }
0x199: {  	v8 =	vld.idx.msk [tilespmem:v10+s1+$0x0], $0xffff  }
0x19a: {  	s29 =	simm.s32 $0x0;
	v6 =	vsel vm0, $0x0, v6  }
0x19b: {  	v5 =	vadd.f32 v6, v5;
	v6 =	vmov s29  }
0x19c: {  	v7 =	vsel vm1, $0x0, v7;
	v9 =	vshll.u32 v6, $0x3  }
0x19d: {  	v5 =	vadd.f32 v7, v5;
	v6 =	vand.u32 $0x7F, v6;
	v7 =	vand.u32 $0x400, v9  }
0x19e: {  	v6 =	vor.u32 v7, v6;
	v8 =	vsel vm2, $0x0, v8  }
0x19f: {  	v6 =	vor.u32 v2, v6;
	v5 =	vadd.f32 v8, v5  }
0x1a0: {  	v7 =	vpop (erf)  }
0x1a1: {  	v5 =	vmul.f32 v7, v5;
	_ =	sdelay $0x1  }
0x1a2: {  	s29 =	simm.s32 $0x1;
	[tilespmem:$0x1C700] =	vst v5  }
0x1a3: {  	v5 =	vmov s29;
	v8 =	vld.idx.msk [tilespmem:v6+s25+$0x0], $0xffff  }
0x1a4: {  	v6 =	vshll.u32 v5, $0x3  }
0x1a5: {  	v5 =	vand.u32 $0x7F, v5;
	v6 =	vand.u32 $0x400, v6  }
0x1a6: {  	v5 =	vor.u32 v6, v5  }
0x1a7: {  	v7 =	vor.u32 v2, v5;
	_ =	sdelay $0x3  }
0x1a8: {  	s29 =	simm.s32 $0x2;
	v6 =	vld.idx.msk [tilespmem:v8+s1+$0x0], $0xffff  }
0x1a9: {  	v9 =	vimm.f32 $0.0e+00;
	v10 =	vmov s29;
	s29 =	simm.s32 $0x3;
	v5 =	vimm.f32 $0.0e+00;
	v7 =	vld.idx.msk [tilespmem:v7+s25+$0x0], $0xffff  }
.LBB2_54:
0x1aa: {  	p1 =	sne.s32 s29, $0xC7;
	v11 =	vshll.u32 v10, $0x3  }
0x1ab: {  	v10 =	vand.u32 $0x7F, v10;
	v11 =	vand.u32 $0x400, v11  }
0x1ac: {  	v10 =	vor.u32 v11, v10  }
0x1ad: {  	vm0 =	veq.s32 v8, $0x1;
	v11 =	vor.u32 v2, v10  }
.Ltmp12:
0x1ae: {  	v6 =	vsel vm0, $0x0, v6;
	v10 =	vsel vm0, $0x0, v1;
	(pc) =	sbr.rel @p1 .LBB2_54-.Ltmp12, $3  }
0x1af: {  	v5 =	vadd.f32 v6, v5;
	v9 =	vadd.f32 v10, v9;
	v8 =	vmov v7;
	_ =	sdelay $0x1  }
0x1b0: {  	v6 =	vld.idx.msk [tilespmem:v7+s1+$0x0], $0xffff  }
0x1b1: {  	v10 =	vmov s29;
	s29 =	sadd.s32 $0x1, s29;
	v7 =	vld.idx.msk [tilespmem:v11+s25+$0x0], $0xffff  }
0x1b2: {  	v11 =	vshll.u32 v10, $0x3  }
0x1b3: {  	v10 =	vand.u32 $0x7F, v10;
	v11 =	vand.u32 $0x400, v11  }
0x1b4: {  	v10 =	vor.u32 v11, v10  }
0x1b5: {  	v10 =	vor.u32 v2, v10;
	_ =	sdelay $0x4  }
0x1b6: {  	v10 =	vld.idx.msk [tilespmem:v10+s25+$0x0], $0xffff  }
0x1b7: {  	vm0 =	veq.s32 v8, $0x1  }
0x1b8: {  	v8 =	vsel vm0, $0x0, v1  }
0x1b9: {  	v8 =	vadd.f32 v8, v9;
	vm1 =	veq.s32 v7, $0x1  }
0x1ba: {  	v9 =	vsel vm1, $0x0, v1  }
0x1bb: {  	v8 =	vadd.f32 v9, v8;
	vm2 =	veq.s32 v10, $0x1  }
0x1bc: {  	v9 =	vsel vm2, $0x0, v1  }
0x1bd: {  	v8 =	vadd.f32 v9, v8;
	_ =	sdelay $0x1  }
0x1be: {  	v7 =	vld.idx.msk [tilespmem:v7+s1+$0x0], $0xffff;
	(erf) = vrcp.f32 v8;
	_ =	sdelay $0x1  }
0x1bf: {  	v8 =	vld.idx.msk [tilespmem:v10+s1+$0x0], $0xffff  }
0x1c0: {  	s29 =	simm.s32 $0x0;
	v6 =	vsel vm0, $0x0, v6  }
0x1c1: {  	v5 =	vadd.f32 v6, v5;
	v6 =	vmov s29  }
0x1c2: {  	v7 =	vsel vm1, $0x0, v7;
	v9 =	vshll.u32 v6, $0x3  }
0x1c3: {  	v5 =	vadd.f32 v7, v5;
	v6 =	vand.u32 $0x7F, v6;
	v7 =	vand.u32 $0x400, v9  }
0x1c4: {  	v6 =	vor.u32 v7, v6;
	v8 =	vsel vm2, $0x0, v8  }
0x1c5: {  	v6 =	vor.u32 v3, v6;
	v5 =	vadd.f32 v8, v5  }
0x1c6: {  	v7 =	vpop (erf)  }
0x1c7: {  	v5 =	vmul.f32 v7, v5;
	_ =	sdelay $0x1  }
0x1c8: {  	s29 =	simm.s32 $0x1;
	[tilespmem:$0x1C710] =	vst v5  }
0x1c9: {  	v5 =	vmov s29;
	v8 =	vld.idx.msk [tilespmem:v6+s25+$0x0], $0xffff  }
0x1ca: {  	v6 =	vshll.u32 v5, $0x3  }
0x1cb: {  	v5 =	vand.u32 $0x7F, v5;
	v6 =	vand.u32 $0x400, v6  }
0x1cc: {  	v5 =	vor.u32 v6, v5  }
0x1cd: {  	v7 =	vor.u32 v3, v5;
	_ =	sdelay $0x3  }
0x1ce: {  	s29 =	simm.s32 $0x2;
	v6 =	vld.idx.msk [tilespmem:v8+s1+$0x0], $0xffff  }
0x1cf: {  	v9 =	vimm.f32 $0.0e+00;
	v10 =	vmov s29;
	s29 =	simm.s32 $0x3;
	v5 =	vimm.f32 $0.0e+00;
	v7 =	vld.idx.msk [tilespmem:v7+s25+$0x0], $0xffff  }
.LBB2_56:
0x1d0: {  	p1 =	sne.s32 s29, $0xC7;
	v11 =	vshll.u32 v10, $0x3  }
0x1d1: {  	v10 =	vand.u32 $0x7F, v10;
	v11 =	vand.u32 $0x400, v11  }
0x1d2: {  	v10 =	vor.u32 v11, v10  }
0x1d3: {  	vm0 =	veq.s32 v8, $0x1;
	v11 =	vor.u32 v3, v10  }
.Ltmp13:
0x1d4: {  	v6 =	vsel vm0, $0x0, v6;
	v10 =	vsel vm0, $0x0, v1;
	(pc) =	sbr.rel @p1 .LBB2_56-.Ltmp13, $3  }
0x1d5: {  	v5 =	vadd.f32 v6, v5;
	v9 =	vadd.f32 v10, v9;
	v8 =	vmov v7;
	_ =	sdelay $0x1  }
0x1d6: {  	v6 =	vld.idx.msk [tilespmem:v7+s1+$0x0], $0xffff  }
0x1d7: {  	v10 =	vmov s29;
	s29 =	sadd.s32 $0x1, s29;
	v7 =	vld.idx.msk [tilespmem:v11+s25+$0x0], $0xffff  }
0x1d8: {  	v11 =	vshll.u32 v10, $0x3  }
0x1d9: {  	v10 =	vand.u32 $0x7F, v10;
	v11 =	vand.u32 $0x400, v11  }
0x1da: {  	v10 =	vor.u32 v11, v10  }
0x1db: {  	v10 =	vor.u32 v3, v10;
	_ =	sdelay $0x4  }
0x1dc: {  	v10 =	vld.idx.msk [tilespmem:v10+s25+$0x0], $0xffff  }
0x1dd: {  	vm0 =	veq.s32 v8, $0x1  }
0x1de: {  	v8 =	vsel vm0, $0x0, v1  }
0x1df: {  	v8 =	vadd.f32 v8, v9;
	vm1 =	veq.s32 v7, $0x1  }
0x1e0: {  	v9 =	vsel vm1, $0x0, v1  }
0x1e1: {  	v8 =	vadd.f32 v9, v8;
	vm2 =	veq.s32 v10, $0x1  }
0x1e2: {  	v9 =	vsel vm2, $0x0, v1  }
0x1e3: {  	v8 =	vadd.f32 v9, v8;
	_ =	sdelay $0x1  }
0x1e4: {  	v7 =	vld.idx.msk [tilespmem:v7+s1+$0x0], $0xffff;
	(erf) = vrcp.f32 v8;
	_ =	sdelay $0x1  }
0x1e5: {  	v8 =	vld.idx.msk [tilespmem:v10+s1+$0x0], $0xffff  }
0x1e6: {  	s29 =	simm.s32 $0x0;
	v6 =	vsel vm0, $0x0, v6  }
0x1e7: {  	v5 =	vadd.f32 v6, v5;
	v6 =	vmov s29  }
0x1e8: {  	v7 =	vsel vm1, $0x0, v7;
	v9 =	vshll.u32 v6, $0x3  }
0x1e9: {  	v5 =	vadd.f32 v7, v5;
	v6 =	vand.u32 $0x7F, v6;
	v7 =	vand.u32 $0x400, v9  }
0x1ea: {  	v6 =	vor.u32 v7, v6;
	v8 =	vsel vm2, $0x0, v8  }
0x1eb: {  	v6 =	vor.u32 v4, v6;
	v5 =	vadd.f32 v8, v5  }
0x1ec: {  	v7 =	vpop (erf)  }
0x1ed: {  	v5 =	vmul.f32 v7, v5;
	_ =	sdelay $0x1  }
0x1ee: {  	s29 =	simm.s32 $0x1;
	[tilespmem:$0x1C720] =	vst v5  }
0x1ef: {  	v5 =	vmov s29;
	v8 =	vld.idx.msk [tilespmem:v6+s25+$0x0], $0xffff  }
0x1f0: {  	v6 =	vshll.u32 v5, $0x3  }
0x1f1: {  	v5 =	vand.u32 $0x7F, v5;
	v6 =	vand.u32 $0x400, v6  }
0x1f2: {  	v5 =	vor.u32 v6, v5  }
0x1f3: {  	v7 =	vor.u32 v4, v5;
	_ =	sdelay $0x3  }
0x1f4: {  	s29 =	simm.s32 $0x2;
	v6 =	vld.idx.msk [tilespmem:v8+s1+$0x0], $0xffff  }
0x1f5: {  	v9 =	vimm.f32 $0.0e+00;
	v10 =	vmov s29;
	s29 =	simm.s32 $0x3;
	v5 =	vimm.f32 $0.0e+00;
	v7 =	vld.idx.msk [tilespmem:v7+s25+$0x0], $0xffff  }
.LBB2_58:
0x1f6: {  	p1 =	sne.s32 s29, $0xC7;
	v11 =	vshll.u32 v10, $0x3  }
0x1f7: {  	v10 =	vand.u32 $0x7F, v10;
	v11 =	vand.u32 $0x400, v11  }
0x1f8: {  	v10 =	vor.u32 v11, v10  }
0x1f9: {  	vm0 =	veq.s32 v8, $0x1;
	v11 =	vor.u32 v4, v10  }
.Ltmp14:
0x1fa: {  	v6 =	vsel vm0, $0x0, v6;
	v10 =	vsel vm0, $0x0, v1;
	(pc) =	sbr.rel @p1 .LBB2_58-.Ltmp14, $3  }
0x1fb: {  	v5 =	vadd.f32 v6, v5;
	v9 =	vadd.f32 v10, v9;
	v8 =	vmov v7;
	_ =	sdelay $0x1  }
0x1fc: {  	v6 =	vld.idx.msk [tilespmem:v7+s1+$0x0], $0xffff  }
0x1fd: {  	v10 =	vmov s29;
	s29 =	sadd.s32 $0x1, s29;
	v7 =	vld.idx.msk [tilespmem:v11+s25+$0x0], $0xffff  }
0x1fe: {  	v11 =	vshll.u32 v10, $0x3  }
0x1ff: {  	v10 =	vand.u32 $0x7F, v10;
	v11 =	vand.u32 $0x400, v11  }
0x200: {  	v10 =	vor.u32 v11, v10  }
0x201: {  	v10 =	vor.u32 v4, v10;
	_ =	sdelay $0x4  }
0x202: {  	v10 =	vld.idx.msk [tilespmem:v10+s25+$0x0], $0xffff  }
0x203: {  	vm0 =	veq.s32 v8, $0x1  }
0x204: {  	v8 =	vsel vm0, $0x0, v1  }
0x205: {  	v8 =	vadd.f32 v8, v9;
	vm1 =	veq.s32 v7, $0x1  }
0x206: {  	v9 =	vsel vm1, $0x0, v1  }
0x207: {  	v8 =	vadd.f32 v9, v8;
	vm2 =	veq.s32 v10, $0x1  }
0x208: {  	v9 =	vsel vm2, $0x0, v1  }
0x209: {  	v8 =	vadd.f32 v9, v8;
	_ =	sdelay $0x1  }
0x20a: {  	v7 =	vld.idx.msk [tilespmem:v7+s1+$0x0], $0xffff;
	(erf) = vrcp.f32 v8  }
0x20b: {  	v8 =	vld.idx.msk [tilespmem:v10+s1+$0x0], $0xffff;
	_ =	sdelay $0x1  }
0x20c: {  	v6 =	vsel vm0, $0x0, v6  }
0x20d: {  	v5 =	vadd.f32 v6, v5  }
0x20e: {  	v6 =	vsel vm1, $0x0, v7  }
0x20f: {  	v5 =	vadd.f32 v6, v5;
	v6 =	vsel vm2, $0x0, v8;
	_ =	sdelay $0x1  }
0x210: {  	v5 =	vadd.f32 v6, v5  }
0x211: {  	v6 =	vpop (erf)  }
0x212: {  	v5 =	vmul.f32 v6, v5  }
0x213: {  	s29 =	simm.s32 $0x0  }
0x214: {  	[tilespmem:$0x1C730] =	vst v5;
	v5 =	vmov s29  }
0x215: {  	[hbm4b:s19+s29] =	stream.linear.scatter [tilespmem:s26], [sflag:$0x1], $0x40, $0x38;
	v6 =	vshll.u32 v5, $0x3;
	[tilespmem:$0x1C780] =	vst v63  }
0x216: {  	v5 =	vand.u32 $0x7F, v5;
	_ =	swait.ge [sflag:s24], $0x40;
	v6 =	vand.u32 $0x400, v6  }
0x217: {  	[sflag:s24] =	ssyncset.done $0x0;
	v5 =	vor.u32 v6, v5  }
0x218: {  	[sflag:s24] =	ssyncadd.s32 $0xFFFFFFC0;
	v5 =	vor.u32 v0, v5  }
0x219: {  	[tilespmem:s25], [sflag:$0x1] =	stream.linear.gather [hbm4b:s20+s29], $0x4000, $0x38;
	[tilespmem:$0x1C780] =	vst v63  }
0x21a: {  	_ =	swait.ge [sflag:s24], $0x4000  }
0x21b: {  	[sflag:s24] =	ssyncset.done $0x0  }
0x21c: {  	s29 =	simm.s32 $0x1;
	[sflag:s24] =	ssyncadd.s32 $0xFFFFC000  }
0x21d: {  	v6 =	vmov s29;
	v8 =	vld.idx.msk [tilespmem:v5+s25+$0x0], $0xffff  }
0x21e: {  	v5 =	vshll.u32 v6, $0x3  }
0x21f: {  	v6 =	vand.u32 $0x7F, v6;
	v5 =	vand.u32 $0x400, v5  }
0x220: {  	v5 =	vor.u32 v5, v6  }
0x221: {  	v7 =	vor.u32 v0, v5;
	_ =	sdelay $0x3  }
0x222: {  	s29 =	simm.s32 $0x2;
	v6 =	vld.idx.msk [tilespmem:v8+s1+$0x0], $0xffff  }
0x223: {  	v9 =	vimm.f32 $0.0e+00;
	v10 =	vmov s29;
	s29 =	simm.s32 $0x3;
	v5 =	vimm.f32 $0.0e+00;
	v7 =	vld.idx.msk [tilespmem:v7+s25+$0x0], $0xffff  }
.LBB2_60:
0x224: {  	p1 =	sne.s32 s29, $0xC7;
	v11 =	vshll.u32 v10, $0x3  }
0x225: {  	v10 =	vand.u32 $0x7F, v10;
	v11 =	vand.u32 $0x400, v11  }
0x226: {  	v10 =	vor.u32 v11, v10  }
0x227: {  	vm0 =	veq.s32 v8, $0x1;
	v11 =	vor.u32 v0, v10  }
.Ltmp15:
0x228: {  	v6 =	vsel vm0, $0x0, v6;
	v10 =	vsel vm0, $0x0, v1;
	(pc) =	sbr.rel @p1 .LBB2_60-.Ltmp15, $3  }
0x229: {  	v5 =	vadd.f32 v6, v5;
	v9 =	vadd.f32 v10, v9;
	v8 =	vmov v7;
	_ =	sdelay $0x1  }
0x22a: {  	v6 =	vld.idx.msk [tilespmem:v7+s1+$0x0], $0xffff  }
0x22b: {  	v10 =	vmov s29;
	s29 =	sadd.s32 $0x1, s29;
	v7 =	vld.idx.msk [tilespmem:v11+s25+$0x0], $0xffff  }
0x22c: {  	v11 =	vshll.u32 v10, $0x3  }
0x22d: {  	v10 =	vand.u32 $0x7F, v10;
	v11 =	vand.u32 $0x400, v11  }
0x22e: {  	v10 =	vor.u32 v11, v10  }
0x22f: {  	v10 =	vor.u32 v0, v10;
	_ =	sdelay $0x4  }
0x230: {  	v10 =	vld.idx.msk [tilespmem:v10+s25+$0x0], $0xffff  }
0x231: {  	vm0 =	veq.s32 v8, $0x1  }
0x232: {  	v8 =	vsel vm0, $0x0, v1  }
0x233: {  	v8 =	vadd.f32 v8, v9;
	vm1 =	veq.s32 v7, $0x1  }
0x234: {  	v9 =	vsel vm1, $0x0, v1  }
0x235: {  	v8 =	vadd.f32 v9, v8;
	vm2 =	veq.s32 v10, $0x1  }
0x236: {  	v9 =	vsel vm2, $0x0, v1  }
0x237: {  	v8 =	vadd.f32 v9, v8;
	_ =	sdelay $0x1  }
0x238: {  	v7 =	vld.idx.msk [tilespmem:v7+s1+$0x0], $0xffff;
	(erf) = vrcp.f32 v8;
	_ =	sdelay $0x1  }
0x239: {  	v8 =	vld.idx.msk [tilespmem:v10+s1+$0x0], $0xffff  }
0x23a: {  	s29 =	simm.s32 $0x0;
	v6 =	vsel vm0, $0x0, v6  }
0x23b: {  	v5 =	vadd.f32 v6, v5;
	v6 =	vmov s29  }
0x23c: {  	v7 =	vsel vm1, $0x0, v7;
	v9 =	vshll.u32 v6, $0x3  }
0x23d: {  	v5 =	vadd.f32 v7, v5;
	v6 =	vand.u32 $0x7F, v6;
	v7 =	vand.u32 $0x400, v9  }
0x23e: {  	v6 =	vor.u32 v7, v6;
	v8 =	vsel vm2, $0x0, v8  }
0x23f: {  	v6 =	vor.u32 v2, v6;
	v5 =	vadd.f32 v8, v5  }
0x240: {  	v7 =	vpop (erf)  }
0x241: {  	v5 =	vmul.f32 v7, v5;
	_ =	sdelay $0x1  }
0x242: {  	s29 =	simm.s32 $0x1;
	[tilespmem:$0x1C700] =	vst v5  }
0x243: {  	v5 =	vmov s29;
	v8 =	vld.idx.msk [tilespmem:v6+s25+$0x0], $0xffff  }
0x244: {  	v6 =	vshll.u32 v5, $0x3  }
0x245: {  	v5 =	vand.u32 $0x7F, v5;
	v6 =	vand.u32 $0x400, v6  }
0x246: {  	v5 =	vor.u32 v6, v5  }
0x247: {  	v7 =	vor.u32 v2, v5;
	_ =	sdelay $0x3  }
0x248: {  	s29 =	simm.s32 $0x2;
	v6 =	vld.idx.msk [tilespmem:v8+s1+$0x0], $0xffff  }
0x249: {  	v9 =	vimm.f32 $0.0e+00;
	v10 =	vmov s29;
	s29 =	simm.s32 $0x3;
	v5 =	vimm.f32 $0.0e+00;
	v7 =	vld.idx.msk [tilespmem:v7+s25+$0x0], $0xffff  }
.LBB2_62:
0x24a: {  	p1 =	sne.s32 s29, $0xC7;
	v11 =	vshll.u32 v10, $0x3  }
0x24b: {  	v10 =	vand.u32 $0x7F, v10;
	v11 =	vand.u32 $0x400, v11  }
0x24c: {  	v10 =	vor.u32 v11, v10  }
0x24d: {  	vm0 =	veq.s32 v8, $0x1;
	v11 =	vor.u32 v2, v10  }
.Ltmp16:
0x24e: {  	v6 =	vsel vm0, $0x0, v6;
	v10 =	vsel vm0, $0x0, v1;
	(pc) =	sbr.rel @p1 .LBB2_62-.Ltmp16, $3  }
0x24f: {  	v5 =	vadd.f32 v6, v5;
	v9 =	vadd.f32 v10, v9;
	v8 =	vmov v7;
	_ =	sdelay $0x1  }
0x250: {  	v6 =	vld.idx.msk [tilespmem:v7+s1+$0x0], $0xffff  }
0x251: {  	v10 =	vmov s29;
	s29 =	sadd.s32 $0x1, s29;
	v7 =	vld.idx.msk [tilespmem:v11+s25+$0x0], $0xffff  }
0x252: {  	v11 =	vshll.u32 v10, $0x3  }
0x253: {  	v10 =	vand.u32 $0x7F, v10;
	v11 =	vand.u32 $0x400, v11  }
0x254: {  	v10 =	vor.u32 v11, v10  }
0x255: {  	v10 =	vor.u32 v2, v10;
	_ =	sdelay $0x4  }
0x256: {  	v10 =	vld.idx.msk [tilespmem:v10+s25+$0x0], $0xffff  }
0x257: {  	vm0 =	veq.s32 v8, $0x1  }
0x258: {  	v8 =	vsel vm0, $0x0, v1  }
0x259: {  	v8 =	vadd.f32 v8, v9;
	vm1 =	veq.s32 v7, $0x1  }
0x25a: {  	v9 =	vsel vm1, $0x0, v1  }
0x25b: {  	v8 =	vadd.f32 v9, v8;
	vm2 =	veq.s32 v10, $0x1  }
0x25c: {  	v9 =	vsel vm2, $0x0, v1  }
0x25d: {  	v8 =	vadd.f32 v9, v8;
	_ =	sdelay $0x1  }
0x25e: {  	v7 =	vld.idx.msk [tilespmem:v7+s1+$0x0], $0xffff;
	(erf) = vrcp.f32 v8;
	_ =	sdelay $0x1  }
0x25f: {  	v8 =	vld.idx.msk [tilespmem:v10+s1+$0x0], $0xffff  }
0x260: {  	s29 =	simm.s32 $0x0;
	v6 =	vsel vm0, $0x0, v6  }
0x261: {  	v5 =	vadd.f32 v6, v5;
	v6 =	vmov s29  }
0x262: {  	v7 =	vsel vm1, $0x0, v7;
	v9 =	vshll.u32 v6, $0x3  }
0x263: {  	v5 =	vadd.f32 v7, v5;
	v6 =	vand.u32 $0x7F, v6;
	v7 =	vand.u32 $0x400, v9  }
0x264: {  	v6 =	vor.u32 v7, v6;
	v8 =	vsel vm2, $0x0, v8  }
0x265: {  	v6 =	vor.u32 v3, v6;
	v5 =	vadd.f32 v8, v5  }
0x266: {  	v7 =	vpop (erf)  }
0x267: {  	v5 =	vmul.f32 v7, v5;
	_ =	sdelay $0x1  }
0x268: {  	s29 =	simm.s32 $0x1;
	[tilespmem:$0x1C710] =	vst v5  }
0x269: {  	v5 =	vmov s29;
	v8 =	vld.idx.msk [tilespmem:v6+s25+$0x0], $0xffff  }
0x26a: {  	v6 =	vshll.u32 v5, $0x3  }
0x26b: {  	v5 =	vand.u32 $0x7F, v5;
	v6 =	vand.u32 $0x400, v6  }
0x26c: {  	v5 =	vor.u32 v6, v5  }
0x26d: {  	v7 =	vor.u32 v3, v5;
	_ =	sdelay $0x3  }
0x26e: {  	s29 =	simm.s32 $0x2;
	v6 =	vld.idx.msk [tilespmem:v8+s1+$0x0], $0xffff  }
0x26f: {  	v9 =	vimm.f32 $0.0e+00;
	v10 =	vmov s29;
	s29 =	simm.s32 $0x3;
	v5 =	vimm.f32 $0.0e+00;
	v7 =	vld.idx.msk [tilespmem:v7+s25+$0x0], $0xffff  }
.LBB2_64:
0x270: {  	p1 =	sne.s32 s29, $0xC7;
	v11 =	vshll.u32 v10, $0x3  }
0x271: {  	v10 =	vand.u32 $0x7F, v10;
	v11 =	vand.u32 $0x400, v11  }
0x272: {  	v10 =	vor.u32 v11, v10  }
0x273: {  	vm0 =	veq.s32 v8, $0x1;
	v11 =	vor.u32 v3, v10  }
.Ltmp17:
0x274: {  	v6 =	vsel vm0, $0x0, v6;
	v10 =	vsel vm0, $0x0, v1;
	(pc) =	sbr.rel @p1 .LBB2_64-.Ltmp17, $3  }
0x275: {  	v5 =	vadd.f32 v6, v5;
	v9 =	vadd.f32 v10, v9;
	v8 =	vmov v7;
	_ =	sdelay $0x1  }
0x276: {  	v6 =	vld.idx.msk [tilespmem:v7+s1+$0x0], $0xffff  }
0x277: {  	v10 =	vmov s29;
	s29 =	sadd.s32 $0x1, s29;
	v7 =	vld.idx.msk [tilespmem:v11+s25+$0x0], $0xffff  }
0x278: {  	v11 =	vshll.u32 v10, $0x3  }
0x279: {  	v10 =	vand.u32 $0x7F, v10;
	v11 =	vand.u32 $0x400, v11  }
0x27a: {  	v10 =	vor.u32 v11, v10  }
0x27b: {  	v10 =	vor.u32 v3, v10;
	_ =	sdelay $0x4  }
0x27c: {  	v10 =	vld.idx.msk [tilespmem:v10+s25+$0x0], $0xffff  }
0x27d: {  	vm0 =	veq.s32 v8, $0x1  }
0x27e: {  	v8 =	vsel vm0, $0x0, v1  }
0x27f: {  	v8 =	vadd.f32 v8, v9;
	vm1 =	veq.s32 v7, $0x1  }
0x280: {  	v9 =	vsel vm1, $0x0, v1  }
0x281: {  	v8 =	vadd.f32 v9, v8;
	vm2 =	veq.s32 v10, $0x1  }
0x282: {  	v9 =	vsel vm2, $0x0, v1  }
0x283: {  	v8 =	vadd.f32 v9, v8;
	_ =	sdelay $0x1  }
0x284: {  	v7 =	vld.idx.msk [tilespmem:v7+s1+$0x0], $0xffff;
	(erf) = vrcp.f32 v8;
	_ =	sdelay $0x1  }
0x285: {  	v8 =	vld.idx.msk [tilespmem:v10+s1+$0x0], $0xffff  }
0x286: {  	s29 =	simm.s32 $0x0;
	v6 =	vsel vm0, $0x0, v6  }
0x287: {  	v5 =	vadd.f32 v6, v5;
	v6 =	vmov s29  }
0x288: {  	v7 =	vsel vm1, $0x0, v7;
	v9 =	vshll.u32 v6, $0x3  }
0x289: {  	v5 =	vadd.f32 v7, v5;
	v6 =	vand.u32 $0x7F, v6;
	v7 =	vand.u32 $0x400, v9  }
0x28a: {  	v6 =	vor.u32 v7, v6;
	v8 =	vsel vm2, $0x0, v8  }
0x28b: {  	v6 =	vor.u32 v4, v6;
	v5 =	vadd.f32 v8, v5  }
0x28c: {  	v7 =	vpop (erf)  }
0x28d: {  	v5 =	vmul.f32 v7, v5;
	_ =	sdelay $0x1  }
0x28e: {  	s29 =	simm.s32 $0x1;
	[tilespmem:$0x1C720] =	vst v5  }
0x28f: {  	v5 =	vmov s29;
	v6 =	vld.idx.msk [tilespmem:v6+s25+$0x0], $0xffff  }
0x290: {  	v7 =	vshll.u32 v5, $0x3  }
0x291: {  	v5 =	vand.u32 $0x7F, v5;
	v7 =	vand.u32 $0x400, v7  }
0x292: {  	v5 =	vor.u32 v7, v5  }
0x293: {  	v7 =	vor.u32 v4, v5;
	_ =	sdelay $0x3  }
0x294: {  	s29 =	simm.s32 $0x2;
	v9 =	vld.idx.msk [tilespmem:v6+s1+$0x0], $0xffff  }
0x295: {  	v10 =	vmov s29;
	s29 =	simm.s32 $0x3;
	v5 =	vimm.f32 $0.0e+00;
	v8 =	vld.idx.msk [tilespmem:v7+s25+$0x0], $0xffff;
	v7 =	vimm.f32 $0.0e+00  }
.LBB2_66:
0x296: {  	p1 =	sne.s32 s29, $0xC7;
	v11 =	vshll.u32 v10, $0x3  }
0x297: {  	v10 =	vand.u32 $0x7F, v10;
	v11 =	vand.u32 $0x400, v11  }
0x298: {  	v10 =	vor.u32 v11, v10  }
0x299: {  	vm0 =	veq.s32 v6, $0x1;
	v11 =	vor.u32 v4, v10  }
.Ltmp18:
0x29a: {  	v10 =	vsel vm0, $0x0, v9;
	v9 =	vsel vm0, $0x0, v1;
	(pc) =	sbr.rel @p1 .LBB2_66-.Ltmp18, $3  }
0x29b: {  	v6 =	vmov v8;
	v5 =	vadd.f32 v10, v5;
	v7 =	vadd.f32 v9, v7;
	_ =	sdelay $0x1  }
0x29c: {  	v9 =	vld.idx.msk [tilespmem:v8+s1+$0x0], $0xffff  }
0x29d: {  	v10 =	vmov s29;
	s29 =	sadd.s32 $0x1, s29;
	v8 =	vld.idx.msk [tilespmem:v11+s25+$0x0], $0xffff  }
.Ltmp19:
0x29e: {  	_ = 	snop;
	(pc) =	sbr.rel .LBB2_67-.Ltmp19, $1  }
0x29f: {  	_ =	sdelay $0x3  }
.LBB2_2:
0x2a0: {  	[tilespmem:s25], [sflag:$0x1] =	stream.linear.gather [hbm4b:s4+s29], $0x4000, $0x38;
	[tilespmem:$0x1C780] =	vst v63  }
0x2a1: {  	_ =	swait.ge [sflag:s24], $0x4000  }
0x2a2: {  	[sflag:s24] =	ssyncset.done $0x0  }
0x2a3: {  	s29 =	simm.s32 $0x1;
	[sflag:s24] =	ssyncadd.s32 $0xFFFFC000  }
0x2a4: {  	v6 =	vmov s29;
	v8 =	vld.idx.msk [tilespmem:v5+s25+$0x0], $0xffff  }
0x2a5: {  	v5 =	vshll.u32 v6, $0x3  }
0x2a6: {  	v6 =	vand.u32 $0x7F, v6;
	v5 =	vand.u32 $0x400, v5  }
0x2a7: {  	v5 =	vor.u32 v5, v6  }
0x2a8: {  	v7 =	vor.u32 v0, v5;
	_ =	sdelay $0x3  }
0x2a9: {  	s29 =	simm.s32 $0x2;
	v6 =	vld.idx.msk [tilespmem:v8+s1+$0x0], $0xffff  }
0x2aa: {  	v9 =	vimm.f32 $0.0e+00;
	v10 =	vmov s29;
	s29 =	simm.s32 $0x3;
	v5 =	vimm.f32 $0.0e+00;
	v7 =	vld.idx.msk [tilespmem:v7+s25+$0x0], $0xffff  }
.LBB2_3:
0x2ab: {  	p1 =	sne.s32 s29, $0xC7;
	v11 =	vshll.u32 v10, $0x3  }
0x2ac: {  	v10 =	vand.u32 $0x7F, v10;
	v11 =	vand.u32 $0x400, v11  }
0x2ad: {  	v10 =	vor.u32 v11, v10  }
0x2ae: {  	vm0 =	veq.s32 v8, $0x1;
	v11 =	vor.u32 v0, v10  }
.Ltmp20:
0x2af: {  	v6 =	vsel vm0, $0x0, v6;
	v10 =	vsel vm0, $0x0, v1;
	(pc) =	sbr.rel @p1 .LBB2_3-.Ltmp20, $3  }
0x2b0: {  	v5 =	vadd.f32 v6, v5;
	v9 =	vadd.f32 v10, v9;
	v8 =	vmov v7;
	_ =	sdelay $0x1  }
0x2b1: {  	v6 =	vld.idx.msk [tilespmem:v7+s1+$0x0], $0xffff  }
0x2b2: {  	v10 =	vmov s29;
	s29 =	sadd.s32 $0x1, s29;
	v7 =	vld.idx.msk [tilespmem:v11+s25+$0x0], $0xffff  }
0x2b3: {  	v11 =	vshll.u32 v10, $0x3  }
0x2b4: {  	v10 =	vand.u32 $0x7F, v10;
	v11 =	vand.u32 $0x400, v11  }
0x2b5: {  	v10 =	vor.u32 v11, v10  }
0x2b6: {  	v10 =	vor.u32 v0, v10;
	_ =	sdelay $0x4  }
0x2b7: {  	v10 =	vld.idx.msk [tilespmem:v10+s25+$0x0], $0xffff  }
0x2b8: {  	vm0 =	veq.s32 v8, $0x1  }
0x2b9: {  	v8 =	vsel vm0, $0x0, v1  }
0x2ba: {  	v8 =	vadd.f32 v8, v9;
	vm1 =	veq.s32 v7, $0x1  }
0x2bb: {  	v9 =	vsel vm1, $0x0, v1  }
0x2bc: {  	v8 =	vadd.f32 v9, v8;
	vm2 =	veq.s32 v10, $0x1  }
0x2bd: {  	v9 =	vsel vm2, $0x0, v1  }
0x2be: {  	v8 =	vadd.f32 v9, v8;
	_ =	sdelay $0x1  }
0x2bf: {  	v7 =	vld.idx.msk [tilespmem:v7+s1+$0x0], $0xffff;
	(erf) = vrcp.f32 v8;
	_ =	sdelay $0x1  }
0x2c0: {  	v8 =	vld.idx.msk [tilespmem:v10+s1+$0x0], $0xffff  }
0x2c1: {  	s29 =	simm.s32 $0x0;
	v6 =	vsel vm0, $0x0, v6  }
0x2c2: {  	v5 =	vadd.f32 v6, v5;
	v6 =	vmov s29  }
0x2c3: {  	v7 =	vsel vm1, $0x0, v7;
	v9 =	vshll.u32 v6, $0x3  }
0x2c4: {  	v5 =	vadd.f32 v7, v5;
	v6 =	vand.u32 $0x7F, v6;
	v7 =	vand.u32 $0x400, v9  }
0x2c5: {  	v6 =	vor.u32 v7, v6;
	v8 =	vsel vm2, $0x0, v8  }
0x2c6: {  	v6 =	vor.u32 v2, v6;
	v5 =	vadd.f32 v8, v5  }
0x2c7: {  	v7 =	vpop (erf)  }
0x2c8: {  	v5 =	vmul.f32 v7, v5;
	_ =	sdelay $0x1  }
0x2c9: {  	s29 =	simm.s32 $0x1;
	[tilespmem:$0x1C700] =	vst v5  }
0x2ca: {  	v5 =	vmov s29;
	v8 =	vld.idx.msk [tilespmem:v6+s25+$0x0], $0xffff  }
0x2cb: {  	v6 =	vshll.u32 v5, $0x3  }
0x2cc: {  	v5 =	vand.u32 $0x7F, v5;
	v6 =	vand.u32 $0x400, v6  }
0x2cd: {  	v5 =	vor.u32 v6, v5  }
0x2ce: {  	v7 =	vor.u32 v2, v5;
	_ =	sdelay $0x3  }
0x2cf: {  	s29 =	simm.s32 $0x2;
	v6 =	vld.idx.msk [tilespmem:v8+s1+$0x0], $0xffff  }
0x2d0: {  	v9 =	vimm.f32 $0.0e+00;
	v10 =	vmov s29;
	s29 =	simm.s32 $0x3;
	v5 =	vimm.f32 $0.0e+00;
	v7 =	vld.idx.msk [tilespmem:v7+s25+$0x0], $0xffff  }
.LBB2_5:
0x2d1: {  	p1 =	sne.s32 s29, $0xC7;
	v11 =	vshll.u32 v10, $0x3  }
0x2d2: {  	v10 =	vand.u32 $0x7F, v10;
	v11 =	vand.u32 $0x400, v11  }
0x2d3: {  	v10 =	vor.u32 v11, v10  }
0x2d4: {  	vm0 =	veq.s32 v8, $0x1;
	v11 =	vor.u32 v2, v10  }
.Ltmp21:
0x2d5: {  	v6 =	vsel vm0, $0x0, v6;
	v10 =	vsel vm0, $0x0, v1;
	(pc) =	sbr.rel @p1 .LBB2_5-.Ltmp21, $3  }
0x2d6: {  	v5 =	vadd.f32 v6, v5;
	v9 =	vadd.f32 v10, v9;
	v8 =	vmov v7;
	_ =	sdelay $0x1  }
0x2d7: {  	v6 =	vld.idx.msk [tilespmem:v7+s1+$0x0], $0xffff  }
0x2d8: {  	v10 =	vmov s29;
	s29 =	sadd.s32 $0x1, s29;
	v7 =	vld.idx.msk [tilespmem:v11+s25+$0x0], $0xffff  }
0x2d9: {  	v11 =	vshll.u32 v10, $0x3  }
0x2da: {  	v10 =	vand.u32 $0x7F, v10;
	v11 =	vand.u32 $0x400, v11  }
0x2db: {  	v10 =	vor.u32 v11, v10  }
0x2dc: {  	v10 =	vor.u32 v2, v10;
	_ =	sdelay $0x4  }
0x2dd: {  	v10 =	vld.idx.msk [tilespmem:v10+s25+$0x0], $0xffff  }
0x2de: {  	vm0 =	veq.s32 v8, $0x1  }
0x2df: {  	v8 =	vsel vm0, $0x0, v1  }
0x2e0: {  	v8 =	vadd.f32 v8, v9;
	vm1 =	veq.s32 v7, $0x1  }
0x2e1: {  	v9 =	vsel vm1, $0x0, v1  }
0x2e2: {  	v8 =	vadd.f32 v9, v8;
	vm2 =	veq.s32 v10, $0x1  }
0x2e3: {  	v9 =	vsel vm2, $0x0, v1  }
0x2e4: {  	v8 =	vadd.f32 v9, v8;
	_ =	sdelay $0x1  }
0x2e5: {  	v7 =	vld.idx.msk [tilespmem:v7+s1+$0x0], $0xffff;
	(erf) = vrcp.f32 v8;
	_ =	sdelay $0x1  }
0x2e6: {  	v8 =	vld.idx.msk [tilespmem:v10+s1+$0x0], $0xffff  }
0x2e7: {  	s29 =	simm.s32 $0x0;
	v6 =	vsel vm0, $0x0, v6  }
0x2e8: {  	v5 =	vadd.f32 v6, v5;
	v6 =	vmov s29  }
0x2e9: {  	v7 =	vsel vm1, $0x0, v7;
	v9 =	vshll.u32 v6, $0x3  }
0x2ea: {  	v5 =	vadd.f32 v7, v5;
	v6 =	vand.u32 $0x7F, v6;
	v7 =	vand.u32 $0x400, v9  }
0x2eb: {  	v6 =	vor.u32 v7, v6;
	v8 =	vsel vm2, $0x0, v8  }
0x2ec: {  	v6 =	vor.u32 v3, v6;
	v5 =	vadd.f32 v8, v5  }
0x2ed: {  	v7 =	vpop (erf)  }
0x2ee: {  	v5 =	vmul.f32 v7, v5;
	_ =	sdelay $0x1  }
0x2ef: {  	s29 =	simm.s32 $0x1;
	[tilespmem:$0x1C710] =	vst v5  }
0x2f0: {  	v5 =	vmov s29;
	v8 =	vld.idx.msk [tilespmem:v6+s25+$0x0], $0xffff  }
0x2f1: {  	v6 =	vshll.u32 v5, $0x3  }
0x2f2: {  	v5 =	vand.u32 $0x7F, v5;
	v6 =	vand.u32 $0x400, v6  }
0x2f3: {  	v5 =	vor.u32 v6, v5  }
0x2f4: {  	v7 =	vor.u32 v3, v5;
	_ =	sdelay $0x3  }
0x2f5: {  	s29 =	simm.s32 $0x2;
	v6 =	vld.idx.msk [tilespmem:v8+s1+$0x0], $0xffff  }
0x2f6: {  	v9 =	vimm.f32 $0.0e+00;
	v10 =	vmov s29;
	s29 =	simm.s32 $0x3;
	v5 =	vimm.f32 $0.0e+00;
	v7 =	vld.idx.msk [tilespmem:v7+s25+$0x0], $0xffff  }
.LBB2_7:
0x2f7: {  	p1 =	sne.s32 s29, $0xC7;
	v11 =	vshll.u32 v10, $0x3  }
0x2f8: {  	v10 =	vand.u32 $0x7F, v10;
	v11 =	vand.u32 $0x400, v11  }
0x2f9: {  	v10 =	vor.u32 v11, v10  }
0x2fa: {  	vm0 =	veq.s32 v8, $0x1;
	v11 =	vor.u32 v3, v10  }
.Ltmp22:
0x2fb: {  	v6 =	vsel vm0, $0x0, v6;
	v10 =	vsel vm0, $0x0, v1;
	(pc) =	sbr.rel @p1 .LBB2_7-.Ltmp22, $3  }
0x2fc: {  	v5 =	vadd.f32 v6, v5;
	v9 =	vadd.f32 v10, v9;
	v8 =	vmov v7;
	_ =	sdelay $0x1  }
0x2fd: {  	v6 =	vld.idx.msk [tilespmem:v7+s1+$0x0], $0xffff  }
0x2fe: {  	v10 =	vmov s29;
	s29 =	sadd.s32 $0x1, s29;
	v7 =	vld.idx.msk [tilespmem:v11+s25+$0x0], $0xffff  }
0x2ff: {  	v11 =	vshll.u32 v10, $0x3  }
0x300: {  	v10 =	vand.u32 $0x7F, v10;
	v11 =	vand.u32 $0x400, v11  }
0x301: {  	v10 =	vor.u32 v11, v10  }
0x302: {  	v10 =	vor.u32 v3, v10;
	_ =	sdelay $0x4  }
0x303: {  	v10 =	vld.idx.msk [tilespmem:v10+s25+$0x0], $0xffff  }
0x304: {  	vm0 =	veq.s32 v8, $0x1  }
0x305: {  	v8 =	vsel vm0, $0x0, v1  }
0x306: {  	v8 =	vadd.f32 v8, v9;
	vm1 =	veq.s32 v7, $0x1  }
0x307: {  	v9 =	vsel vm1, $0x0, v1  }
0x308: {  	v8 =	vadd.f32 v9, v8;
	vm2 =	veq.s32 v10, $0x1  }
0x309: {  	v9 =	vsel vm2, $0x0, v1  }
0x30a: {  	v8 =	vadd.f32 v9, v8;
	_ =	sdelay $0x1  }
0x30b: {  	v7 =	vld.idx.msk [tilespmem:v7+s1+$0x0], $0xffff;
	(erf) = vrcp.f32 v8;
	_ =	sdelay $0x1  }
0x30c: {  	v8 =	vld.idx.msk [tilespmem:v10+s1+$0x0], $0xffff  }
0x30d: {  	s29 =	simm.s32 $0x0;
	v6 =	vsel vm0, $0x0, v6  }
0x30e: {  	v5 =	vadd.f32 v6, v5;
	v6 =	vmov s29  }
0x30f: {  	v7 =	vsel vm1, $0x0, v7;
	v9 =	vshll.u32 v6, $0x3  }
0x310: {  	v5 =	vadd.f32 v7, v5;
	v6 =	vand.u32 $0x7F, v6;
	v7 =	vand.u32 $0x400, v9  }
0x311: {  	v6 =	vor.u32 v7, v6;
	v8 =	vsel vm2, $0x0, v8  }
0x312: {  	v6 =	vor.u32 v4, v6;
	v5 =	vadd.f32 v8, v5  }
0x313: {  	v7 =	vpop (erf)  }
0x314: {  	v5 =	vmul.f32 v7, v5;
	_ =	sdelay $0x1  }
0x315: {  	s29 =	simm.s32 $0x1;
	[tilespmem:$0x1C720] =	vst v5  }
0x316: {  	v5 =	vmov s29;
	v8 =	vld.idx.msk [tilespmem:v6+s25+$0x0], $0xffff  }
0x317: {  	v6 =	vshll.u32 v5, $0x3  }
0x318: {  	v5 =	vand.u32 $0x7F, v5;
	v6 =	vand.u32 $0x400, v6  }
0x319: {  	v5 =	vor.u32 v6, v5  }
0x31a: {  	v7 =	vor.u32 v4, v5;
	_ =	sdelay $0x3  }
0x31b: {  	s29 =	simm.s32 $0x2;
	v6 =	vld.idx.msk [tilespmem:v8+s1+$0x0], $0xffff  }
0x31c: {  	v9 =	vimm.f32 $0.0e+00;
	v10 =	vmov s29;
	s29 =	simm.s32 $0x3;
	v5 =	vimm.f32 $0.0e+00;
	v7 =	vld.idx.msk [tilespmem:v7+s25+$0x0], $0xffff  }
.LBB2_9:
0x31d: {  	p1 =	sne.s32 s29, $0xC7;
	v11 =	vshll.u32 v10, $0x3  }
0x31e: {  	v10 =	vand.u32 $0x7F, v10;
	v11 =	vand.u32 $0x400, v11  }
0x31f: {  	v10 =	vor.u32 v11, v10  }
0x320: {  	vm0 =	veq.s32 v8, $0x1;
	v11 =	vor.u32 v4, v10  }
.Ltmp23:
0x321: {  	v6 =	vsel vm0, $0x0, v6;
	v10 =	vsel vm0, $0x0, v1;
	(pc) =	sbr.rel @p1 .LBB2_9-.Ltmp23, $3  }
0x322: {  	v5 =	vadd.f32 v6, v5;
	v9 =	vadd.f32 v10, v9;
	v8 =	vmov v7;
	_ =	sdelay $0x1  }
0x323: {  	v6 =	vld.idx.msk [tilespmem:v7+s1+$0x0], $0xffff  }
0x324: {  	v10 =	vmov s29;
	s29 =	sadd.s32 $0x1, s29;
	v7 =	vld.idx.msk [tilespmem:v11+s25+$0x0], $0xffff  }
0x325: {  	v11 =	vshll.u32 v10, $0x3  }
0x326: {  	v10 =	vand.u32 $0x7F, v10;
	v11 =	vand.u32 $0x400, v11  }
0x327: {  	v10 =	vor.u32 v11, v10  }
0x328: {  	v10 =	vor.u32 v4, v10;
	_ =	sdelay $0x4  }
0x329: {  	v10 =	vld.idx.msk [tilespmem:v10+s25+$0x0], $0xffff  }
0x32a: {  	vm0 =	veq.s32 v8, $0x1  }
0x32b: {  	v8 =	vsel vm0, $0x0, v1  }
0x32c: {  	v8 =	vadd.f32 v8, v9;
	vm1 =	veq.s32 v7, $0x1  }
0x32d: {  	v9 =	vsel vm1, $0x0, v1  }
0x32e: {  	v8 =	vadd.f32 v9, v8;
	vm2 =	veq.s32 v10, $0x1  }
0x32f: {  	v9 =	vsel vm2, $0x0, v1  }
0x330: {  	v8 =	vadd.f32 v9, v8;
	_ =	sdelay $0x1  }
0x331: {  	v7 =	vld.idx.msk [tilespmem:v7+s1+$0x0], $0xffff;
	(erf) = vrcp.f32 v8  }
0x332: {  	v8 =	vld.idx.msk [tilespmem:v10+s1+$0x0], $0xffff;
	_ =	sdelay $0x1  }
0x333: {  	v6 =	vsel vm0, $0x0, v6  }
0x334: {  	v5 =	vadd.f32 v6, v5  }
0x335: {  	v6 =	vsel vm1, $0x0, v7  }
0x336: {  	v5 =	vadd.f32 v6, v5;
	v6 =	vsel vm2, $0x0, v8;
	_ =	sdelay $0x1  }
0x337: {  	v5 =	vadd.f32 v6, v5  }
0x338: {  	v6 =	vpop (erf)  }
0x339: {  	v5 =	vmul.f32 v6, v5  }
0x33a: {  	s29 =	simm.s32 $0x0  }
0x33b: {  	[tilespmem:$0x1C730] =	vst v5;
	v5 =	vmov s29  }
0x33c: {  	[hbm4b:s5+s29] =	stream.linear.scatter [tilespmem:s26], [sflag:$0x1], $0x40, $0x38;
	v6 =	vshll.u32 v5, $0x3;
	[tilespmem:$0x1C780] =	vst v63  }
0x33d: {  	v5 =	vand.u32 $0x7F, v5;
	_ =	swait.ge [sflag:s24], $0x40;
	v6 =	vand.u32 $0x400, v6  }
0x33e: {  	[sflag:s24] =	ssyncset.done $0x0;
	v5 =	vor.u32 v6, v5  }
0x33f: {  	[sflag:s24] =	ssyncadd.s32 $0xFFFFFFC0;
	v5 =	vor.u32 v0, v5  }
0x340: {  	[tilespmem:s25], [sflag:$0x1] =	stream.linear.gather [hbm4b:s7+s29], $0x4000, $0x38;
	[tilespmem:$0x1C780] =	vst v63  }
0x341: {  	_ =	swait.ge [sflag:s24], $0x4000  }
0x342: {  	[sflag:s24] =	ssyncset.done $0x0  }
0x343: {  	s29 =	simm.s32 $0x1;
	[sflag:s24] =	ssyncadd.s32 $0xFFFFC000  }
0x344: {  	v6 =	vmov s29;
	v8 =	vld.idx.msk [tilespmem:v5+s25+$0x0], $0xffff  }
0x345: {  	v5 =	vshll.u32 v6, $0x3  }
0x346: {  	v6 =	vand.u32 $0x7F, v6;
	v5 =	vand.u32 $0x400, v5  }
0x347: {  	v5 =	vor.u32 v5, v6  }
0x348: {  	v7 =	vor.u32 v0, v5;
	_ =	sdelay $0x3  }
0x349: {  	s29 =	simm.s32 $0x2;
	v6 =	vld.idx.msk [tilespmem:v8+s1+$0x0], $0xffff  }
0x34a: {  	v9 =	vimm.f32 $0.0e+00;
	v10 =	vmov s29;
	s29 =	simm.s32 $0x3;
	v5 =	vimm.f32 $0.0e+00;
	v7 =	vld.idx.msk [tilespmem:v7+s25+$0x0], $0xffff  }
.LBB2_11:
0x34b: {  	p1 =	sne.s32 s29, $0xC7;
	v11 =	vshll.u32 v10, $0x3  }
0x34c: {  	v10 =	vand.u32 $0x7F, v10;
	v11 =	vand.u32 $0x400, v11  }
0x34d: {  	v10 =	vor.u32 v11, v10  }
0x34e: {  	vm0 =	veq.s32 v8, $0x1;
	v11 =	vor.u32 v0, v10  }
.Ltmp24:
0x34f: {  	v6 =	vsel vm0, $0x0, v6;
	v10 =	vsel vm0, $0x0, v1;
	(pc) =	sbr.rel @p1 .LBB2_11-.Ltmp24, $3  }
0x350: {  	v5 =	vadd.f32 v6, v5;
	v9 =	vadd.f32 v10, v9;
	v8 =	vmov v7;
	_ =	sdelay $0x1  }
0x351: {  	v6 =	vld.idx.msk [tilespmem:v7+s1+$0x0], $0xffff  }
0x352: {  	v10 =	vmov s29;
	s29 =	sadd.s32 $0x1, s29;
	v7 =	vld.idx.msk [tilespmem:v11+s25+$0x0], $0xffff  }
0x353: {  	v11 =	vshll.u32 v10, $0x3  }
0x354: {  	v10 =	vand.u32 $0x7F, v10;
	v11 =	vand.u32 $0x400, v11  }
0x355: {  	v10 =	vor.u32 v11, v10  }
0x356: {  	v10 =	vor.u32 v0, v10;
	_ =	sdelay $0x4  }
0x357: {  	v10 =	vld.idx.msk [tilespmem:v10+s25+$0x0], $0xffff  }
0x358: {  	vm0 =	veq.s32 v8, $0x1  }
0x359: {  	v8 =	vsel vm0, $0x0, v1  }
0x35a: {  	v8 =	vadd.f32 v8, v9;
	vm1 =	veq.s32 v7, $0x1  }
0x35b: {  	v9 =	vsel vm1, $0x0, v1  }
0x35c: {  	v8 =	vadd.f32 v9, v8;
	vm2 =	veq.s32 v10, $0x1  }
0x35d: {  	v9 =	vsel vm2, $0x0, v1  }
0x35e: {  	v8 =	vadd.f32 v9, v8;
	_ =	sdelay $0x1  }
0x35f: {  	v7 =	vld.idx.msk [tilespmem:v7+s1+$0x0], $0xffff;
	(erf) = vrcp.f32 v8;
	_ =	sdelay $0x1  }
0x360: {  	v8 =	vld.idx.msk [tilespmem:v10+s1+$0x0], $0xffff  }
0x361: {  	s29 =	simm.s32 $0x0;
	v6 =	vsel vm0, $0x0, v6  }
0x362: {  	v5 =	vadd.f32 v6, v5;
	v6 =	vmov s29  }
0x363: {  	v7 =	vsel vm1, $0x0, v7;
	v9 =	vshll.u32 v6, $0x3  }
0x364: {  	v5 =	vadd.f32 v7, v5;
	v6 =	vand.u32 $0x7F, v6;
	v7 =	vand.u32 $0x400, v9  }
0x365: {  	v6 =	vor.u32 v7, v6;
	v8 =	vsel vm2, $0x0, v8  }
0x366: {  	v6 =	vor.u32 v2, v6;
	v5 =	vadd.f32 v8, v5  }
0x367: {  	v7 =	vpop (erf)  }
0x368: {  	v5 =	vmul.f32 v7, v5;
	_ =	sdelay $0x1  }
0x369: {  	s29 =	simm.s32 $0x1;
	[tilespmem:$0x1C700] =	vst v5  }
0x36a: {  	v5 =	vmov s29;
	v8 =	vld.idx.msk [tilespmem:v6+s25+$0x0], $0xffff  }
0x36b: {  	v6 =	vshll.u32 v5, $0x3  }
0x36c: {  	v5 =	vand.u32 $0x7F, v5;
	v6 =	vand.u32 $0x400, v6  }
0x36d: {  	v5 =	vor.u32 v6, v5  }
0x36e: {  	v7 =	vor.u32 v2, v5;
	_ =	sdelay $0x3  }
0x36f: {  	s29 =	simm.s32 $0x2;
	v6 =	vld.idx.msk [tilespmem:v8+s1+$0x0], $0xffff  }
0x370: {  	v9 =	vimm.f32 $0.0e+00;
	v10 =	vmov s29;
	s29 =	simm.s32 $0x3;
	v5 =	vimm.f32 $0.0e+00;
	v7 =	vld.idx.msk [tilespmem:v7+s25+$0x0], $0xffff  }
.LBB2_13:
0x371: {  	p1 =	sne.s32 s29, $0xC7;
	v11 =	vshll.u32 v10, $0x3  }
0x372: {  	v10 =	vand.u32 $0x7F, v10;
	v11 =	vand.u32 $0x400, v11  }
0x373: {  	v10 =	vor.u32 v11, v10  }
0x374: {  	vm0 =	veq.s32 v8, $0x1;
	v11 =	vor.u32 v2, v10  }
.Ltmp25:
0x375: {  	v6 =	vsel vm0, $0x0, v6;
	v10 =	vsel vm0, $0x0, v1;
	(pc) =	sbr.rel @p1 .LBB2_13-.Ltmp25, $3  }
0x376: {  	v5 =	vadd.f32 v6, v5;
	v9 =	vadd.f32 v10, v9;
	v8 =	vmov v7;
	_ =	sdelay $0x1  }
0x377: {  	v6 =	vld.idx.msk [tilespmem:v7+s1+$0x0], $0xffff  }
0x378: {  	v10 =	vmov s29;
	s29 =	sadd.s32 $0x1, s29;
	v7 =	vld.idx.msk [tilespmem:v11+s25+$0x0], $0xffff  }
0x379: {  	v11 =	vshll.u32 v10, $0x3  }
0x37a: {  	v10 =	vand.u32 $0x7F, v10;
	v11 =	vand.u32 $0x400, v11  }
0x37b: {  	v10 =	vor.u32 v11, v10  }
0x37c: {  	v10 =	vor.u32 v2, v10;
	_ =	sdelay $0x4  }
0x37d: {  	v10 =	vld.idx.msk [tilespmem:v10+s25+$0x0], $0xffff  }
0x37e: {  	vm0 =	veq.s32 v8, $0x1  }
0x37f: {  	v8 =	vsel vm0, $0x0, v1  }
0x380: {  	v8 =	vadd.f32 v8, v9;
	vm1 =	veq.s32 v7, $0x1  }
0x381: {  	v9 =	vsel vm1, $0x0, v1  }
0x382: {  	v8 =	vadd.f32 v9, v8;
	vm2 =	veq.s32 v10, $0x1  }
0x383: {  	v9 =	vsel vm2, $0x0, v1  }
0x384: {  	v8 =	vadd.f32 v9, v8;
	_ =	sdelay $0x1  }
0x385: {  	v7 =	vld.idx.msk [tilespmem:v7+s1+$0x0], $0xffff;
	(erf) = vrcp.f32 v8;
	_ =	sdelay $0x1  }
0x386: {  	v8 =	vld.idx.msk [tilespmem:v10+s1+$0x0], $0xffff  }
0x387: {  	s29 =	simm.s32 $0x0;
	v6 =	vsel vm0, $0x0, v6  }
0x388: {  	v5 =	vadd.f32 v6, v5;
	v6 =	vmov s29  }
0x389: {  	v7 =	vsel vm1, $0x0, v7;
	v9 =	vshll.u32 v6, $0x3  }
0x38a: {  	v5 =	vadd.f32 v7, v5;
	v6 =	vand.u32 $0x7F, v6;
	v7 =	vand.u32 $0x400, v9  }
0x38b: {  	v6 =	vor.u32 v7, v6;
	v8 =	vsel vm2, $0x0, v8  }
0x38c: {  	v6 =	vor.u32 v3, v6;
	v5 =	vadd.f32 v8, v5  }
0x38d: {  	v7 =	vpop (erf)  }
0x38e: {  	v5 =	vmul.f32 v7, v5;
	_ =	sdelay $0x1  }
0x38f: {  	s29 =	simm.s32 $0x1;
	[tilespmem:$0x1C710] =	vst v5  }
0x390: {  	v5 =	vmov s29;
	v8 =	vld.idx.msk [tilespmem:v6+s25+$0x0], $0xffff  }
0x391: {  	v6 =	vshll.u32 v5, $0x3  }
0x392: {  	v5 =	vand.u32 $0x7F, v5;
	v6 =	vand.u32 $0x400, v6  }
0x393: {  	v5 =	vor.u32 v6, v5  }
0x394: {  	v7 =	vor.u32 v3, v5;
	_ =	sdelay $0x3  }
0x395: {  	s29 =	simm.s32 $0x2;
	v6 =	vld.idx.msk [tilespmem:v8+s1+$0x0], $0xffff  }
0x396: {  	v9 =	vimm.f32 $0.0e+00;
	v10 =	vmov s29;
	s29 =	simm.s32 $0x3;
	v5 =	vimm.f32 $0.0e+00;
	v7 =	vld.idx.msk [tilespmem:v7+s25+$0x0], $0xffff  }
.LBB2_15:
0x397: {  	p1 =	sne.s32 s29, $0xC7;
	v11 =	vshll.u32 v10, $0x3  }
0x398: {  	v10 =	vand.u32 $0x7F, v10;
	v11 =	vand.u32 $0x400, v11  }
0x399: {  	v10 =	vor.u32 v11, v10  }
0x39a: {  	vm0 =	veq.s32 v8, $0x1;
	v11 =	vor.u32 v3, v10  }
.Ltmp26:
0x39b: {  	v6 =	vsel vm0, $0x0, v6;
	v10 =	vsel vm0, $0x0, v1;
	(pc) =	sbr.rel @p1 .LBB2_15-.Ltmp26, $3  }
0x39c: {  	v5 =	vadd.f32 v6, v5;
	v9 =	vadd.f32 v10, v9;
	v8 =	vmov v7;
	_ =	sdelay $0x1  }
0x39d: {  	v6 =	vld.idx.msk [tilespmem:v7+s1+$0x0], $0xffff  }
0x39e: {  	v10 =	vmov s29;
	s29 =	sadd.s32 $0x1, s29;
	v7 =	vld.idx.msk [tilespmem:v11+s25+$0x0], $0xffff  }
0x39f: {  	v11 =	vshll.u32 v10, $0x3  }
0x3a0: {  	v10 =	vand.u32 $0x7F, v10;
	v11 =	vand.u32 $0x400, v11  }
0x3a1: {  	v10 =	vor.u32 v11, v10  }
0x3a2: {  	v10 =	vor.u32 v3, v10;
	_ =	sdelay $0x4  }
0x3a3: {  	v10 =	vld.idx.msk [tilespmem:v10+s25+$0x0], $0xffff  }
0x3a4: {  	vm0 =	veq.s32 v8, $0x1  }
0x3a5: {  	v8 =	vsel vm0, $0x0, v1  }
0x3a6: {  	v8 =	vadd.f32 v8, v9;
	vm1 =	veq.s32 v7, $0x1  }
0x3a7: {  	v9 =	vsel vm1, $0x0, v1  }
0x3a8: {  	v8 =	vadd.f32 v9, v8;
	vm2 =	veq.s32 v10, $0x1  }
0x3a9: {  	v9 =	vsel vm2, $0x0, v1  }
0x3aa: {  	v8 =	vadd.f32 v9, v8;
	_ =	sdelay $0x1  }
0x3ab: {  	v7 =	vld.idx.msk [tilespmem:v7+s1+$0x0], $0xffff;
	(erf) = vrcp.f32 v8;
	_ =	sdelay $0x1  }
0x3ac: {  	v8 =	vld.idx.msk [tilespmem:v10+s1+$0x0], $0xffff  }
0x3ad: {  	s29 =	simm.s32 $0x0;
	v6 =	vsel vm0, $0x0, v6  }
0x3ae: {  	v5 =	vadd.f32 v6, v5;
	v6 =	vmov s29  }
0x3af: {  	v7 =	vsel vm1, $0x0, v7;
	v9 =	vshll.u32 v6, $0x3  }
0x3b0: {  	v5 =	vadd.f32 v7, v5;
	v6 =	vand.u32 $0x7F, v6;
	v7 =	vand.u32 $0x400, v9  }
0x3b1: {  	v6 =	vor.u32 v7, v6;
	v8 =	vsel vm2, $0x0, v8  }
0x3b2: {  	v6 =	vor.u32 v4, v6;
	v5 =	vadd.f32 v8, v5  }
0x3b3: {  	v7 =	vpop (erf)  }
0x3b4: {  	v5 =	vmul.f32 v7, v5;
	_ =	sdelay $0x1  }
0x3b5: {  	s29 =	simm.s32 $0x1;
	[tilespmem:$0x1C720] =	vst v5  }
0x3b6: {  	v5 =	vmov s29;
	v8 =	vld.idx.msk [tilespmem:v6+s25+$0x0], $0xffff  }
0x3b7: {  	v6 =	vshll.u32 v5, $0x3  }
0x3b8: {  	v5 =	vand.u32 $0x7F, v5;
	v6 =	vand.u32 $0x400, v6  }
0x3b9: {  	v5 =	vor.u32 v6, v5  }
0x3ba: {  	v7 =	vor.u32 v4, v5;
	_ =	sdelay $0x3  }
0x3bb: {  	s29 =	simm.s32 $0x2;
	v6 =	vld.idx.msk [tilespmem:v8+s1+$0x0], $0xffff  }
0x3bc: {  	v9 =	vimm.f32 $0.0e+00;
	v10 =	vmov s29;
	s29 =	simm.s32 $0x3;
	v5 =	vimm.f32 $0.0e+00;
	v7 =	vld.idx.msk [tilespmem:v7+s25+$0x0], $0xffff  }
.LBB2_17:
0x3bd: {  	p1 =	sne.s32 s29, $0xC7;
	v11 =	vshll.u32 v10, $0x3  }
0x3be: {  	v10 =	vand.u32 $0x7F, v10;
	v11 =	vand.u32 $0x400, v11  }
0x3bf: {  	v10 =	vor.u32 v11, v10  }
0x3c0: {  	vm0 =	veq.s32 v8, $0x1;
	v11 =	vor.u32 v4, v10  }
.Ltmp27:
0x3c1: {  	v6 =	vsel vm0, $0x0, v6;
	v10 =	vsel vm0, $0x0, v1;
	(pc) =	sbr.rel @p1 .LBB2_17-.Ltmp27, $3  }
0x3c2: {  	v5 =	vadd.f32 v6, v5;
	v9 =	vadd.f32 v10, v9;
	v8 =	vmov v7;
	_ =	sdelay $0x1  }
0x3c3: {  	v6 =	vld.idx.msk [tilespmem:v7+s1+$0x0], $0xffff  }
0x3c4: {  	v10 =	vmov s29;
	s29 =	sadd.s32 $0x1, s29;
	v7 =	vld.idx.msk [tilespmem:v11+s25+$0x0], $0xffff  }
0x3c5: {  	v11 =	vshll.u32 v10, $0x3  }
0x3c6: {  	v10 =	vand.u32 $0x7F, v10;
	v11 =	vand.u32 $0x400, v11  }
0x3c7: {  	v10 =	vor.u32 v11, v10  }
0x3c8: {  	v10 =	vor.u32 v4, v10;
	_ =	sdelay $0x4  }
0x3c9: {  	v10 =	vld.idx.msk [tilespmem:v10+s25+$0x0], $0xffff  }
0x3ca: {  	vm0 =	veq.s32 v8, $0x1  }
0x3cb: {  	v8 =	vsel vm0, $0x0, v1  }
0x3cc: {  	v8 =	vadd.f32 v8, v9;
	vm1 =	veq.s32 v7, $0x1  }
0x3cd: {  	v9 =	vsel vm1, $0x0, v1  }
0x3ce: {  	v8 =	vadd.f32 v9, v8;
	vm2 =	veq.s32 v10, $0x1  }
0x3cf: {  	v9 =	vsel vm2, $0x0, v1  }
0x3d0: {  	v8 =	vadd.f32 v9, v8;
	_ =	sdelay $0x1  }
0x3d1: {  	v7 =	vld.idx.msk [tilespmem:v7+s1+$0x0], $0xffff;
	(erf) = vrcp.f32 v8  }
0x3d2: {  	v8 =	vld.idx.msk [tilespmem:v10+s1+$0x0], $0xffff;
	_ =	sdelay $0x1  }
0x3d3: {  	v6 =	vsel vm0, $0x0, v6  }
0x3d4: {  	v5 =	vadd.f32 v6, v5  }
0x3d5: {  	v6 =	vsel vm1, $0x0, v7  }
0x3d6: {  	v5 =	vadd.f32 v6, v5;
	v6 =	vsel vm2, $0x0, v8;
	_ =	sdelay $0x1  }
0x3d7: {  	v5 =	vadd.f32 v6, v5  }
0x3d8: {  	v6 =	vpop (erf)  }
0x3d9: {  	v5 =	vmul.f32 v6, v5  }
0x3da: {  	s29 =	simm.s32 $0x0  }
0x3db: {  	[tilespmem:$0x1C730] =	vst v5;
	v5 =	vmov s29  }
0x3dc: {  	[hbm4b:s8+s29] =	stream.linear.scatter [tilespmem:s26], [sflag:$0x1], $0x40, $0x38;
	v6 =	vshll.u32 v5, $0x3;
	[tilespmem:$0x1C780] =	vst v63  }
0x3dd: {  	v5 =	vand.u32 $0x7F, v5;
	_ =	swait.ge [sflag:s24], $0x40;
	v6 =	vand.u32 $0x400, v6  }
0x3de: {  	[sflag:s24] =	ssyncset.done $0x0;
	v5 =	vor.u32 v6, v5  }
0x3df: {  	[sflag:s24] =	ssyncadd.s32 $0xFFFFFFC0;
	v5 =	vor.u32 v0, v5  }
0x3e0: {  	[tilespmem:s25], [sflag:$0x1] =	stream.linear.gather [hbm4b:s9+s29], $0x4000, $0x38;
	[tilespmem:$0x1C780] =	vst v63  }
0x3e1: {  	_ =	swait.ge [sflag:s24], $0x4000  }
0x3e2: {  	[sflag:s24] =	ssyncset.done $0x0  }
0x3e3: {  	s29 =	simm.s32 $0x1;
	[sflag:s24] =	ssyncadd.s32 $0xFFFFC000  }
0x3e4: {  	v6 =	vmov s29;
	v8 =	vld.idx.msk [tilespmem:v5+s25+$0x0], $0xffff  }
0x3e5: {  	v5 =	vshll.u32 v6, $0x3  }
0x3e6: {  	v6 =	vand.u32 $0x7F, v6;
	v5 =	vand.u32 $0x400, v5  }
0x3e7: {  	v5 =	vor.u32 v5, v6  }
0x3e8: {  	v7 =	vor.u32 v0, v5;
	_ =	sdelay $0x3  }
0x3e9: {  	s29 =	simm.s32 $0x2;
	v6 =	vld.idx.msk [tilespmem:v8+s1+$0x0], $0xffff  }
0x3ea: {  	v9 =	vimm.f32 $0.0e+00;
	v10 =	vmov s29;
	s29 =	simm.s32 $0x3;
	v5 =	vimm.f32 $0.0e+00;
	v7 =	vld.idx.msk [tilespmem:v7+s25+$0x0], $0xffff  }
.LBB2_19:
0x3eb: {  	p1 =	sne.s32 s29, $0xC7;
	v11 =	vshll.u32 v10, $0x3  }
0x3ec: {  	v10 =	vand.u32 $0x7F, v10;
	v11 =	vand.u32 $0x400, v11  }
0x3ed: {  	v10 =	vor.u32 v11, v10  }
0x3ee: {  	vm0 =	veq.s32 v8, $0x1;
	v11 =	vor.u32 v0, v10  }
.Ltmp28:
0x3ef: {  	v6 =	vsel vm0, $0x0, v6;
	v10 =	vsel vm0, $0x0, v1;
	(pc) =	sbr.rel @p1 .LBB2_19-.Ltmp28, $3  }
0x3f0: {  	v5 =	vadd.f32 v6, v5;
	v9 =	vadd.f32 v10, v9;
	v8 =	vmov v7;
	_ =	sdelay $0x1  }
0x3f1: {  	v6 =	vld.idx.msk [tilespmem:v7+s1+$0x0], $0xffff  }
0x3f2: {  	v10 =	vmov s29;
	s29 =	sadd.s32 $0x1, s29;
	v7 =	vld.idx.msk [tilespmem:v11+s25+$0x0], $0xffff  }
0x3f3: {  	v11 =	vshll.u32 v10, $0x3  }
0x3f4: {  	v10 =	vand.u32 $0x7F, v10;
	v11 =	vand.u32 $0x400, v11  }
0x3f5: {  	v10 =	vor.u32 v11, v10  }
0x3f6: {  	v10 =	vor.u32 v0, v10;
	_ =	sdelay $0x4  }
0x3f7: {  	v10 =	vld.idx.msk [tilespmem:v10+s25+$0x0], $0xffff  }
0x3f8: {  	vm0 =	veq.s32 v8, $0x1  }
0x3f9: {  	v8 =	vsel vm0, $0x0, v1  }
0x3fa: {  	v8 =	vadd.f32 v8, v9;
	vm1 =	veq.s32 v7, $0x1  }
0x3fb: {  	v9 =	vsel vm1, $0x0, v1  }
0x3fc: {  	v8 =	vadd.f32 v9, v8;
	vm2 =	veq.s32 v10, $0x1  }
0x3fd: {  	v9 =	vsel vm2, $0x0, v1  }
0x3fe: {  	v8 =	vadd.f32 v9, v8;
	_ =	sdelay $0x1  }
0x3ff: {  	v7 =	vld.idx.msk [tilespmem:v7+s1+$0x0], $0xffff;
	(erf) = vrcp.f32 v8;
	_ =	sdelay $0x1  }
0x400: {  	v8 =	vld.idx.msk [tilespmem:v10+s1+$0x0], $0xffff  }
0x401: {  	s29 =	simm.s32 $0x0;
	v6 =	vsel vm0, $0x0, v6  }
0x402: {  	v5 =	vadd.f32 v6, v5;
	v6 =	vmov s29  }
0x403: {  	v7 =	vsel vm1, $0x0, v7;
	v9 =	vshll.u32 v6, $0x3  }
0x404: {  	v5 =	vadd.f32 v7, v5;
	v6 =	vand.u32 $0x7F, v6;
	v7 =	vand.u32 $0x400, v9  }
0x405: {  	v6 =	vor.u32 v7, v6;
	v8 =	vsel vm2, $0x0, v8  }
0x406: {  	v6 =	vor.u32 v2, v6;
	v5 =	vadd.f32 v8, v5  }
0x407: {  	v7 =	vpop (erf)  }
0x408: {  	v5 =	vmul.f32 v7, v5;
	_ =	sdelay $0x1  }
0x409: {  	s29 =	simm.s32 $0x1;
	[tilespmem:$0x1C700] =	vst v5  }
0x40a: {  	v5 =	vmov s29;
	v8 =	vld.idx.msk [tilespmem:v6+s25+$0x0], $0xffff  }
0x40b: {  	v6 =	vshll.u32 v5, $0x3  }
0x40c: {  	v5 =	vand.u32 $0x7F, v5;
	v6 =	vand.u32 $0x400, v6  }
0x40d: {  	v5 =	vor.u32 v6, v5  }
0x40e: {  	v7 =	vor.u32 v2, v5;
	_ =	sdelay $0x3  }
0x40f: {  	s29 =	simm.s32 $0x2;
	v6 =	vld.idx.msk [tilespmem:v8+s1+$0x0], $0xffff  }
0x410: {  	v9 =	vimm.f32 $0.0e+00;
	v10 =	vmov s29;
	s29 =	simm.s32 $0x3;
	v5 =	vimm.f32 $0.0e+00;
	v7 =	vld.idx.msk [tilespmem:v7+s25+$0x0], $0xffff  }
.LBB2_21:
0x411: {  	p1 =	sne.s32 s29, $0xC7;
	v11 =	vshll.u32 v10, $0x3  }
0x412: {  	v10 =	vand.u32 $0x7F, v10;
	v11 =	vand.u32 $0x400, v11  }
0x413: {  	v10 =	vor.u32 v11, v10  }
0x414: {  	vm0 =	veq.s32 v8, $0x1;
	v11 =	vor.u32 v2, v10  }
.Ltmp29:
0x415: {  	v6 =	vsel vm0, $0x0, v6;
	v10 =	vsel vm0, $0x0, v1;
	(pc) =	sbr.rel @p1 .LBB2_21-.Ltmp29, $3  }
0x416: {  	v5 =	vadd.f32 v6, v5;
	v9 =	vadd.f32 v10, v9;
	v8 =	vmov v7;
	_ =	sdelay $0x1  }
0x417: {  	v6 =	vld.idx.msk [tilespmem:v7+s1+$0x0], $0xffff  }
0x418: {  	v10 =	vmov s29;
	s29 =	sadd.s32 $0x1, s29;
	v7 =	vld.idx.msk [tilespmem:v11+s25+$0x0], $0xffff  }
0x419: {  	v11 =	vshll.u32 v10, $0x3  }
0x41a: {  	v10 =	vand.u32 $0x7F, v10;
	v11 =	vand.u32 $0x400, v11  }
0x41b: {  	v10 =	vor.u32 v11, v10  }
0x41c: {  	v10 =	vor.u32 v2, v10;
	_ =	sdelay $0x4  }
0x41d: {  	v10 =	vld.idx.msk [tilespmem:v10+s25+$0x0], $0xffff  }
0x41e: {  	vm0 =	veq.s32 v8, $0x1  }
0x41f: {  	v8 =	vsel vm0, $0x0, v1  }
0x420: {  	v8 =	vadd.f32 v8, v9;
	vm1 =	veq.s32 v7, $0x1  }
0x421: {  	v9 =	vsel vm1, $0x0, v1  }
0x422: {  	v8 =	vadd.f32 v9, v8;
	vm2 =	veq.s32 v10, $0x1  }
0x423: {  	v9 =	vsel vm2, $0x0, v1  }
0x424: {  	v8 =	vadd.f32 v9, v8;
	_ =	sdelay $0x1  }
0x425: {  	v7 =	vld.idx.msk [tilespmem:v7+s1+$0x0], $0xffff;
	(erf) = vrcp.f32 v8;
	_ =	sdelay $0x1  }
0x426: {  	v8 =	vld.idx.msk [tilespmem:v10+s1+$0x0], $0xffff  }
0x427: {  	s29 =	simm.s32 $0x0;
	v6 =	vsel vm0, $0x0, v6  }
0x428: {  	v5 =	vadd.f32 v6, v5;
	v6 =	vmov s29  }
0x429: {  	v7 =	vsel vm1, $0x0, v7;
	v9 =	vshll.u32 v6, $0x3  }
0x42a: {  	v5 =	vadd.f32 v7, v5;
	v6 =	vand.u32 $0x7F, v6;
	v7 =	vand.u32 $0x400, v9  }
0x42b: {  	v6 =	vor.u32 v7, v6;
	v8 =	vsel vm2, $0x0, v8  }
0x42c: {  	v6 =	vor.u32 v3, v6;
	v5 =	vadd.f32 v8, v5  }
0x42d: {  	v7 =	vpop (erf)  }
0x42e: {  	v5 =	vmul.f32 v7, v5;
	_ =	sdelay $0x1  }
0x42f: {  	s29 =	simm.s32 $0x1;
	[tilespmem:$0x1C710] =	vst v5  }
0x430: {  	v5 =	vmov s29;
	v8 =	vld.idx.msk [tilespmem:v6+s25+$0x0], $0xffff  }
0x431: {  	v6 =	vshll.u32 v5, $0x3  }
0x432: {  	v5 =	vand.u32 $0x7F, v5;
	v6 =	vand.u32 $0x400, v6  }
0x433: {  	v5 =	vor.u32 v6, v5  }
0x434: {  	v7 =	vor.u32 v3, v5;
	_ =	sdelay $0x3  }
0x435: {  	s29 =	simm.s32 $0x2;
	v6 =	vld.idx.msk [tilespmem:v8+s1+$0x0], $0xffff  }
0x436: {  	v9 =	vimm.f32 $0.0e+00;
	v10 =	vmov s29;
	s29 =	simm.s32 $0x3;
	v5 =	vimm.f32 $0.0e+00;
	v7 =	vld.idx.msk [tilespmem:v7+s25+$0x0], $0xffff  }
.LBB2_23:
0x437: {  	p1 =	sne.s32 s29, $0xC7;
	v11 =	vshll.u32 v10, $0x3  }
0x438: {  	v10 =	vand.u32 $0x7F, v10;
	v11 =	vand.u32 $0x400, v11  }
0x439: {  	v10 =	vor.u32 v11, v10  }
0x43a: {  	vm0 =	veq.s32 v8, $0x1;
	v11 =	vor.u32 v3, v10  }
.Ltmp30:
0x43b: {  	v6 =	vsel vm0, $0x0, v6;
	v10 =	vsel vm0, $0x0, v1;
	(pc) =	sbr.rel @p1 .LBB2_23-.Ltmp30, $3  }
0x43c: {  	v5 =	vadd.f32 v6, v5;
	v9 =	vadd.f32 v10, v9;
	v8 =	vmov v7;
	_ =	sdelay $0x1  }
0x43d: {  	v6 =	vld.idx.msk [tilespmem:v7+s1+$0x0], $0xffff  }
0x43e: {  	v10 =	vmov s29;
	s29 =	sadd.s32 $0x1, s29;
	v7 =	vld.idx.msk [tilespmem:v11+s25+$0x0], $0xffff  }
0x43f: {  	v11 =	vshll.u32 v10, $0x3  }
0x440: {  	v10 =	vand.u32 $0x7F, v10;
	v11 =	vand.u32 $0x400, v11  }
0x441: {  	v10 =	vor.u32 v11, v10  }
0x442: {  	v10 =	vor.u32 v3, v10;
	_ =	sdelay $0x4  }
0x443: {  	v10 =	vld.idx.msk [tilespmem:v10+s25+$0x0], $0xffff  }
0x444: {  	vm0 =	veq.s32 v8, $0x1  }
0x445: {  	v8 =	vsel vm0, $0x0, v1  }
0x446: {  	v8 =	vadd.f32 v8, v9;
	vm1 =	veq.s32 v7, $0x1  }
0x447: {  	v9 =	vsel vm1, $0x0, v1  }
0x448: {  	v8 =	vadd.f32 v9, v8;
	vm2 =	veq.s32 v10, $0x1  }
0x449: {  	v9 =	vsel vm2, $0x0, v1  }
0x44a: {  	v8 =	vadd.f32 v9, v8;
	_ =	sdelay $0x1  }
0x44b: {  	v7 =	vld.idx.msk [tilespmem:v7+s1+$0x0], $0xffff;
	(erf) = vrcp.f32 v8;
	_ =	sdelay $0x1  }
0x44c: {  	v8 =	vld.idx.msk [tilespmem:v10+s1+$0x0], $0xffff  }
0x44d: {  	s29 =	simm.s32 $0x0;
	v6 =	vsel vm0, $0x0, v6  }
0x44e: {  	v5 =	vadd.f32 v6, v5;
	v6 =	vmov s29  }
0x44f: {  	v7 =	vsel vm1, $0x0, v7;
	v9 =	vshll.u32 v6, $0x3  }
0x450: {  	v5 =	vadd.f32 v7, v5;
	v6 =	vand.u32 $0x7F, v6;
	v7 =	vand.u32 $0x400, v9  }
0x451: {  	v6 =	vor.u32 v7, v6;
	v8 =	vsel vm2, $0x0, v8  }
0x452: {  	v6 =	vor.u32 v4, v6;
	v5 =	vadd.f32 v8, v5  }
0x453: {  	v7 =	vpop (erf)  }
0x454: {  	v5 =	vmul.f32 v7, v5;
	_ =	sdelay $0x1  }
0x455: {  	s29 =	simm.s32 $0x1;
	[tilespmem:$0x1C720] =	vst v5  }
0x456: {  	v5 =	vmov s29;
	v8 =	vld.idx.msk [tilespmem:v6+s25+$0x0], $0xffff  }
0x457: {  	v6 =	vshll.u32 v5, $0x3  }
0x458: {  	v5 =	vand.u32 $0x7F, v5;
	v6 =	vand.u32 $0x400, v6  }
0x459: {  	v5 =	vor.u32 v6, v5  }
0x45a: {  	v7 =	vor.u32 v4, v5;
	_ =	sdelay $0x3  }
0x45b: {  	s29 =	simm.s32 $0x2;
	v6 =	vld.idx.msk [tilespmem:v8+s1+$0x0], $0xffff  }
0x45c: {  	v9 =	vimm.f32 $0.0e+00;
	v10 =	vmov s29;
	s29 =	simm.s32 $0x3;
	v5 =	vimm.f32 $0.0e+00;
	v7 =	vld.idx.msk [tilespmem:v7+s25+$0x0], $0xffff  }
.LBB2_25:
0x45d: {  	p1 =	sne.s32 s29, $0xC7;
	v11 =	vshll.u32 v10, $0x3  }
0x45e: {  	v10 =	vand.u32 $0x7F, v10;
	v11 =	vand.u32 $0x400, v11  }
0x45f: {  	v10 =	vor.u32 v11, v10  }
0x460: {  	vm0 =	veq.s32 v8, $0x1;
	v11 =	vor.u32 v4, v10  }
.Ltmp31:
0x461: {  	v6 =	vsel vm0, $0x0, v6;
	v10 =	vsel vm0, $0x0, v1;
	(pc) =	sbr.rel @p1 .LBB2_25-.Ltmp31, $3  }
0x462: {  	v5 =	vadd.f32 v6, v5;
	v9 =	vadd.f32 v10, v9;
	v8 =	vmov v7;
	_ =	sdelay $0x1  }
0x463: {  	v6 =	vld.idx.msk [tilespmem:v7+s1+$0x0], $0xffff  }
0x464: {  	v10 =	vmov s29;
	s29 =	sadd.s32 $0x1, s29;
	v7 =	vld.idx.msk [tilespmem:v11+s25+$0x0], $0xffff  }
0x465: {  	v11 =	vshll.u32 v10, $0x3  }
0x466: {  	v10 =	vand.u32 $0x7F, v10;
	v11 =	vand.u32 $0x400, v11  }
0x467: {  	v10 =	vor.u32 v11, v10  }
0x468: {  	v10 =	vor.u32 v4, v10;
	_ =	sdelay $0x4  }
0x469: {  	v10 =	vld.idx.msk [tilespmem:v10+s25+$0x0], $0xffff  }
0x46a: {  	vm0 =	veq.s32 v8, $0x1  }
0x46b: {  	v8 =	vsel vm0, $0x0, v1  }
0x46c: {  	v8 =	vadd.f32 v8, v9;
	vm1 =	veq.s32 v7, $0x1  }
0x46d: {  	v9 =	vsel vm1, $0x0, v1  }
0x46e: {  	v8 =	vadd.f32 v9, v8;
	vm2 =	veq.s32 v10, $0x1  }
0x46f: {  	v9 =	vsel vm2, $0x0, v1  }
0x470: {  	v8 =	vadd.f32 v9, v8;
	_ =	sdelay $0x1  }
0x471: {  	v7 =	vld.idx.msk [tilespmem:v7+s1+$0x0], $0xffff;
	(erf) = vrcp.f32 v8  }
0x472: {  	v8 =	vld.idx.msk [tilespmem:v10+s1+$0x0], $0xffff;
	_ =	sdelay $0x1  }
0x473: {  	v6 =	vsel vm0, $0x0, v6  }
0x474: {  	v5 =	vadd.f32 v6, v5  }
0x475: {  	v6 =	vsel vm1, $0x0, v7  }
0x476: {  	v5 =	vadd.f32 v6, v5;
	v6 =	vsel vm2, $0x0, v8;
	_ =	sdelay $0x1  }
0x477: {  	v5 =	vadd.f32 v6, v5  }
0x478: {  	v6 =	vpop (erf)  }
0x479: {  	v5 =	vmul.f32 v6, v5  }
0x47a: {  	s29 =	simm.s32 $0x0  }
0x47b: {  	[tilespmem:$0x1C730] =	vst v5;
	v5 =	vmov s29  }
0x47c: {  	[hbm4b:s10+s29] =	stream.linear.scatter [tilespmem:s26], [sflag:$0x1], $0x40, $0x38;
	v6 =	vshll.u32 v5, $0x3;
	[tilespmem:$0x1C780] =	vst v63  }
0x47d: {  	v5 =	vand.u32 $0x7F, v5;
	_ =	swait.ge [sflag:s24], $0x40;
	v6 =	vand.u32 $0x400, v6  }
0x47e: {  	[sflag:s24] =	ssyncset.done $0x0;
	v5 =	vor.u32 v6, v5  }
0x47f: {  	[sflag:s24] =	ssyncadd.s32 $0xFFFFFFC0;
	v5 =	vor.u32 v0, v5  }
0x480: {  	[tilespmem:s25], [sflag:$0x1] =	stream.linear.gather [hbm4b:s11+s29], $0x4000, $0x38;
	[tilespmem:$0x1C780] =	vst v63  }
0x481: {  	_ =	swait.ge [sflag:s24], $0x4000  }
0x482: {  	[sflag:s24] =	ssyncset.done $0x0  }
0x483: {  	s29 =	simm.s32 $0x1;
	[sflag:s24] =	ssyncadd.s32 $0xFFFFC000  }
0x484: {  	v6 =	vmov s29;
	v8 =	vld.idx.msk [tilespmem:v5+s25+$0x0], $0xffff  }
0x485: {  	v5 =	vshll.u32 v6, $0x3  }
0x486: {  	v6 =	vand.u32 $0x7F, v6;
	v5 =	vand.u32 $0x400, v5  }
0x487: {  	v5 =	vor.u32 v5, v6  }
0x488: {  	v7 =	vor.u32 v0, v5;
	_ =	sdelay $0x3  }
0x489: {  	s29 =	simm.s32 $0x2;
	v6 =	vld.idx.msk [tilespmem:v8+s1+$0x0], $0xffff  }
0x48a: {  	v9 =	vimm.f32 $0.0e+00;
	v10 =	vmov s29;
	s29 =	simm.s32 $0x3;
	v5 =	vimm.f32 $0.0e+00;
	v7 =	vld.idx.msk [tilespmem:v7+s25+$0x0], $0xffff  }
.LBB2_27:
0x48b: {  	p1 =	sne.s32 s29, $0xC7;
	v11 =	vshll.u32 v10, $0x3  }
0x48c: {  	v10 =	vand.u32 $0x7F, v10;
	v11 =	vand.u32 $0x400, v11  }
0x48d: {  	v10 =	vor.u32 v11, v10  }
0x48e: {  	vm0 =	veq.s32 v8, $0x1;
	v11 =	vor.u32 v0, v10  }
.Ltmp32:
0x48f: {  	v6 =	vsel vm0, $0x0, v6;
	v10 =	vsel vm0, $0x0, v1;
	(pc) =	sbr.rel @p1 .LBB2_27-.Ltmp32, $3  }
0x490: {  	v5 =	vadd.f32 v6, v5;
	v9 =	vadd.f32 v10, v9;
	v8 =	vmov v7;
	_ =	sdelay $0x1  }
0x491: {  	v6 =	vld.idx.msk [tilespmem:v7+s1+$0x0], $0xffff  }
0x492: {  	v10 =	vmov s29;
	s29 =	sadd.s32 $0x1, s29;
	v7 =	vld.idx.msk [tilespmem:v11+s25+$0x0], $0xffff  }
0x493: {  	v11 =	vshll.u32 v10, $0x3  }
0x494: {  	v10 =	vand.u32 $0x7F, v10;
	v11 =	vand.u32 $0x400, v11  }
0x495: {  	v10 =	vor.u32 v11, v10  }
0x496: {  	v10 =	vor.u32 v0, v10;
	_ =	sdelay $0x4  }
0x497: {  	v10 =	vld.idx.msk [tilespmem:v10+s25+$0x0], $0xffff  }
0x498: {  	vm0 =	veq.s32 v8, $0x1  }
0x499: {  	v8 =	vsel vm0, $0x0, v1  }
0x49a: {  	v8 =	vadd.f32 v8, v9;
	vm1 =	veq.s32 v7, $0x1  }
0x49b: {  	v9 =	vsel vm1, $0x0, v1  }
0x49c: {  	v8 =	vadd.f32 v9, v8;
	vm2 =	veq.s32 v10, $0x1  }
0x49d: {  	v9 =	vsel vm2, $0x0, v1  }
0x49e: {  	v8 =	vadd.f32 v9, v8;
	_ =	sdelay $0x1  }
0x49f: {  	v7 =	vld.idx.msk [tilespmem:v7+s1+$0x0], $0xffff;
	(erf) = vrcp.f32 v8;
	_ =	sdelay $0x1  }
0x4a0: {  	v8 =	vld.idx.msk [tilespmem:v10+s1+$0x0], $0xffff  }
0x4a1: {  	s29 =	simm.s32 $0x0;
	v6 =	vsel vm0, $0x0, v6  }
0x4a2: {  	v5 =	vadd.f32 v6, v5;
	v6 =	vmov s29  }
0x4a3: {  	v7 =	vsel vm1, $0x0, v7;
	v9 =	vshll.u32 v6, $0x3  }
0x4a4: {  	v5 =	vadd.f32 v7, v5;
	v6 =	vand.u32 $0x7F, v6;
	v7 =	vand.u32 $0x400, v9  }
0x4a5: {  	v6 =	vor.u32 v7, v6;
	v8 =	vsel vm2, $0x0, v8  }
0x4a6: {  	v6 =	vor.u32 v2, v6;
	v5 =	vadd.f32 v8, v5  }
0x4a7: {  	v7 =	vpop (erf)  }
0x4a8: {  	v5 =	vmul.f32 v7, v5;
	_ =	sdelay $0x1  }
0x4a9: {  	s29 =	simm.s32 $0x1;
	[tilespmem:$0x1C700] =	vst v5  }
0x4aa: {  	v5 =	vmov s29;
	v8 =	vld.idx.msk [tilespmem:v6+s25+$0x0], $0xffff  }
0x4ab: {  	v6 =	vshll.u32 v5, $0x3  }
0x4ac: {  	v5 =	vand.u32 $0x7F, v5;
	v6 =	vand.u32 $0x400, v6  }
0x4ad: {  	v5 =	vor.u32 v6, v5  }
0x4ae: {  	v7 =	vor.u32 v2, v5;
	_ =	sdelay $0x3  }
0x4af: {  	s29 =	simm.s32 $0x2;
	v6 =	vld.idx.msk [tilespmem:v8+s1+$0x0], $0xffff  }
0x4b0: {  	v9 =	vimm.f32 $0.0e+00;
	v10 =	vmov s29;
	s29 =	simm.s32 $0x3;
	v5 =	vimm.f32 $0.0e+00;
	v7 =	vld.idx.msk [tilespmem:v7+s25+$0x0], $0xffff  }
.LBB2_29:
0x4b1: {  	p1 =	sne.s32 s29, $0xC7;
	v11 =	vshll.u32 v10, $0x3  }
0x4b2: {  	v10 =	vand.u32 $0x7F, v10;
	v11 =	vand.u32 $0x400, v11  }
0x4b3: {  	v10 =	vor.u32 v11, v10  }
0x4b4: {  	vm0 =	veq.s32 v8, $0x1;
	v11 =	vor.u32 v2, v10  }
.Ltmp33:
0x4b5: {  	v6 =	vsel vm0, $0x0, v6;
	v10 =	vsel vm0, $0x0, v1;
	(pc) =	sbr.rel @p1 .LBB2_29-.Ltmp33, $3  }
0x4b6: {  	v5 =	vadd.f32 v6, v5;
	v9 =	vadd.f32 v10, v9;
	v8 =	vmov v7;
	_ =	sdelay $0x1  }
0x4b7: {  	v6 =	vld.idx.msk [tilespmem:v7+s1+$0x0], $0xffff  }
0x4b8: {  	v10 =	vmov s29;
	s29 =	sadd.s32 $0x1, s29;
	v7 =	vld.idx.msk [tilespmem:v11+s25+$0x0], $0xffff  }
0x4b9: {  	v11 =	vshll.u32 v10, $0x3  }
0x4ba: {  	v10 =	vand.u32 $0x7F, v10;
	v11 =	vand.u32 $0x400, v11  }
0x4bb: {  	v10 =	vor.u32 v11, v10  }
0x4bc: {  	v10 =	vor.u32 v2, v10;
	_ =	sdelay $0x4  }
0x4bd: {  	v10 =	vld.idx.msk [tilespmem:v10+s25+$0x0], $0xffff  }
0x4be: {  	vm0 =	veq.s32 v8, $0x1  }
0x4bf: {  	v8 =	vsel vm0, $0x0, v1  }
0x4c0: {  	v8 =	vadd.f32 v8, v9;
	vm1 =	veq.s32 v7, $0x1  }
0x4c1: {  	v9 =	vsel vm1, $0x0, v1  }
0x4c2: {  	v8 =	vadd.f32 v9, v8;
	vm2 =	veq.s32 v10, $0x1  }
0x4c3: {  	v9 =	vsel vm2, $0x0, v1  }
0x4c4: {  	v8 =	vadd.f32 v9, v8;
	_ =	sdelay $0x1  }
0x4c5: {  	v7 =	vld.idx.msk [tilespmem:v7+s1+$0x0], $0xffff;
	(erf) = vrcp.f32 v8;
	_ =	sdelay $0x1  }
0x4c6: {  	v8 =	vld.idx.msk [tilespmem:v10+s1+$0x0], $0xffff  }
0x4c7: {  	s29 =	simm.s32 $0x0;
	v6 =	vsel vm0, $0x0, v6  }
0x4c8: {  	v5 =	vadd.f32 v6, v5;
	v6 =	vmov s29  }
0x4c9: {  	v7 =	vsel vm1, $0x0, v7;
	v9 =	vshll.u32 v6, $0x3  }
0x4ca: {  	v5 =	vadd.f32 v7, v5;
	v6 =	vand.u32 $0x7F, v6;
	v7 =	vand.u32 $0x400, v9  }
0x4cb: {  	v6 =	vor.u32 v7, v6;
	v8 =	vsel vm2, $0x0, v8  }
0x4cc: {  	v6 =	vor.u32 v3, v6;
	v5 =	vadd.f32 v8, v5  }
0x4cd: {  	v7 =	vpop (erf)  }
0x4ce: {  	v5 =	vmul.f32 v7, v5;
	_ =	sdelay $0x1  }
0x4cf: {  	s29 =	simm.s32 $0x1;
	[tilespmem:$0x1C710] =	vst v5  }
0x4d0: {  	v5 =	vmov s29;
	v8 =	vld.idx.msk [tilespmem:v6+s25+$0x0], $0xffff  }
0x4d1: {  	v6 =	vshll.u32 v5, $0x3  }
0x4d2: {  	v5 =	vand.u32 $0x7F, v5;
	v6 =	vand.u32 $0x400, v6  }
0x4d3: {  	v5 =	vor.u32 v6, v5  }
0x4d4: {  	v7 =	vor.u32 v3, v5;
	_ =	sdelay $0x3  }
0x4d5: {  	s29 =	simm.s32 $0x2;
	v6 =	vld.idx.msk [tilespmem:v8+s1+$0x0], $0xffff  }
0x4d6: {  	v9 =	vimm.f32 $0.0e+00;
	v10 =	vmov s29;
	s29 =	simm.s32 $0x3;
	v5 =	vimm.f32 $0.0e+00;
	v7 =	vld.idx.msk [tilespmem:v7+s25+$0x0], $0xffff  }
.LBB2_31:
0x4d7: {  	p1 =	sne.s32 s29, $0xC7;
	v11 =	vshll.u32 v10, $0x3  }
0x4d8: {  	v10 =	vand.u32 $0x7F, v10;
	v11 =	vand.u32 $0x400, v11  }
0x4d9: {  	v10 =	vor.u32 v11, v10  }
0x4da: {  	vm0 =	veq.s32 v8, $0x1;
	v11 =	vor.u32 v3, v10  }
.Ltmp34:
0x4db: {  	v6 =	vsel vm0, $0x0, v6;
	v10 =	vsel vm0, $0x0, v1;
	(pc) =	sbr.rel @p1 .LBB2_31-.Ltmp34, $3  }
0x4dc: {  	v5 =	vadd.f32 v6, v5;
	v9 =	vadd.f32 v10, v9;
	v8 =	vmov v7;
	_ =	sdelay $0x1  }
0x4dd: {  	v6 =	vld.idx.msk [tilespmem:v7+s1+$0x0], $0xffff  }
0x4de: {  	v10 =	vmov s29;
	s29 =	sadd.s32 $0x1, s29;
	v7 =	vld.idx.msk [tilespmem:v11+s25+$0x0], $0xffff  }
0x4df: {  	v11 =	vshll.u32 v10, $0x3  }
0x4e0: {  	v10 =	vand.u32 $0x7F, v10;
	v11 =	vand.u32 $0x400, v11  }
0x4e1: {  	v10 =	vor.u32 v11, v10  }
0x4e2: {  	v10 =	vor.u32 v3, v10;
	_ =	sdelay $0x4  }
0x4e3: {  	v10 =	vld.idx.msk [tilespmem:v10+s25+$0x0], $0xffff  }
0x4e4: {  	vm0 =	veq.s32 v8, $0x1  }
0x4e5: {  	v8 =	vsel vm0, $0x0, v1  }
0x4e6: {  	v8 =	vadd.f32 v8, v9;
	vm1 =	veq.s32 v7, $0x1  }
0x4e7: {  	v9 =	vsel vm1, $0x0, v1  }
0x4e8: {  	v8 =	vadd.f32 v9, v8;
	vm2 =	veq.s32 v10, $0x1  }
0x4e9: {  	v9 =	vsel vm2, $0x0, v1  }
0x4ea: {  	v8 =	vadd.f32 v9, v8;
	_ =	sdelay $0x1  }
0x4eb: {  	v7 =	vld.idx.msk [tilespmem:v7+s1+$0x0], $0xffff;
	(erf) = vrcp.f32 v8;
	_ =	sdelay $0x1  }
0x4ec: {  	v8 =	vld.idx.msk [tilespmem:v10+s1+$0x0], $0xffff  }
0x4ed: {  	s29 =	simm.s32 $0x0;
	v6 =	vsel vm0, $0x0, v6  }
0x4ee: {  	v5 =	vadd.f32 v6, v5;
	v6 =	vmov s29  }
0x4ef: {  	v7 =	vsel vm1, $0x0, v7;
	v9 =	vshll.u32 v6, $0x3  }
0x4f0: {  	v5 =	vadd.f32 v7, v5;
	v6 =	vand.u32 $0x7F, v6;
	v7 =	vand.u32 $0x400, v9  }
0x4f1: {  	v6 =	vor.u32 v7, v6;
	v8 =	vsel vm2, $0x0, v8  }
0x4f2: {  	v6 =	vor.u32 v4, v6;
	v5 =	vadd.f32 v8, v5  }
0x4f3: {  	v7 =	vpop (erf)  }
0x4f4: {  	v5 =	vmul.f32 v7, v5;
	_ =	sdelay $0x1  }
0x4f5: {  	s29 =	simm.s32 $0x1;
	[tilespmem:$0x1C720] =	vst v5  }
0x4f6: {  	v5 =	vmov s29;
	v6 =	vld.idx.msk [tilespmem:v6+s25+$0x0], $0xffff  }
0x4f7: {  	v7 =	vshll.u32 v5, $0x3  }
0x4f8: {  	v5 =	vand.u32 $0x7F, v5;
	v7 =	vand.u32 $0x400, v7  }
0x4f9: {  	v5 =	vor.u32 v7, v5  }
0x4fa: {  	v7 =	vor.u32 v4, v5;
	_ =	sdelay $0x3  }
0x4fb: {  	s29 =	simm.s32 $0x2;
	v9 =	vld.idx.msk [tilespmem:v6+s1+$0x0], $0xffff  }
0x4fc: {  	v10 =	vmov s29;
	s29 =	simm.s32 $0x3;
	v5 =	vimm.f32 $0.0e+00;
	v8 =	vld.idx.msk [tilespmem:v7+s25+$0x0], $0xffff;
	v7 =	vimm.f32 $0.0e+00  }
.LBB2_33:
0x4fd: {  	p1 =	seq.s32 s29, $0xC7;
	v11 =	vshll.u32 v10, $0x3  }
0x4fe: {  	v10 =	vand.u32 $0x7F, v10;
	v11 =	vand.u32 $0x400, v11  }
0x4ff: {  	v10 =	vor.u32 v11, v10  }
0x500: {  	vm0 =	veq.s32 v6, $0x1;
	v11 =	vor.u32 v4, v10  }
.Ltmp35:
0x501: {  	v10 =	vsel vm0, $0x0, v9;
	v9 =	vsel vm0, $0x0, v1;
	(pc) =	sbr.rel @!p1 .LBB2_33-.Ltmp35, $3  }
0x502: {  	v5 =	vadd.f32 v10, v5;
	v7 =	vadd.f32 v9, v7;
	v6 =	vmov v8;
	_ =	sdelay $0x1  }
0x503: {  	v9 =	vld.idx.msk [tilespmem:v8+s1+$0x0], $0xffff  }
0x504: {  	v10 =	vmov s29;
	s29 =	sadd.s32 $0x1, s29;
	v8 =	vld.idx.msk [tilespmem:v11+s25+$0x0], $0xffff  }
0x505: {  	v11 =	vshll.u32 v10, $0x3  }
0x506: {  	v61 =	vand.u32 $0x7F, v10;
	v11 =	vand.u32 $0x400, v11  }
0x507: {  	v10 =	vor.u32 v11, v61  }
0x508: {  	v10 =	vor.u32 v4, v10;
	_ =	sdelay $0x4  }
0x509: {  	v10 =	vld.idx.msk [tilespmem:v10+s25+$0x0], $0xffff;
	_ =	sdelay $0x5  }
0x50a: {  	v62 =	vld.idx.msk [tilespmem:v8+s1+$0x0], $0xffff;
	_ =	sdelay $0x1  }
0x50b: {  	vm0 =	veq.s32 v6, $0x1;
	v6 =	vld.idx.msk [tilespmem:v10+s1+$0x0], $0xffff  }
0x50c: {  	v12 =	vsel vm0, $0x0, v1;
	v9 =	vsel vm0, $0x0, v9  }
.Ltmp36:
0x50d: {  	v7 =	vadd.f32 v12, v7;
	v5 =	vadd.f32 v9, v5;
	vm14 =	veq.s32 v8, $0x1;
	(pc) =	sbr.rel .LBB2_68-.Ltmp36, $4  }
0x50e: {  	v63 =	vsel vm14, $0x0, v1;
	v8 =	vsel vm14, $0x0, v62  }
0x50f: {  	v7 =	vadd.f32 v63, v7;
	v5 =	vadd.f32 v8, v5;
	vm15 =	veq.s32 v10, $0x1  }
0x510: {  	v8 =	vsel vm15, $0x0, v1;
	v6 =	vsel vm15, $0x0, v6  }
0x511: {  	s29 =	smov.u32 s13;
	v5 =	vadd.f32 v6, v5;
	v6 =	vadd.f32 v8, v7  }
.LBB2_69:
0x512: {  	_ =	sfence.sel $0x180000  }
0x513: {  	[bflag:$0x0] =	sbarrier.arrive $0xFFFF  }
0x514: {  	p0 =	sne.s32 s2, $0x0;
	_ =	strace $0x90000047  }
0x515: {  	s0 =	sadd.s32 @!p0 $0x100000, s0;
	[bflag:$0x2] =	sbarrier.arrive $0xFFFF  }
0x516: {  	[sflag:s0] =	ssyncadd.tile.s32 @!p0 $0x1;
	_ =	shalt  }
.Lfunc_end2:
_tile_overlayer_lowered:
.L_overlay_start_2:
0x517: {  	(tag) =	ssettag $0x2  }
0x518: {  	s0 =	rddreg [dreg:$0x0];
	s2 =	stileid.u32  }
0x519: {  	s1 =	rddreg [dreg:$0x1];
	p0 =	sne.s32 s2, $0x0  }
0x51a: {  	s3 =	rddreg [dreg:$0x2];
	[bflag:$0x3] =	sbarrier.arrive $0xFFFF;
	s2 =	simm.s32 @!p0 $0x1C01  }
0x51b: {  	[timem:s3], [sflag:s2] =	dma.local @!p0 [hbm:s0], s1  }
0x51c: {  	s0 =	simm.s32 @!p0 $0x1  }
0x51d: {  	_ =	swait.ge @!p0 [sflag:s0], s1  }
0x51e: {  	s1 =	ssub.s32 @!p0 $0x0, s1;
	[sflag:s0] =	ssyncset.done @!p0 $0x0  }
0x51f: {  	[sflag:s0] =	ssyncadd.s32 @!p0 s1  }
0x520: {  	[bflag:$0x3] =	sbarrier.arrive $0xFFFF  }
0x521: {  	_ =	shalt  }

</sc_bundles>
